<compile_context>
chip_gen: v7x
topology: tpu7x:2x2x1
jax: 0.10.2.dev20260603
libtpu: 0.0.44.dev20260713+nightly
codegen_flags: <defaults>
</compile_context>

<pallas_src>
import jax
import jax.numpy as jnp
from jax import lax
from jax.experimental import pallas as pl
from jax.experimental.pallas import tpu as pltpu
from jax.experimental.pallas import tpu_sc as plsc

N = 10000
D = 128
E = 320000
EPS = 1e-5

NC = 2
NS = 16
NW = NC * NS
CHUNK = 64
EPT = 10240
NCHUNK = EPT // CHUNK
EPAD = NW * EPT
NPAD = 10240
ROWS_PT = NPAD // NS

RBLK = 1024
NBLK = NPAD // RBLK


def _sc_body(x_hbm, ei_hbm, parts_hbm, degp_hbm,
             ei0, ei1, r0_v, r1_v, r2_v, r3_v, deg_v, acc_sh,
             sg0, sg1, sg2, sg3, ss0, ss1, ss2, ss3, sem_i0, sem_i1):
    c = lax.axis_index("c")
    s = lax.axis_index("s")
    wid = c * NS + s
    cbase = wid * NCHUNK

    zero16 = jnp.zeros((16,), jnp.float32)
    ones16 = jnp.ones((16,), jnp.float32)

    def _zdeg(i, carry):
        deg_v[pl.ds(i * 16, 16)] = zero16
        return carry
    lax.fori_loop(0, NPAD // 16, _zdeg, 0)

    def _zrows(i, carry):
        for j in range(D // 16):
            r0_v[i, pl.ds(j * 16, 16)] = zero16
        return carry
    lax.fori_loop(0, CHUNK, _zrows, 0)

    for k in range(ROWS_PT // CHUNK):
        pltpu.sync_copy(r0_v, acc_sh.at[pl.ds(s * ROWS_PT + k * CHUNK, CHUNK)])
    plsc.subcore_barrier()

    def _deg_update(ei, j):
        for k in range(CHUNK // 16):
            idx = ei[1, j, pl.ds(k * 16, 16)]
            plsc.addupdate_scatter(deg_v, [idx], ones16)

    rows = [r0_v, r1_v, r2_v, r3_v]
    sg = [sg0, sg1, sg2, sg3]
    ss = [ss0, ss1, ss2, ss3]

    pltpu.sync_copy(ei_hbm.at[:, pl.ds(cbase, 4)], ei0)
    pltpu.async_copy(ei_hbm.at[:, pl.ds(cbase + 4, 4)], ei1, sem_i1)
    pltpu.async_copy(x_hbm.at[ei0.at[0, 0]], rows[0], sg[0])
    pltpu.async_copy(x_hbm.at[ei0.at[0, 1]], rows[1], sg[1])

    def _gather(ei, j, b):
        pltpu.async_copy(x_hbm.at[ei.at[0, j]], rows[b], sg[b])

    def _wait_gather(ei, j, b):
        pltpu.make_async_copy(x_hbm.at[ei.at[0, j]], rows[b], sg[b]).wait()

    def _scatter(ei, j, b):
        pltpu.async_copy(rows[b], acc_sh.at[ei.at[1, j]], ss[b], add=True)

    def _wait_scatter(ei, j, b):
        pltpu.make_async_copy(rows[b], acc_sh.at[ei.at[1, j]], ss[b]).wait()

    def _half(u, ei_cur, ei_nxt, sem_nxt, refetch_nxt_at, nxt_base, first, last):
        _gather(ei_cur, 2, 2)
        _wait_gather(ei_cur, 0, 0)
        if first:
            @pl.when(u > 0)
            def _():
                _wait_scatter(ei_nxt, 3, 3)
                pltpu.async_copy(ei_hbm.at[:, pl.ds(refetch_nxt_at, 4)],
                                 ei_nxt, sem_nxt)
        else:
            _wait_scatter(ei_nxt, 3, 3)

            @pl.when(u < NCHUNK // 8 - 1)
            def _():
                pltpu.async_copy(ei_hbm.at[:, pl.ds(refetch_nxt_at, 4)],
                                 ei_nxt, sem_nxt)
        _scatter(ei_cur, 0, 0)
        _deg_update(ei_cur, 0)
        _gather(ei_cur, 3, 3)
        _wait_gather(ei_cur, 1, 1)
        _wait_scatter(ei_cur, 0, 0)
        _scatter(ei_cur, 1, 1)
        _deg_update(ei_cur, 1)
        if last:
            @pl.when(u < NCHUNK // 8 - 1)
            def _():
                pltpu.make_async_copy(ei_hbm.at[:, pl.ds(nxt_base, 4)],
                                      ei_nxt, sem_nxt).wait()
                _gather(ei_nxt, 0, 0)
        else:
            pltpu.make_async_copy(ei_hbm.at[:, pl.ds(nxt_base, 4)],
                                  ei_nxt, sem_nxt).wait()
            _gather(ei_nxt, 0, 0)
        _wait_gather(ei_cur, 2, 2)
        _wait_scatter(ei_cur, 1, 1)
        _scatter(ei_cur, 2, 2)
        _deg_update(ei_cur, 2)
        if last:
            @pl.when(u < NCHUNK // 8 - 1)
            def _():
                _gather(ei_nxt, 1, 1)
        else:
            _gather(ei_nxt, 1, 1)
        _wait_gather(ei_cur, 3, 3)
        _wait_scatter(ei_cur, 2, 2)
        _scatter(ei_cur, 3, 3)
        _deg_update(ei_cur, 3)

    def _superquad(u, carry):
        q0 = cbase + 8 * u
        _half(u, ei0, ei1, sem_i1, q0 + 4, q0 + 4, True, False)
        _half(u, ei1, ei0, sem_i0, q0 + 8, q0 + 8, False, True)
        return carry
    lax.fori_loop(0, NCHUNK // 8, _superquad, 0)
    pltpu.make_async_copy(rows[3], acc_sh.at[ei1.at[1, 3]], ss[3]).wait()

    plsc.subcore_barrier()

    for k in range(ROWS_PT // CHUNK):
        rr = s * ROWS_PT + k * CHUNK
        pltpu.sync_copy(acc_sh.at[pl.ds(rr, CHUNK)], r0_v)
        pltpu.sync_copy(r0_v, parts_hbm.at[c].at[pl.ds(rr, CHUNK)])
    pltpu.sync_copy(deg_v, degp_hbm.at[wid])


def _sc_gather_scatter(x, ei_p):
    mesh = plsc.VectorSubcoreMesh(core_axis_name="c", subcore_axis_name="s")
    return pl.kernel(
        _sc_body,
        mesh=mesh,
        out_type=[
            jax.ShapeDtypeStruct((NC, NPAD, D), jnp.float32),
            jax.ShapeDtypeStruct((NW, NPAD), jnp.float32),
        ],
        scratch_types=[
            pltpu.VMEM((2, 4, CHUNK), jnp.int32),
            pltpu.VMEM((2, 4, CHUNK), jnp.int32),
            pltpu.VMEM((CHUNK, D), jnp.float32),
            pltpu.VMEM((CHUNK, D), jnp.float32),
            pltpu.VMEM((CHUNK, D), jnp.float32),
            pltpu.VMEM((CHUNK, D), jnp.float32),
            pltpu.VMEM((NPAD,), jnp.float32),
            pltpu.VMEM_SHARED((NPAD, D), jnp.float32),
            pltpu.SemaphoreType.DMA,
            pltpu.SemaphoreType.DMA,
            pltpu.SemaphoreType.DMA,
            pltpu.SemaphoreType.DMA,
            pltpu.SemaphoreType.DMA,
            pltpu.SemaphoreType.DMA,
            pltpu.SemaphoreType.DMA,
            pltpu.SemaphoreType.DMA,
            pltpu.SemaphoreType.DMA,
            pltpu.SemaphoreType.DMA,
        ],
        compiler_params=pltpu.CompilerParams(needs_layout_passes=False),
    )(x, ei_p)


def _compute_hm(parts_ref, degp_ref, x_ref, w_ref, p_ref):
    deg = jnp.sum(degp_ref[...], axis=0)
    summed = parts_ref[0] + parts_ref[1]
    agg = summed / jnp.maximum(deg, 1.0)[:, None]
    return (jnp.dot(agg, w_ref[0], preferred_element_type=jnp.float32)
            + jnp.dot(x_ref[...], w_ref[1], preferred_element_type=jnp.float32)
            + p_ref[0, :][None, :])


def _compute_hs(x_ref, w_ref, p_ref):
    return (jnp.dot(x_ref[...], w_ref[2], preferred_element_type=jnp.float32)
            + p_ref[1, :][None, :])


def _valid_mask(i):
    row = i * RBLK + lax.broadcasted_iota(jnp.int32, (RBLK, 1), 0)
    return row < N


def _tc_skip_stats_body(x_ref, w_ref, p_ref, stats_ref):
    i = pl.program_id(0)

    @pl.when(i == 0)
    def _():
        stats_ref[...] = jnp.zeros_like(stats_ref)
    hs = jnp.where(_valid_mask(i), _compute_hs(x_ref, w_ref, p_ref), 0.0)
    stats_ref[0, :] += jnp.sum(hs, axis=0)
    stats_ref[1, :] += jnp.sum(hs * hs, axis=0)


def _tc_main_stats_body(parts_ref, degp_ref, x_ref, w_ref, p_ref, stats_ref):
    i = pl.program_id(0)

    @pl.when(i == 0)
    def _():
        stats_ref[...] = jnp.zeros_like(stats_ref)
    hm = jnp.where(_valid_mask(i),
                   _compute_hm(parts_ref, degp_ref, x_ref, w_ref, p_ref), 0.0)
    stats_ref[0, :] += jnp.sum(hm, axis=0)
    stats_ref[1, :] += jnp.sum(hm * hm, axis=0)


def _tc_final_body(parts_ref, degp_ref, x_ref, w_ref, p_ref,
                   mstats_ref, sstats_ref, out_ref):
    hm = _compute_hm(parts_ref, degp_ref, x_ref, w_ref, p_ref)
    hs = _compute_hs(x_ref, w_ref, p_ref)
    ninv = 1.0 / N
    a_m = p_ref[4, :]
    a_s = p_ref[7, :]
    mu_m = mstats_ref[0, :] * ninv
    var_m = mstats_ref[1, :] * ninv - mu_m * mu_m * (2.0 * a_m - a_m * a_m)
    mu_s = sstats_ref[0, :] * ninv
    var_s = sstats_ref[1, :] * ninv - mu_s * mu_s * (2.0 * a_s - a_s * a_s)
    scale_m = p_ref[2, :] * lax.rsqrt(var_m + EPS)
    scale_s = p_ref[5, :] * lax.rsqrt(var_s + EPS)
    ym = (hm - (a_m * mu_m)[None, :]) * scale_m[None, :] + p_ref[3, :][None, :]
    ys = (hs - (a_s * mu_s)[None, :]) * scale_s[None, :] + p_ref[6, :][None, :]
    z = ym + ys
    out_ref[...] = jnp.where(z > 0, z, jnp.exp(z) - 1.0)


_TC_IN_SPECS = [
    pl.BlockSpec((NC, RBLK, D), lambda i: (0, i, 0)),
    pl.BlockSpec((NW, RBLK), lambda i: (0, i)),
    pl.BlockSpec((RBLK, D), lambda i: (i, 0)),
    pl.BlockSpec((3, D, D), lambda i: (0, 0, 0)),
    pl.BlockSpec((8, D), lambda i: (0, 0)),
]
_STATS_SPEC = pl.BlockSpec((2, D), lambda i: (0, 0))


def _tc_fuse(parts, degp, x, wstack, pvec, interpret=False):
    sstats = pl.pallas_call(
        _tc_skip_stats_body,
        grid=(NBLK,),
        in_specs=_TC_IN_SPECS[2:],
        out_specs=_STATS_SPEC,
        out_shape=jax.ShapeDtypeStruct((2, D), jnp.float32),
        interpret=interpret,
    )(x, wstack, pvec)
    mstats = pl.pallas_call(
        _tc_main_stats_body,
        grid=(NBLK,),
        in_specs=_TC_IN_SPECS,
        out_specs=_STATS_SPEC,
        out_shape=jax.ShapeDtypeStruct((2, D), jnp.float32),
        interpret=interpret,
    )(parts, degp, x, wstack, pvec)
    return pl.pallas_call(
        _tc_final_body,
        grid=(NBLK,),
        in_specs=_TC_IN_SPECS + [_STATS_SPEC, _STATS_SPEC],
        out_specs=pl.BlockSpec((RBLK, D), lambda i: (i, 0)),
        out_shape=jax.ShapeDtypeStruct((NPAD, D), jnp.float32),
        interpret=interpret,
    )(parts, degp, x, wstack, pvec, mstats, sstats)


def kernel(x, edge_index, batch, Wl, bl, Wr, Wskip, bskip,
           bn_weight, bn_bias, bn_alpha, sk_weight, sk_bias, sk_alpha):
    pad = EPAD - E
    pad_blk = jnp.stack([jnp.zeros((pad,), jnp.int32),
                         jnp.full((pad,), N, jnp.int32)])
    ei_p = jnp.concatenate([edge_index, pad_blk], axis=1)
    ei_p = ei_p.reshape(2, EPAD // CHUNK, CHUNK)

    parts, degp = _sc_gather_scatter(x, ei_p)

    x_p = jnp.concatenate([x, jnp.zeros((NPAD - N, D), jnp.float32)])
    wstack = jnp.stack([Wl.T, Wr.T, Wskip.T])
    pvec = jnp.stack([bl, bskip, bn_weight, bn_bias, bn_alpha,
                      sk_weight, sk_bias, sk_alpha])
    return _tc_fuse(parts, degp, x_p, wstack, pvec)[:N]

# --- scband reference (transcript-rebuilt; emitter-appended) ---
"""Pipeline reference for scband-residual-block-59906203845002 (READ-ONLY COPY).

The authoritative reference and input builder live on the scoring server;
editing this copy changes nothing except your own understanding.
"""

import jax, jax.numpy as jnp
import numpy as np

N = 10000
E = 320000
D = 128
EPS = 1e-5


def setup_inputs(seed: int = 0) -> dict:
    key = jax.random.key(seed)
    ks = jax.random.split(key, 8)
    x = jax.random.normal(ks[0], (N, D), dtype=jnp.float32)
    edge_index = jax.random.randint(ks[1], (2, E), 0, N, dtype=jnp.int32)
    batch = jnp.zeros((N,), dtype=jnp.int32)
    s = 1.0 / np.sqrt(D)
    # SAGEConv params: lin_l (applied to aggregated neighbors, with bias), lin_r (root, no bias)
    Wl = jax.random.normal(ks[2], (D, D), dtype=jnp.float32) * s
    bl = jnp.zeros((D,), dtype=jnp.float32)
    Wr = jax.random.normal(ks[3], (D, D), dtype=jnp.float32) * s
    # skip Linear
    Wskip = jax.random.normal(ks[4], (D, D), dtype=jnp.float32) * s
    bskip = jnp.zeros((D,), dtype=jnp.float32)
    # GraphNorm params for main branch and skip branch
    bn_weight = jnp.ones((D,), dtype=jnp.float32)
    bn_bias = jnp.zeros((D,), dtype=jnp.float32)
    bn_alpha = jnp.ones((D,), dtype=jnp.float32)
    sk_weight = jnp.ones((D,), dtype=jnp.float32)
    sk_bias = jnp.zeros((D,), dtype=jnp.float32)
    sk_alpha = jnp.ones((D,), dtype=jnp.float32)
    return {
        'x': x, 'edge_index': edge_index, 'batch': batch,
        'Wl': Wl, 'bl': bl, 'Wr': Wr,
        'Wskip': Wskip, 'bskip': bskip,
        'bn_weight': bn_weight, 'bn_bias': bn_bias, 'bn_alpha': bn_alpha,
        'sk_weight': sk_weight, 'sk_bias': sk_bias, 'sk_alpha': sk_alpha,
    }


def _graph_norm(h, batch, weight, bias, alpha, num_graphs=1):
    ones = jnp.ones((h.shape[0],), dtype=h.dtype)
    cnt = jax.ops.segment_sum(ones, batch, num_segments=num_graphs)
    cnt = jnp.clip(cnt, 1.0)
    mean = jax.ops.segment_sum(h, batch, num_segments=num_graphs) / cnt[:, None]
    out = h - alpha * mean[batch]
    var = jax.ops.segment_sum(out * out, batch, num_segments=num_graphs) / cnt[:, None]
    std = jnp.sqrt(var + EPS)
    return out / std[batch] * weight + bias


def _sage_conv(x, edge_index, Wl, bl, Wr):
    src = edge_index[0]
    dst = edge_index[1]
    msgs = x[src]                                    # gather (memory bound)
    summed = jax.ops.segment_sum(msgs, dst, num_segments=N)   # scatter-add
    deg = jax.ops.segment_sum(jnp.ones((E,), dtype=x.dtype), dst, num_segments=N)
    agg = summed / jnp.clip(deg, 1.0)[:, None]       # mean aggregation
    return agg @ Wl.T + bl + x @ Wr.T


def reference(x, edge_index, batch, Wl, bl, Wr, Wskip, bskip,
              bn_weight, bn_bias, bn_alpha, sk_weight, sk_bias, sk_alpha):
    x_main = _sage_conv(x, edge_index, Wl, bl, Wr)
    x_main = _graph_norm(x_main, batch, bn_weight, bn_bias, bn_alpha)
    x_skip = x @ Wskip.T + bskip
    x_skip = _graph_norm(x_skip, batch, sk_weight, sk_bias, sk_alpha)
    return jax.nn.elu(x_main + x_skip)

if __name__ == "__main__":
    import jax
    _d = setup_inputs()
    print(jax.jit(kernel)(*tuple(_d.values())))

</pallas_src>

<mosaic_0001>
#map = affine_map<(d0, d1) -> (0, 0)>
#map1 = affine_map<(d0, d1) -> (0, 0, 0)>
module attributes {stable_mosaic.version = 14 : i64} {
  func.func @_sc_body(%arg0: i32, %arg1: i32, %arg2: memref<10000x128xf32, #tpu.memory_space<hbm>>, %arg3: memref<2x5120x64xi32, #tpu.memory_space<hbm>>, %arg4: memref<2x10240x128xf32, #tpu.memory_space<hbm>>, %arg5: memref<32x10240xf32, #tpu.memory_space<hbm>>, %arg6: memref<2x4x64xi32, #tpu.memory_space<vmem>>, %arg7: memref<2x4x64xi32, #tpu.memory_space<vmem>>, %arg8: memref<64x128xf32, #tpu.memory_space<vmem>>, %arg9: memref<64x128xf32, #tpu.memory_space<vmem>>, %arg10: memref<64x128xf32, #tpu.memory_space<vmem>>, %arg11: memref<64x128xf32, #tpu.memory_space<vmem>>, %arg12: memref<10240xf32, #tpu.memory_space<vmem>>, %arg13: memref<10240x128xf32, #tpu.memory_space<vmem_shared>>, %arg14: memref<!tpu.dma_semaphore, #tpu.memory_space<semaphore_mem>>, %arg15: memref<!tpu.dma_semaphore, #tpu.memory_space<semaphore_mem>>, %arg16: memref<!tpu.dma_semaphore, #tpu.memory_space<semaphore_mem>>, %arg17: memref<!tpu.dma_semaphore, #tpu.memory_space<semaphore_mem>>, %arg18: memref<!tpu.dma_semaphore, #tpu.memory_space<semaphore_mem>>, %arg19: memref<!tpu.dma_semaphore, #tpu.memory_space<semaphore_mem>>, %arg20: memref<!tpu.dma_semaphore, #tpu.memory_space<semaphore_mem>>, %arg21: memref<!tpu.dma_semaphore, #tpu.memory_space<semaphore_mem>>, %arg22: memref<!tpu.dma_semaphore, #tpu.memory_space<semaphore_mem>>, %arg23: memref<!tpu.dma_semaphore, #tpu.memory_space<semaphore_mem>>) attributes {dimension_semantics = [#tpu.dimension_semantics<core_parallel>, #tpu.dimension_semantics<subcore_parallel>], iteration_bounds = array<i64: 2, 16>, scalar_prefetch = 0 : i64, scratch_operands = 18 : i64, tpu.core_type = #tpu.core_type<sc_vector_subcore>, window_params = [{transform_indices = #map}, {transform_indices = #map1}, {transform_indices = #map1}, {transform_indices = #map}]} {
    %mul3A = arith.constant 16 : i32
    %mul3A_0 = arith.muli %arg0, %mul3A : i32
    %add3A = arith.addi %mul3A_0, %arg1 : i32
    %mul3A_1 = arith.constant 160 : i32
    %mul3A_2 = arith.muli %add3A, %mul3A_1 : i32
    %broadcast_in_dim3A = arith.constant 0.000000e+00 : f32
    %broadcast_in_dim3A_3 = vector.broadcast %broadcast_in_dim3A : f32 to vector<16xf32>
    %broadcast_in_dim3A_4 = arith.constant 1.000000e+00 : f32
    %broadcast_in_dim3A_5 = vector.broadcast %broadcast_in_dim3A_4 : f32 to vector<16xf32>
    %scan3A = arith.constant 0 : i32
    %scan3A_6 = arith.constant 0 : i32
    %scan3A_7 = arith.constant 640 : i32
    %scan3A_8 = arith.addi %scan3A_6, %scan3A_7 : i32
    %scan3A_9 = arith.constant 1 : i32
    scf.for %scan3A_134 = %scan3A_6 to %scan3A_8 step %scan3A_9  : i32 {
      %mul3A_135 = arith.constant 16 : i32
      %mul3A_136 = arith.muli %scan3A_134, %mul3A_135 : i32
      %swap3A = arith.index_cast %mul3A_136 : i32 to index
      %swap3A_137 = tpu.vector_load %arg12[%swap3A] {strides = array<i32>} : memref<10240xf32, #tpu.memory_space<vmem>>, vector<16xf32>,
      tpu.vector_store %arg12[%swap3A], %broadcast_in_dim3A_3 {strides = array<i32>} : memref<10240xf32, #tpu.memory_space<vmem>>, vector<16xf32>,
    }
    %scan3A_10 = arith.constant 640 : i32
    %scan3A_11 = arith.constant 0 : i32
    %scan3A_12 = arith.constant 0 : i32
    %scan3A_13 = arith.constant 64 : i32
    %scan3A_14 = arith.addi %scan3A_12, %scan3A_13 : i32
    %scan3A_15 = arith.constant 1 : i32
    scf.for %scan3A_134 = %scan3A_12 to %scan3A_14 step %scan3A_15  : i32 {
      %swap3A = arith.index_cast %scan3A_134 : i32 to index
      %swap3A_135 = arith.constant 0 : index
      %swap3A_136 = tpu.vector_load %arg8[%swap3A, %swap3A_135] {strides = array<i32>} : memref<64x128xf32, #tpu.memory_space<vmem>>, vector<16xf32>,
      tpu.vector_store %arg8[%swap3A, %swap3A_135], %broadcast_in_dim3A_3 {strides = array<i32>} : memref<64x128xf32, #tpu.memory_space<vmem>>, vector<16xf32>,
      %swap3A_137 = arith.index_cast %scan3A_134 : i32 to index
      %swap3A_138 = arith.constant 16 : index
      %swap3A_139 = tpu.vector_load %arg8[%swap3A_137, %swap3A_138] {strides = array<i32>} : memref<64x128xf32, #tpu.memory_space<vmem>>, vector<16xf32>,
      tpu.vector_store %arg8[%swap3A_137, %swap3A_138], %broadcast_in_dim3A_3 {strides = array<i32>} : memref<64x128xf32, #tpu.memory_space<vmem>>, vector<16xf32>,
      %swap3A_140 = arith.index_cast %scan3A_134 : i32 to index
      %swap3A_141 = arith.constant 32 : index
      %swap3A_142 = tpu.vector_load %arg8[%swap3A_140, %swap3A_141] {strides = array<i32>} : memref<64x128xf32, #tpu.memory_space<vmem>>, vector<16xf32>,
      tpu.vector_store %arg8[%swap3A_140, %swap3A_141], %broadcast_in_dim3A_3 {strides = array<i32>} : memref<64x128xf32, #tpu.memory_space<vmem>>, vector<16xf32>,
      %swap3A_143 = arith.index_cast %scan3A_134 : i32 to index
      %swap3A_144 = arith.constant 48 : index
      %swap3A_145 = tpu.vector_load %arg8[%swap3A_143, %swap3A_144] {strides = array<i32>} : memref<64x128xf32, #tpu.memory_space<vmem>>, vector<16xf32>,
      tpu.vector_store %arg8[%swap3A_143, %swap3A_144], %broadcast_in_dim3A_3 {strides = array<i32>} : memref<64x128xf32, #tpu.memory_space<vmem>>, vector<16xf32>,
      %swap3A_146 = arith.index_cast %scan3A_134 : i32 to index
      %swap3A_147 = arith.constant 64 : index
      %swap3A_148 = tpu.vector_load %arg8[%swap3A_146, %swap3A_147] {strides = array<i32>} : memref<64x128xf32, #tpu.memory_space<vmem>>, vector<16xf32>,
      tpu.vector_store %arg8[%swap3A_146, %swap3A_147], %broadcast_in_dim3A_3 {strides = array<i32>} : memref<64x128xf32, #tpu.memory_space<vmem>>, vector<16xf32>,
      %swap3A_149 = arith.index_cast %scan3A_134 : i32 to index
      %swap3A_150 = arith.constant 80 : index
      %swap3A_151 = tpu.vector_load %arg8[%swap3A_149, %swap3A_150] {strides = array<i32>} : memref<64x128xf32, #tpu.memory_space<vmem>>, vector<16xf32>,
      tpu.vector_store %arg8[%swap3A_149, %swap3A_150], %broadcast_in_dim3A_3 {strides = array<i32>} : memref<64x128xf32, #tpu.memory_space<vmem>>, vector<16xf32>,
      %swap3A_152 = arith.index_cast %scan3A_134 : i32 to index
      %swap3A_153 = arith.constant 96 : index
      %swap3A_154 = tpu.vector_load %arg8[%swap3A_152, %swap3A_153] {strides = array<i32>} : memref<64x128xf32, #tpu.memory_space<vmem>>, vector<16xf32>,
      tpu.vector_store %arg8[%swap3A_152, %swap3A_153], %broadcast_in_dim3A_3 {strides = array<i32>} : memref<64x128xf32, #tpu.memory_space<vmem>>, vector<16xf32>,
      %swap3A_155 = arith.index_cast %scan3A_134 : i32 to index
      %swap3A_156 = arith.constant 112 : index
      %swap3A_157 = tpu.vector_load %arg8[%swap3A_155, %swap3A_156] {strides = array<i32>} : memref<64x128xf32, #tpu.memory_space<vmem>>, vector<16xf32>,
      tpu.vector_store %arg8[%swap3A_155, %swap3A_156], %broadcast_in_dim3A_3 {strides = array<i32>} : memref<64x128xf32, #tpu.memory_space<vmem>>, vector<16xf32>,
    }
    %scan3A_16 = arith.constant 64 : i32
    %mul3A_17 = arith.constant 640 : i32
    %mul3A_18 = arith.muli %arg1, %mul3A_17 : i32
    %add3A_19 = arith.constant 0 : i32
    %add3A_20 = arith.addi %mul3A_18, %add3A_19 : i32
    "tpu.region"() ({
      %run_scoped3A = tpu.sem_alloc : memref<!tpu.dma_semaphore, #tpu.memory_space<semaphore_mem>>
      %dma_start3A_134 = arith.constant 0 : i32
      %dma_start3A_135 = tpu.memref_slice %arg13[%add3A_20, %dma_start3A_134] : memref<10240x128xf32, #tpu.memory_space<vmem_shared>> -> memref<64x128xf32, #tpu.memory_space<vmem_shared>>
      %dma_start3A_136 = arith.constant 0 : i32
      %dma_start3A_137 = tpu.memref_slice %arg13[%add3A_20, %dma_start3A_136] : memref<10240x128xf32, #tpu.memory_space<vmem_shared>> -> memref<64x128xf32, #tpu.memory_space<vmem_shared>>
      tpu.enqueue_dma source(%arg8 : memref<64x128xf32, #tpu.memory_space<vmem>>) target(%dma_start3A_137 : memref<64x128xf32, #tpu.memory_space<vmem_shared>>) target_semaphore(%run_scoped3A : memref<!tpu.dma_semaphore, #tpu.memory_space<semaphore_mem>>)
      %dma_wait3A_138 = arith.constant 0 : i32
      %dma_wait3A_139 = tpu.memref_slice %arg13[%add3A_20, %dma_wait3A_138] : memref<10240x128xf32, #tpu.memory_space<vmem_shared>> -> memref<64x128xf32, #tpu.memory_space<vmem_shared>>
      %dma_wait3A_140 = arith.constant 0 : i32
      %dma_wait3A_141 = tpu.memref_slice %arg13[%add3A_20, %dma_wait3A_140] : memref<10240x128xf32, #tpu.memory_space<vmem_shared>> -> memref<64x128xf32, #tpu.memory_space<vmem_shared>>
      tpu.wait_dma2 semaphore(%run_scoped3A : memref<!tpu.dma_semaphore, #tpu.memory_space<semaphore_mem>>) src(%arg8 : memref<64x128xf32, #tpu.memory_space<vmem>>) dst(%dma_wait3A_141 : memref<64x128xf32, #tpu.memory_space<vmem_shared>>)
      tpu.yield
    }) : () -> ()
    %mul3A_21 = arith.constant 640 : i32
    %mul3A_22 = arith.muli %arg1, %mul3A_21 : i32
    %add3A_23 = arith.constant 64 : i32
    %add3A_24 = arith.addi %mul3A_22, %add3A_23 : i32
    "tpu.region"() ({
      %run_scoped3A = tpu.sem_alloc : memref<!tpu.dma_semaphore, #tpu.memory_space<semaphore_mem>>
      %dma_start3A_134 = arith.constant 0 : i32
      %dma_start3A_135 = tpu.memref_slice %arg13[%add3A_24, %dma_start3A_134] : memref<10240x128xf32, #tpu.memory_space<vmem_shared>> -> memref<64x128xf32, #tpu.memory_space<vmem_shared>>
      %dma_start3A_136 = arith.constant 0 : i32
      %dma_start3A_137 = tpu.memref_slice %arg13[%add3A_24, %dma_start3A_136] : memref<10240x128xf32, #tpu.memory_space<vmem_shared>> -> memref<64x128xf32, #tpu.memory_space<vmem_shared>>
      tpu.enqueue_dma source(%arg8 : memref<64x128xf32, #tpu.memory_space<vmem>>) target(%dma_start3A_137 : memref<64x128xf32, #tpu.memory_space<vmem_shared>>) target_semaphore(%run_scoped3A : memref<!tpu.dma_semaphore, #tpu.memory_space<semaphore_mem>>)
      %dma_wait3A_138 = arith.constant 0 : i32
      %dma_wait3A_139 = tpu.memref_slice %arg13[%add3A_24, %dma_wait3A_138] : memref<10240x128xf32, #tpu.memory_space<vmem_shared>> -> memref<64x128xf32, #tpu.memory_space<vmem_shared>>
      %dma_wait3A_140 = arith.constant 0 : i32
      %dma_wait3A_141 = tpu.memref_slice %arg13[%add3A_24, %dma_wait3A_140] : memref<10240x128xf32, #tpu.memory_space<vmem_shared>> -> memref<64x128xf32, #tpu.memory_space<vmem_shared>>
      tpu.wait_dma2 semaphore(%run_scoped3A : memref<!tpu.dma_semaphore, #tpu.memory_space<semaphore_mem>>) src(%arg8 : memref<64x128xf32, #tpu.memory_space<vmem>>) dst(%dma_wait3A_141 : memref<64x128xf32, #tpu.memory_space<vmem_shared>>)
      tpu.yield
    }) : () -> ()
    %mul3A_25 = arith.constant 640 : i32
    %mul3A_26 = arith.muli %arg1, %mul3A_25 : i32
    %add3A_27 = arith.constant 128 : i32
    %add3A_28 = arith.addi %mul3A_26, %add3A_27 : i32
    "tpu.region"() ({
      %run_scoped3A = tpu.sem_alloc : memref<!tpu.dma_semaphore, #tpu.memory_space<semaphore_mem>>
      %dma_start3A_134 = arith.constant 0 : i32
      %dma_start3A_135 = tpu.memref_slice %arg13[%add3A_28, %dma_start3A_134] : memref<10240x128xf32, #tpu.memory_space<vmem_shared>> -> memref<64x128xf32, #tpu.memory_space<vmem_shared>>
      %dma_start3A_136 = arith.constant 0 : i32
      %dma_start3A_137 = tpu.memref_slice %arg13[%add3A_28, %dma_start3A_136] : memref<10240x128xf32, #tpu.memory_space<vmem_shared>> -> memref<64x128xf32, #tpu.memory_space<vmem_shared>>
      tpu.enqueue_dma source(%arg8 : memref<64x128xf32, #tpu.memory_space<vmem>>) target(%dma_start3A_137 : memref<64x128xf32, #tpu.memory_space<vmem_shared>>) target_semaphore(%run_scoped3A : memref<!tpu.dma_semaphore, #tpu.memory_space<semaphore_mem>>)
      %dma_wait3A_138 = arith.constant 0 : i32
      %dma_wait3A_139 = tpu.memref_slice %arg13[%add3A_28, %dma_wait3A_138] : memref<10240x128xf32, #tpu.memory_space<vmem_shared>> -> memref<64x128xf32, #tpu.memory_space<vmem_shared>>
      %dma_wait3A_140 = arith.constant 0 : i32
      %dma_wait3A_141 = tpu.memref_slice %arg13[%add3A_28, %dma_wait3A_140] : memref<10240x128xf32, #tpu.memory_space<vmem_shared>> -> memref<64x128xf32, #tpu.memory_space<vmem_shared>>
      tpu.wait_dma2 semaphore(%run_scoped3A : memref<!tpu.dma_semaphore, #tpu.memory_space<semaphore_mem>>) src(%arg8 : memref<64x128xf32, #tpu.memory_space<vmem>>) dst(%dma_wait3A_141 : memref<64x128xf32, #tpu.memory_space<vmem_shared>>)
      tpu.yield
    }) : () -> ()
    %mul3A_29 = arith.constant 640 : i32
    %mul3A_30 = arith.muli %arg1, %mul3A_29 : i32
    %add3A_31 = arith.constant 192 : i32
    %add3A_32 = arith.addi %mul3A_30, %add3A_31 : i32
    "tpu.region"() ({
      %run_scoped3A = tpu.sem_alloc : memref<!tpu.dma_semaphore, #tpu.memory_space<semaphore_mem>>
      %dma_start3A_134 = arith.constant 0 : i32
      %dma_start3A_135 = tpu.memref_slice %arg13[%add3A_32, %dma_start3A_134] : memref<10240x128xf32, #tpu.memory_space<vmem_shared>> -> memref<64x128xf32, #tpu.memory_space<vmem_shared>>
      %dma_start3A_136 = arith.constant 0 : i32
      %dma_start3A_137 = tpu.memref_slice %arg13[%add3A_32, %dma_start3A_136] : memref<10240x128xf32, #tpu.memory_space<vmem_shared>> -> memref<64x128xf32, #tpu.memory_space<vmem_shared>>
      tpu.enqueue_dma source(%arg8 : memref<64x128xf32, #tpu.memory_space<vmem>>) target(%dma_start3A_137 : memref<64x128xf32, #tpu.memory_space<vmem_shared>>) target_semaphore(%run_scoped3A : memref<!tpu.dma_semaphore, #tpu.memory_space<semaphore_mem>>)
      %dma_wait3A_138 = arith.constant 0 : i32
      %dma_wait3A_139 = tpu.memref_slice %arg13[%add3A_32, %dma_wait3A_138] : memref<10240x128xf32, #tpu.memory_space<vmem_shared>> -> memref<64x128xf32, #tpu.memory_space<vmem_shared>>
      %dma_wait3A_140 = arith.constant 0 : i32
      %dma_wait3A_141 = tpu.memref_slice %arg13[%add3A_32, %dma_wait3A_140] : memref<10240x128xf32, #tpu.memory_space<vmem_shared>> -> memref<64x128xf32, #tpu.memory_space<vmem_shared>>
      tpu.wait_dma2 semaphore(%run_scoped3A : memref<!tpu.dma_semaphore, #tpu.memory_space<semaphore_mem>>) src(%arg8 : memref<64x128xf32, #tpu.memory_space<vmem>>) dst(%dma_wait3A_141 : memref<64x128xf32, #tpu.memory_space<vmem_shared>>)
      tpu.yield
    }) : () -> ()
    %mul3A_33 = arith.constant 640 : i32
    %mul3A_34 = arith.muli %arg1, %mul3A_33 : i32
    %add3A_35 = arith.constant 256 : i32
    %add3A_36 = arith.addi %mul3A_34, %add3A_35 : i32
    "tpu.region"() ({
      %run_scoped3A = tpu.sem_alloc : memref<!tpu.dma_semaphore, #tpu.memory_space<semaphore_mem>>
      %dma_start3A_134 = arith.constant 0 : i32
      %dma_start3A_135 = tpu.memref_slice %arg13[%add3A_36, %dma_start3A_134] : memref<10240x128xf32, #tpu.memory_space<vmem_shared>> -> memref<64x128xf32, #tpu.memory_space<vmem_shared>>
      %dma_start3A_136 = arith.constant 0 : i32
      %dma_start3A_137 = tpu.memref_slice %arg13[%add3A_36, %dma_start3A_136] : memref<10240x128xf32, #tpu.memory_space<vmem_shared>> -> memref<64x128xf32, #tpu.memory_space<vmem_shared>>
      tpu.enqueue_dma source(%arg8 : memref<64x128xf32, #tpu.memory_space<vmem>>) target(%dma_start3A_137 : memref<64x128xf32, #tpu.memory_space<vmem_shared>>) target_semaphore(%run_scoped3A : memref<!tpu.dma_semaphore, #tpu.memory_space<semaphore_mem>>)
      %dma_wait3A_138 = arith.constant 0 : i32
      %dma_wait3A_139 = tpu.memref_slice %arg13[%add3A_36, %dma_wait3A_138] : memref<10240x128xf32, #tpu.memory_space<vmem_shared>> -> memref<64x128xf32, #tpu.memory_space<vmem_shared>>
      %dma_wait3A_140 = arith.constant 0 : i32
      %dma_wait3A_141 = tpu.memref_slice %arg13[%add3A_36, %dma_wait3A_140] : memref<10240x128xf32, #tpu.memory_space<vmem_shared>> -> memref<64x128xf32, #tpu.memory_space<vmem_shared>>
      tpu.wait_dma2 semaphore(%run_scoped3A : memref<!tpu.dma_semaphore, #tpu.memory_space<semaphore_mem>>) src(%arg8 : memref<64x128xf32, #tpu.memory_space<vmem>>) dst(%dma_wait3A_141 : memref<64x128xf32, #tpu.memory_space<vmem_shared>>)
      tpu.yield
    }) : () -> ()
    %mul3A_37 = arith.constant 640 : i32
    %mul3A_38 = arith.muli %arg1, %mul3A_37 : i32
    %add3A_39 = arith.constant 320 : i32
    %add3A_40 = arith.addi %mul3A_38, %add3A_39 : i32
    "tpu.region"() ({
      %run_scoped3A = tpu.sem_alloc : memref<!tpu.dma_semaphore, #tpu.memory_space<semaphore_mem>>
      %dma_start3A_134 = arith.constant 0 : i32
      %dma_start3A_135 = tpu.memref_slice %arg13[%add3A_40, %dma_start3A_134] : memref<10240x128xf32, #tpu.memory_space<vmem_shared>> -> memref<64x128xf32, #tpu.memory_space<vmem_shared>>
      %dma_start3A_136 = arith.constant 0 : i32
      %dma_start3A_137 = tpu.memref_slice %arg13[%add3A_40, %dma_start3A_136] : memref<10240x128xf32, #tpu.memory_space<vmem_shared>> -> memref<64x128xf32, #tpu.memory_space<vmem_shared>>
      tpu.enqueue_dma source(%arg8 : memref<64x128xf32, #tpu.memory_space<vmem>>) target(%dma_start3A_137 : memref<64x128xf32, #tpu.memory_space<vmem_shared>>) target_semaphore(%run_scoped3A : memref<!tpu.dma_semaphore, #tpu.memory_space<semaphore_mem>>)
      %dma_wait3A_138 = arith.constant 0 : i32
      %dma_wait3A_139 = tpu.memref_slice %arg13[%add3A_40, %dma_wait3A_138] : memref<10240x128xf32, #tpu.memory_space<vmem_shared>> -> memref<64x128xf32, #tpu.memory_space<vmem_shared>>
      %dma_wait3A_140 = arith.constant 0 : i32
      %dma_wait3A_141 = tpu.memref_slice %arg13[%add3A_40, %dma_wait3A_140] : memref<10240x128xf32, #tpu.memory_space<vmem_shared>> -> memref<64x128xf32, #tpu.memory_space<vmem_shared>>
      tpu.wait_dma2 semaphore(%run_scoped3A : memref<!tpu.dma_semaphore, #tpu.memory_space<semaphore_mem>>) src(%arg8 : memref<64x128xf32, #tpu.memory_space<vmem>>) dst(%dma_wait3A_141 : memref<64x128xf32, #tpu.memory_space<vmem_shared>>)
      tpu.yield
    }) : () -> ()
    %mul3A_41 = arith.constant 640 : i32
    %mul3A_42 = arith.muli %arg1, %mul3A_41 : i32
    %add3A_43 = arith.constant 384 : i32
    %add3A_44 = arith.addi %mul3A_42, %add3A_43 : i32
    "tpu.region"() ({
      %run_scoped3A = tpu.sem_alloc : memref<!tpu.dma_semaphore, #tpu.memory_space<semaphore_mem>>
      %dma_start3A_134 = arith.constant 0 : i32
      %dma_start3A_135 = tpu.memref_slice %arg13[%add3A_44, %dma_start3A_134] : memref<10240x128xf32, #tpu.memory_space<vmem_shared>> -> memref<64x128xf32, #tpu.memory_space<vmem_shared>>
      %dma_start3A_136 = arith.constant 0 : i32
      %dma_start3A_137 = tpu.memref_slice %arg13[%add3A_44, %dma_start3A_136] : memref<10240x128xf32, #tpu.memory_space<vmem_shared>> -> memref<64x128xf32, #tpu.memory_space<vmem_shared>>
      tpu.enqueue_dma source(%arg8 : memref<64x128xf32, #tpu.memory_space<vmem>>) target(%dma_start3A_137 : memref<64x128xf32, #tpu.memory_space<vmem_shared>>) target_semaphore(%run_scoped3A : memref<!tpu.dma_semaphore, #tpu.memory_space<semaphore_mem>>)
      %dma_wait3A_138 = arith.constant 0 : i32
      %dma_wait3A_139 = tpu.memref_slice %arg13[%add3A_44, %dma_wait3A_138] : memref<10240x128xf32, #tpu.memory_space<vmem_shared>> -> memref<64x128xf32, #tpu.memory_space<vmem_shared>>
      %dma_wait3A_140 = arith.constant 0 : i32
      %dma_wait3A_141 = tpu.memref_slice %arg13[%add3A_44, %dma_wait3A_140] : memref<10240x128xf32, #tpu.memory_space<vmem_shared>> -> memref<64x128xf32, #tpu.memory_space<vmem_shared>>
      tpu.wait_dma2 semaphore(%run_scoped3A : memref<!tpu.dma_semaphore, #tpu.memory_space<semaphore_mem>>) src(%arg8 : memref<64x128xf32, #tpu.memory_space<vmem>>) dst(%dma_wait3A_141 : memref<64x128xf32, #tpu.memory_space<vmem_shared>>)
      tpu.yield
    }) : () -> ()
    %mul3A_45 = arith.constant 640 : i32
    %mul3A_46 = arith.muli %arg1, %mul3A_45 : i32
    %add3A_47 = arith.constant 448 : i32
    %add3A_48 = arith.addi %mul3A_46, %add3A_47 : i32
    "tpu.region"() ({
      %run_scoped3A = tpu.sem_alloc : memref<!tpu.dma_semaphore, #tpu.memory_space<semaphore_mem>>
      %dma_start3A_134 = arith.constant 0 : i32
      %dma_start3A_135 = tpu.memref_slice %arg13[%add3A_48, %dma_start3A_134] : memref<10240x128xf32, #tpu.memory_space<vmem_shared>> -> memref<64x128xf32, #tpu.memory_space<vmem_shared>>
      %dma_start3A_136 = arith.constant 0 : i32
      %dma_start3A_137 = tpu.memref_slice %arg13[%add3A_48, %dma_start3A_136] : memref<10240x128xf32, #tpu.memory_space<vmem_shared>> -> memref<64x128xf32, #tpu.memory_space<vmem_shared>>
      tpu.enqueue_dma source(%arg8 : memref<64x128xf32, #tpu.memory_space<vmem>>) target(%dma_start3A_137 : memref<64x128xf32, #tpu.memory_space<vmem_shared>>) target_semaphore(%run_scoped3A : memref<!tpu.dma_semaphore, #tpu.memory_space<semaphore_mem>>)
      %dma_wait3A_138 = arith.constant 0 : i32
      %dma_wait3A_139 = tpu.memref_slice %arg13[%add3A_48, %dma_wait3A_138] : memref<10240x128xf32, #tpu.memory_space<vmem_shared>> -> memref<64x128xf32, #tpu.memory_space<vmem_shared>>
      %dma_wait3A_140 = arith.constant 0 : i32
      %dma_wait3A_141 = tpu.memref_slice %arg13[%add3A_48, %dma_wait3A_140] : memref<10240x128xf32, #tpu.memory_space<vmem_shared>> -> memref<64x128xf32, #tpu.memory_space<vmem_shared>>
      tpu.wait_dma2 semaphore(%run_scoped3A : memref<!tpu.dma_semaphore, #tpu.memory_space<semaphore_mem>>) src(%arg8 : memref<64x128xf32, #tpu.memory_space<vmem>>) dst(%dma_wait3A_141 : memref<64x128xf32, #tpu.memory_space<vmem_shared>>)
      tpu.yield
    }) : () -> ()
    %mul3A_49 = arith.constant 640 : i32
    %mul3A_50 = arith.muli %arg1, %mul3A_49 : i32
    %add3A_51 = arith.constant 512 : i32
    %add3A_52 = arith.addi %mul3A_50, %add3A_51 : i32
    "tpu.region"() ({
      %run_scoped3A = tpu.sem_alloc : memref<!tpu.dma_semaphore, #tpu.memory_space<semaphore_mem>>
      %dma_start3A_134 = arith.constant 0 : i32
      %dma_start3A_135 = tpu.memref_slice %arg13[%add3A_52, %dma_start3A_134] : memref<10240x128xf32, #tpu.memory_space<vmem_shared>> -> memref<64x128xf32, #tpu.memory_space<vmem_shared>>
      %dma_start3A_136 = arith.constant 0 : i32
      %dma_start3A_137 = tpu.memref_slice %arg13[%add3A_52, %dma_start3A_136] : memref<10240x128xf32, #tpu.memory_space<vmem_shared>> -> memref<64x128xf32, #tpu.memory_space<vmem_shared>>
      tpu.enqueue_dma source(%arg8 : memref<64x128xf32, #tpu.memory_space<vmem>>) target(%dma_start3A_137 : memref<64x128xf32, #tpu.memory_space<vmem_shared>>) target_semaphore(%run_scoped3A : memref<!tpu.dma_semaphore, #tpu.memory_space<semaphore_mem>>)
      %dma_wait3A_138 = arith.constant 0 : i32
      %dma_wait3A_139 = tpu.memref_slice %arg13[%add3A_52, %dma_wait3A_138] : memref<10240x128xf32, #tpu.memory_space<vmem_shared>> -> memref<64x128xf32, #tpu.memory_space<vmem_shared>>
      %dma_wait3A_140 = arith.constant 0 : i32
      %dma_wait3A_141 = tpu.memref_slice %arg13[%add3A_52, %dma_wait3A_140] : memref<10240x128xf32, #tpu.memory_space<vmem_shared>> -> memref<64x128xf32, #tpu.memory_space<vmem_shared>>
      tpu.wait_dma2 semaphore(%run_scoped3A : memref<!tpu.dma_semaphore, #tpu.memory_space<semaphore_mem>>) src(%arg8 : memref<64x128xf32, #tpu.memory_space<vmem>>) dst(%dma_wait3A_141 : memref<64x128xf32, #tpu.memory_space<vmem_shared>>)
      tpu.yield
    }) : () -> ()
    %mul3A_53 = arith.constant 640 : i32
    %mul3A_54 = arith.muli %arg1, %mul3A_53 : i32
    %add3A_55 = arith.constant 576 : i32
    %add3A_56 = arith.addi %mul3A_54, %add3A_55 : i32
    "tpu.region"() ({
      %run_scoped3A = tpu.sem_alloc : memref<!tpu.dma_semaphore, #tpu.memory_space<semaphore_mem>>
      %dma_start3A_134 = arith.constant 0 : i32
      %dma_start3A_135 = tpu.memref_slice %arg13[%add3A_56, %dma_start3A_134] : memref<10240x128xf32, #tpu.memory_space<vmem_shared>> -> memref<64x128xf32, #tpu.memory_space<vmem_shared>>
      %dma_start3A_136 = arith.constant 0 : i32
      %dma_start3A_137 = tpu.memref_slice %arg13[%add3A_56, %dma_start3A_136] : memref<10240x128xf32, #tpu.memory_space<vmem_shared>> -> memref<64x128xf32, #tpu.memory_space<vmem_shared>>
      tpu.enqueue_dma source(%arg8 : memref<64x128xf32, #tpu.memory_space<vmem>>) target(%dma_start3A_137 : memref<64x128xf32, #tpu.memory_space<vmem_shared>>) target_semaphore(%run_scoped3A : memref<!tpu.dma_semaphore, #tpu.memory_space<semaphore_mem>>)
      %dma_wait3A_138 = arith.constant 0 : i32
      %dma_wait3A_139 = tpu.memref_slice %arg13[%add3A_56, %dma_wait3A_138] : memref<10240x128xf32, #tpu.memory_space<vmem_shared>> -> memref<64x128xf32, #tpu.memory_space<vmem_shared>>
      %dma_wait3A_140 = arith.constant 0 : i32
      %dma_wait3A_141 = tpu.memref_slice %arg13[%add3A_56, %dma_wait3A_140] : memref<10240x128xf32, #tpu.memory_space<vmem_shared>> -> memref<64x128xf32, #tpu.memory_space<vmem_shared>>
      tpu.wait_dma2 semaphore(%run_scoped3A : memref<!tpu.dma_semaphore, #tpu.memory_space<semaphore_mem>>) src(%arg8 : memref<64x128xf32, #tpu.memory_space<vmem>>) dst(%dma_wait3A_141 : memref<64x128xf32, #tpu.memory_space<vmem_shared>>)
      tpu.yield
    }) : () -> ()
    %barrier3A = arith.constant 0 : index
    tpu.barrier barrier_id(%barrier3A)
    "tpu.region"() ({
      %run_scoped3A = tpu.sem_alloc : memref<!tpu.dma_semaphore, #tpu.memory_space<semaphore_mem>>
      %dma_start3A_134 = arith.constant 0 : i32
      %dma_start3A_135 = arith.constant 0 : i32
      %dma_start3A_136 = tpu.memref_slice %arg3[%dma_start3A_134, %mul3A_2, %dma_start3A_135] : memref<2x5120x64xi32, #tpu.memory_space<hbm>> -> memref<2x4x64xi32, #tpu.memory_space<hbm>>
      %dma_start3A_137 = arith.constant 0 : i32
      %dma_start3A_138 = arith.constant 0 : i32
      %dma_start3A_139 = tpu.memref_slice %arg3[%dma_start3A_137, %mul3A_2, %dma_start3A_138] : memref<2x5120x64xi32, #tpu.memory_space<hbm>> -> memref<2x4x64xi32, #tpu.memory_space<hbm>>
      tpu.enqueue_dma source(%dma_start3A_139 : memref<2x4x64xi32, #tpu.memory_space<hbm>>) target(%arg6 : memref<2x4x64xi32, #tpu.memory_space<vmem>>) target_semaphore(%run_scoped3A : memref<!tpu.dma_semaphore, #tpu.memory_space<semaphore_mem>>)
      %dma_wait3A_140 = arith.constant 0 : i32
      %dma_wait3A_141 = arith.constant 0 : i32
      %dma_wait3A_142 = tpu.memref_slice %arg3[%dma_wait3A_140, %mul3A_2, %dma_wait3A_141] : memref<2x5120x64xi32, #tpu.memory_space<hbm>> -> memref<2x4x64xi32, #tpu.memory_space<hbm>>
      %dma_wait3A_143 = arith.constant 0 : i32
      %dma_wait3A_144 = arith.constant 0 : i32
      %dma_wait3A_145 = tpu.memref_slice %arg3[%dma_wait3A_143, %mul3A_2, %dma_wait3A_144] : memref<2x5120x64xi32, #tpu.memory_space<hbm>> -> memref<2x4x64xi32, #tpu.memory_space<hbm>>
      tpu.wait_dma2 semaphore(%run_scoped3A : memref<!tpu.dma_semaphore, #tpu.memory_space<semaphore_mem>>) src(%dma_wait3A_145 : memref<2x4x64xi32, #tpu.memory_space<hbm>>) dst(%arg6 : memref<2x4x64xi32, #tpu.memory_space<vmem>>)
      tpu.yield
    }) : () -> ()
    %add3A_57 = arith.constant 4 : i32
    %add3A_58 = arith.addi %mul3A_2, %add3A_57 : i32
    %dma_start3A = arith.constant 0 : i32
    %dma_start3A_59 = arith.constant 0 : i32
    %dma_start3A_60 = tpu.memref_slice %arg3[%dma_start3A, %add3A_58, %dma_start3A_59] : memref<2x5120x64xi32, #tpu.memory_space<hbm>> -> memref<2x4x64xi32, #tpu.memory_space<hbm>>
    %dma_start3A_61 = arith.constant 0 : i32
    %dma_start3A_62 = arith.constant 0 : i32
    %dma_start3A_63 = tpu.memref_slice %arg3[%dma_start3A_61, %add3A_58, %dma_start3A_62] : memref<2x5120x64xi32, #tpu.memory_space<hbm>> -> memref<2x4x64xi32, #tpu.memory_space<hbm>>
    tpu.enqueue_dma source(%dma_start3A_63 : memref<2x4x64xi32, #tpu.memory_space<hbm>>) target(%arg7 : memref<2x4x64xi32, #tpu.memory_space<vmem>>) target_semaphore(%arg23 : memref<!tpu.dma_semaphore, #tpu.memory_space<semaphore_mem>>)
    %dma_start3A_64 = arith.constant 0 : i32
    %dma_start3A_65 = arith.constant 0 : i32
    %dma_start3A_66 = arith.constant 0 : i32
    %dma_start3A_67 = tpu.memref_slice %arg6[%dma_start3A_64, %dma_start3A_65, %dma_start3A_66] : memref<2x4x64xi32, #tpu.memory_space<vmem>> -> memref<1x1x64xi32, #tpu.memory_space<vmem>>
    %dma_start3A_68 = tpu.memref_squeeze %dma_start3A_67 : memref<1x1x64xi32, #tpu.memory_space<vmem>> -> memref<64xi32, #tpu.memory_space<vmem>>
    %dma_start3A_69 = arith.constant 0 : i32
    %dma_start3A_70 = arith.constant 0 : i32
    %dma_start3A_71 = tpu.memref_slice %arg2[%dma_start3A_69, %dma_start3A_70] : memref<10000x128xf32, #tpu.memory_space<hbm>> -> memref<10000x128xf32, #tpu.memory_space<hbm>>
    tpu.enqueue_indirect_dma source(%dma_start3A_71 : memref<10000x128xf32, #tpu.memory_space<hbm>>) target(%arg8 : memref<64x128xf32, #tpu.memory_space<vmem>>) offsets(%dma_start3A_68 : memref<64xi32, #tpu.memory_space<vmem>>) semaphore(%arg14 : memref<!tpu.dma_semaphore, #tpu.memory_space<semaphore_mem>>)
    %dma_start3A_72 = arith.constant 0 : i32
    %dma_start3A_73 = arith.constant 1 : i32
    %dma_start3A_74 = arith.constant 0 : i32
    %dma_start3A_75 = tpu.memref_slice %arg6[%dma_start3A_72, %dma_start3A_73, %dma_start3A_74] : memref<2x4x64xi32, #tpu.memory_space<vmem>> -> memref<1x1x64xi32, #tpu.memory_space<vmem>>
    %dma_start3A_76 = tpu.memref_squeeze %dma_start3A_75 : memref<1x1x64xi32, #tpu.memory_space<vmem>> -> memref<64xi32, #tpu.memory_space<vmem>>
    %dma_start3A_77 = arith.constant 0 : i32
    %dma_start3A_78 = arith.constant 0 : i32
    %dma_start3A_79 = tpu.memref_slice %arg2[%dma_start3A_77, %dma_start3A_78] : memref<10000x128xf32, #tpu.memory_space<hbm>> -> memref<10000x128xf32, #tpu.memory_space<hbm>>
    tpu.enqueue_indirect_dma source(%dma_start3A_79 : memref<10000x128xf32, #tpu.memory_space<hbm>>) target(%arg9 : memref<64x128xf32, #tpu.memory_space<vmem>>) offsets(%dma_start3A_76 : memref<64xi32, #tpu.memory_space<vmem>>) semaphore(%arg15 : memref<!tpu.dma_semaphore, #tpu.memory_space<semaphore_mem>>)
    %scan3A_80 = arith.constant 0 : i32
    %scan3A_81 = arith.constant 0 : i32
    %scan3A_82 = arith.constant 20 : i32
    %scan3A_83 = arith.addi %scan3A_81, %scan3A_82 : i32
    %scan3A_84 = arith.constant 1 : i32
    scf.for %scan3A_134 = %scan3A_81 to %scan3A_83 step %scan3A_84  : i32 {
      %mul3A_135 = arith.constant 8 : i32
      %mul3A_136 = arith.muli %mul3A_135, %scan3A_134 : i32
      %add3A_137 = arith.addi %mul3A_2, %mul3A_136 : i32
      %add3A_138 = arith.constant 4 : i32
      %add3A_139 = arith.addi %add3A_137, %add3A_138 : i32
      %add3A_140 = arith.constant 4 : i32
      %add3A_141 = arith.addi %add3A_137, %add3A_140 : i32
      %dma_start3A_142 = arith.constant 0 : i32
      %dma_start3A_143 = arith.constant 2 : i32
      %dma_start3A_144 = arith.constant 0 : i32
      %dma_start3A_145 = tpu.memref_slice %arg6[%dma_start3A_142, %dma_start3A_143, %dma_start3A_144] : memref<2x4x64xi32, #tpu.memory_space<vmem>> -> memref<1x1x64xi32, #tpu.memory_space<vmem>>
      %dma_start3A_146 = tpu.memref_squeeze %dma_start3A_145 : memref<1x1x64xi32, #tpu.memory_space<vmem>> -> memref<64xi32, #tpu.memory_space<vmem>>
      %dma_start3A_147 = arith.constant 0 : i32
      %dma_start3A_148 = arith.constant 0 : i32
      %dma_start3A_149 = tpu.memref_slice %arg2[%dma_start3A_147, %dma_start3A_148] : memref<10000x128xf32, #tpu.memory_space<hbm>> -> memref<10000x128xf32, #tpu.memory_space<hbm>>
      tpu.enqueue_indirect_dma source(%dma_start3A_149 : memref<10000x128xf32, #tpu.memory_space<hbm>>) target(%arg10 : memref<64x128xf32, #tpu.memory_space<vmem>>) offsets(%dma_start3A_146 : memref<64xi32, #tpu.memory_space<vmem>>) semaphore(%arg16 : memref<!tpu.dma_semaphore, #tpu.memory_space<semaphore_mem>>)
      %dma_wait3A_150 = arith.constant 0 : i32
      %dma_wait3A_151 = arith.constant 0 : i32
      %dma_wait3A_152 = arith.constant 0 : i32
      %dma_wait3A_153 = tpu.memref_slice %arg6[%dma_wait3A_150, %dma_wait3A_151, %dma_wait3A_152] : memref<2x4x64xi32, #tpu.memory_space<vmem>> -> memref<1x1x64xi32, #tpu.memory_space<vmem>>
      %dma_wait3A_154 = tpu.memref_squeeze %dma_wait3A_153 : memref<1x1x64xi32, #tpu.memory_space<vmem>> -> memref<64xi32, #tpu.memory_space<vmem>>
      %dma_wait3A_155 = arith.constant 0 : i32
      %dma_wait3A_156 = arith.constant 0 : i32
      %dma_wait3A_157 = tpu.memref_slice %arg2[%dma_wait3A_155, %dma_wait3A_156] : memref<10000x128xf32, #tpu.memory_space<hbm>> -> memref<10000x128xf32, #tpu.memory_space<hbm>>
      tpu.wait_indirect_dma semaphore(%arg14 : memref<!tpu.dma_semaphore, #tpu.memory_space<semaphore_mem>>) src(%dma_wait3A_157 : memref<10000x128xf32, #tpu.memory_space<hbm>>) dst(%arg8 : memref<64x128xf32, #tpu.memory_space<vmem>>)
      %gt3A = arith.constant 0 : i32
      %gt3A_158 = arith.cmpi sgt, %scan3A_134, %gt3A : i32
      %convert_element_type3A = arith.extui %gt3A_158 : i1 to i32
      %cond3A = arith.constant 0 : i32
      %cond3A_159 = arith.cmpi ne, %convert_element_type3A, %cond3A : i32
      scf.if %cond3A_159 {
        %dma_wait3A_591 = arith.constant 1 : i32
        %dma_wait3A_592 = arith.constant 3 : i32
        %dma_wait3A_593 = arith.constant 0 : i32
        %dma_wait3A_594 = tpu.memref_slice %arg7[%dma_wait3A_591, %dma_wait3A_592, %dma_wait3A_593] : memref<2x4x64xi32, #tpu.memory_space<vmem>> -> memref<1x1x64xi32, #tpu.memory_space<vmem>>
        %dma_wait3A_595 = tpu.memref_squeeze %dma_wait3A_594 : memref<1x1x64xi32, #tpu.memory_space<vmem>> -> memref<64xi32, #tpu.memory_space<vmem>>
        %dma_wait3A_596 = arith.constant 0 : i32
        %dma_wait3A_597 = arith.constant 0 : i32
        %dma_wait3A_598 = tpu.memref_slice %arg13[%dma_wait3A_596, %dma_wait3A_597] : memref<10240x128xf32, #tpu.memory_space<vmem_shared>> -> memref<10240x128xf32, #tpu.memory_space<vmem_shared>>
        tpu.wait_indirect_dma semaphore(%arg21 : memref<!tpu.dma_semaphore, #tpu.memory_space<semaphore_mem>>) src(%arg11 : memref<64x128xf32, #tpu.memory_space<vmem>>) dst(%dma_wait3A_598 : memref<10240x128xf32, #tpu.memory_space<vmem_shared>>)
        %dma_start3A_599 = arith.constant 0 : i32
        %dma_start3A_600 = arith.constant 0 : i32
        %dma_start3A_601 = tpu.memref_slice %arg3[%dma_start3A_599, %add3A_139, %dma_start3A_600] : memref<2x5120x64xi32, #tpu.memory_space<hbm>> -> memref<2x4x64xi32, #tpu.memory_space<hbm>>
        %dma_start3A_602 = arith.constant 0 : i32
        %dma_start3A_603 = arith.constant 0 : i32
        %dma_start3A_604 = tpu.memref_slice %arg3[%dma_start3A_602, %add3A_139, %dma_start3A_603] : memref<2x5120x64xi32, #tpu.memory_space<hbm>> -> memref<2x4x64xi32, #tpu.memory_space<hbm>>
        tpu.enqueue_dma source(%dma_start3A_604 : memref<2x4x64xi32, #tpu.memory_space<hbm>>) target(%arg7 : memref<2x4x64xi32, #tpu.memory_space<vmem>>) target_semaphore(%arg23 : memref<!tpu.dma_semaphore, #tpu.memory_space<semaphore_mem>>)
      } else {
      }
      %dma_start3A_160 = arith.constant 1 : i32
      %dma_start3A_161 = arith.constant 0 : i32
      %dma_start3A_162 = arith.constant 0 : i32
      %dma_start3A_163 = tpu.memref_slice %arg6[%dma_start3A_160, %dma_start3A_161, %dma_start3A_162] : memref<2x4x64xi32, #tpu.memory_space<vmem>> -> memref<1x1x64xi32, #tpu.memory_space<vmem>>
      %dma_start3A_164 = tpu.memref_squeeze %dma_start3A_163 : memref<1x1x64xi32, #tpu.memory_space<vmem>> -> memref<64xi32, #tpu.memory_space<vmem>>
      %dma_start3A_165 = arith.constant 0 : i32
      %dma_start3A_166 = arith.constant 0 : i32
      %dma_start3A_167 = tpu.memref_slice %arg13[%dma_start3A_165, %dma_start3A_166] : memref<10240x128xf32, #tpu.memory_space<vmem_shared>> -> memref<10240x128xf32, #tpu.memory_space<vmem_shared>>
      tpu.enqueue_indirect_dma source(%arg8 : memref<64x128xf32, #tpu.memory_space<vmem>>) target(%dma_start3A_167 : memref<10240x128xf32, #tpu.memory_space<vmem_shared>>) offsets(%dma_start3A_164 : memref<64xi32, #tpu.memory_space<vmem>>) semaphore(%arg18 : memref<!tpu.dma_semaphore, #tpu.memory_space<semaphore_mem>>) {add = true}
      %get3A = arith.constant 1 : i32
      %get3A_168 = arith.constant 0 : i32
      %get3A_169 = arith.index_cast %get3A : i32 to index
      %get3A_170 = arith.index_cast %get3A_168 : i32 to index
      %get3A_171 = arith.constant 0 : index
      %get3A_172 = tpu.vector_load %arg6[%get3A_169, %get3A_170, %get3A_171] {strides = array<i32>} : memref<2x4x64xi32, #tpu.memory_space<vmem>>, vector<16xi32>,
      tpu.vector_store_idx %arg12[%get3A_172], %broadcast_in_dim3A_5 {add = true} : memref<10240xf32, #tpu.memory_space<vmem>>[vector<16xi32>], vector<16xf32>,
      %get3A_173 = arith.constant 1 : i32
      %get3A_174 = arith.constant 0 : i32
      %get3A_175 = arith.index_cast %get3A_173 : i32 to index
      %get3A_176 = arith.index_cast %get3A_174 : i32 to index
      %get3A_177 = arith.constant 16 : index
      %get3A_178 = tpu.vector_load %arg6[%get3A_175, %get3A_176, %get3A_177] {strides = array<i32>} : memref<2x4x64xi32, #tpu.memory_space<vmem>>, vector<16xi32>,
      tpu.vector_store_idx %arg12[%get3A_178], %broadcast_in_dim3A_5 {add = true} : memref<10240xf32, #tpu.memory_space<vmem>>[vector<16xi32>], vector<16xf32>,
      %get3A_179 = arith.constant 1 : i32
      %get3A_180 = arith.constant 0 : i32
      %get3A_181 = arith.index_cast %get3A_179 : i32 to index
      %get3A_182 = arith.index_cast %get3A_180 : i32 to index
      %get3A_183 = arith.constant 32 : index
      %get3A_184 = tpu.vector_load %arg6[%get3A_181, %get3A_182, %get3A_183] {strides = array<i32>} : memref<2x4x64xi32, #tpu.memory_space<vmem>>, vector<16xi32>,
      tpu.vector_store_idx %arg12[%get3A_184], %broadcast_in_dim3A_5 {add = true} : memref<10240xf32, #tpu.memory_space<vmem>>[vector<16xi32>], vector<16xf32>,
      %get3A_185 = arith.constant 1 : i32
      %get3A_186 = arith.constant 0 : i32
      %get3A_187 = arith.index_cast %get3A_185 : i32 to index
      %get3A_188 = arith.index_cast %get3A_186 : i32 to index
      %get3A_189 = arith.constant 48 : index
      %get3A_190 = tpu.vector_load %arg6[%get3A_187, %get3A_188, %get3A_189] {strides = array<i32>} : memref<2x4x64xi32, #tpu.memory_space<vmem>>, vector<16xi32>,
      tpu.vector_store_idx %arg12[%get3A_190], %broadcast_in_dim3A_5 {add = true} : memref<10240xf32, #tpu.memory_space<vmem>>[vector<16xi32>], vector<16xf32>,
      %dma_start3A_191 = arith.constant 0 : i32
      %dma_start3A_192 = arith.constant 3 : i32
      %dma_start3A_193 = arith.constant 0 : i32
      %dma_start3A_194 = tpu.memref_slice %arg6[%dma_start3A_191, %dma_start3A_192, %dma_start3A_193] : memref<2x4x64xi32, #tpu.memory_space<vmem>> -> memref<1x1x64xi32, #tpu.memory_space<vmem>>
      %dma_start3A_195 = tpu.memref_squeeze %dma_start3A_194 : memref<1x1x64xi32, #tpu.memory_space<vmem>> -> memref<64xi32, #tpu.memory_space<vmem>>
      %dma_start3A_196 = arith.constant 0 : i32
      %dma_start3A_197 = arith.constant 0 : i32
      %dma_start3A_198 = tpu.memref_slice %arg2[%dma_start3A_196, %dma_start3A_197] : memref<10000x128xf32, #tpu.memory_space<hbm>> -> memref<10000x128xf32, #tpu.memory_space<hbm>>
      tpu.enqueue_indirect_dma source(%dma_start3A_198 : memref<10000x128xf32, #tpu.memory_space<hbm>>) target(%arg11 : memref<64x128xf32, #tpu.memory_space<vmem>>) offsets(%dma_start3A_195 : memref<64xi32, #tpu.memory_space<vmem>>) semaphore(%arg17 : memref<!tpu.dma_semaphore, #tpu.memory_space<semaphore_mem>>)
      %dma_wait3A_199 = arith.constant 0 : i32
      %dma_wait3A_200 = arith.constant 1 : i32
      %dma_wait3A_201 = arith.constant 0 : i32
      %dma_wait3A_202 = tpu.memref_slice %arg6[%dma_wait3A_199, %dma_wait3A_200, %dma_wait3A_201] : memref<2x4x64xi32, #tpu.memory_space<vmem>> -> memref<1x1x64xi32, #tpu.memory_space<vmem>>
      %dma_wait3A_203 = tpu.memref_squeeze %dma_wait3A_202 : memref<1x1x64xi32, #tpu.memory_space<vmem>> -> memref<64xi32, #tpu.memory_space<vmem>>
      %dma_wait3A_204 = arith.constant 0 : i32
      %dma_wait3A_205 = arith.constant 0 : i32
      %dma_wait3A_206 = tpu.memref_slice %arg2[%dma_wait3A_204, %dma_wait3A_205] : memref<10000x128xf32, #tpu.memory_space<hbm>> -> memref<10000x128xf32, #tpu.memory_space<hbm>>
      tpu.wait_indirect_dma semaphore(%arg15 : memref<!tpu.dma_semaphore, #tpu.memory_space<semaphore_mem>>) src(%dma_wait3A_206 : memref<10000x128xf32, #tpu.memory_space<hbm>>) dst(%arg9 : memref<64x128xf32, #tpu.memory_space<vmem>>)
      %dma_wait3A_207 = arith.constant 1 : i32
      %dma_wait3A_208 = arith.constant 0 : i32
      %dma_wait3A_209 = arith.constant 0 : i32
      %dma_wait3A_210 = tpu.memref_slice %arg6[%dma_wait3A_207, %dma_wait3A_208, %dma_wait3A_209] : memref<2x4x64xi32, #tpu.memory_space<vmem>> -> memref<1x1x64xi32, #tpu.memory_space<vmem>>
      %dma_wait3A_211 = tpu.memref_squeeze %dma_wait3A_210 : memref<1x1x64xi32, #tpu.memory_space<vmem>> -> memref<64xi32, #tpu.memory_space<vmem>>
      %dma_wait3A_212 = arith.constant 0 : i32
      %dma_wait3A_213 = arith.constant 0 : i32
      %dma_wait3A_214 = tpu.memref_slice %arg13[%dma_wait3A_212, %dma_wait3A_213] : memref<10240x128xf32, #tpu.memory_space<vmem_shared>> -> memref<10240x128xf32, #tpu.memory_space<vmem_shared>>
      tpu.wait_indirect_dma semaphore(%arg18 : memref<!tpu.dma_semaphore, #tpu.memory_space<semaphore_mem>>) src(%arg8 : memref<64x128xf32, #tpu.memory_space<vmem>>) dst(%dma_wait3A_214 : memref<10240x128xf32, #tpu.memory_space<vmem_shared>>)
      %dma_start3A_215 = arith.constant 1 : i32
      %dma_start3A_216 = arith.constant 1 : i32
      %dma_start3A_217 = arith.constant 0 : i32
      %dma_start3A_218 = tpu.memref_slice %arg6[%dma_start3A_215, %dma_start3A_216, %dma_start3A_217] : memref<2x4x64xi32, #tpu.memory_space<vmem>> -> memref<1x1x64xi32, #tpu.memory_space<vmem>>
      %dma_start3A_219 = tpu.memref_squeeze %dma_start3A_218 : memref<1x1x64xi32, #tpu.memory_space<vmem>> -> memref<64xi32, #tpu.memory_space<vmem>>
      %dma_start3A_220 = arith.constant 0 : i32
      %dma_start3A_221 = arith.constant 0 : i32
      %dma_start3A_222 = tpu.memref_slice %arg13[%dma_start3A_220, %dma_start3A_221] : memref<10240x128xf32, #tpu.memory_space<vmem_shared>> -> memref<10240x128xf32, #tpu.memory_space<vmem_shared>>
      tpu.enqueue_indirect_dma source(%arg9 : memref<64x128xf32, #tpu.memory_space<vmem>>) target(%dma_start3A_222 : memref<10240x128xf32, #tpu.memory_space<vmem_shared>>) offsets(%dma_start3A_219 : memref<64xi32, #tpu.memory_space<vmem>>) semaphore(%arg19 : memref<!tpu.dma_semaphore, #tpu.memory_space<semaphore_mem>>) {add = true}
      %get3A_223 = arith.constant 1 : i32
      %get3A_224 = arith.constant 1 : i32
      %get3A_225 = arith.index_cast %get3A_223 : i32 to index
      %get3A_226 = arith.index_cast %get3A_224 : i32 to index
      %get3A_227 = arith.constant 0 : index
      %get3A_228 = tpu.vector_load %arg6[%get3A_225, %get3A_226, %get3A_227] {strides = array<i32>} : memref<2x4x64xi32, #tpu.memory_space<vmem>>, vector<16xi32>,
      tpu.vector_store_idx %arg12[%get3A_228], %broadcast_in_dim3A_5 {add = true} : memref<10240xf32, #tpu.memory_space<vmem>>[vector<16xi32>], vector<16xf32>,
      %get3A_229 = arith.constant 1 : i32
      %get3A_230 = arith.constant 1 : i32
      %get3A_231 = arith.index_cast %get3A_229 : i32 to index
      %get3A_232 = arith.index_cast %get3A_230 : i32 to index
      %get3A_233 = arith.constant 16 : index
      %get3A_234 = tpu.vector_load %arg6[%get3A_231, %get3A_232, %get3A_233] {strides = array<i32>} : memref<2x4x64xi32, #tpu.memory_space<vmem>>, vector<16xi32>,
      tpu.vector_store_idx %arg12[%get3A_234], %broadcast_in_dim3A_5 {add = true} : memref<10240xf32, #tpu.memory_space<vmem>>[vector<16xi32>], vector<16xf32>,
      %get3A_235 = arith.constant 1 : i32
      %get3A_236 = arith.constant 1 : i32
      %get3A_237 = arith.index_cast %get3A_235 : i32 to index
      %get3A_238 = arith.index_cast %get3A_236 : i32 to index
      %get3A_239 = arith.constant 32 : index
      %get3A_240 = tpu.vector_load %arg6[%get3A_237, %get3A_238, %get3A_239] {strides = array<i32>} : memref<2x4x64xi32, #tpu.memory_space<vmem>>, vector<16xi32>,
      tpu.vector_store_idx %arg12[%get3A_240], %broadcast_in_dim3A_5 {add = true} : memref<10240xf32, #tpu.memory_space<vmem>>[vector<16xi32>], vector<16xf32>,
      %get3A_241 = arith.constant 1 : i32
      %get3A_242 = arith.constant 1 : i32
      %get3A_243 = arith.index_cast %get3A_241 : i32 to index
      %get3A_244 = arith.index_cast %get3A_242 : i32 to index
      %get3A_245 = arith.constant 48 : index
      %get3A_246 = tpu.vector_load %arg6[%get3A_243, %get3A_244, %get3A_245] {strides = array<i32>} : memref<2x4x64xi32, #tpu.memory_space<vmem>>, vector<16xi32>,
      tpu.vector_store_idx %arg12[%get3A_246], %broadcast_in_dim3A_5 {add = true} : memref<10240xf32, #tpu.memory_space<vmem>>[vector<16xi32>], vector<16xf32>,
      %dma_wait3A_247 = arith.constant 0 : i32
      %dma_wait3A_248 = arith.constant 0 : i32
      %dma_wait3A_249 = tpu.memref_slice %arg3[%dma_wait3A_247, %add3A_141, %dma_wait3A_248] : memref<2x5120x64xi32, #tpu.memory_space<hbm>> -> memref<2x4x64xi32, #tpu.memory_space<hbm>>
      %dma_wait3A_250 = arith.constant 0 : i32
      %dma_wait3A_251 = arith.constant 0 : i32
      %dma_wait3A_252 = tpu.memref_slice %arg3[%dma_wait3A_250, %add3A_141, %dma_wait3A_251] : memref<2x5120x64xi32, #tpu.memory_space<hbm>> -> memref<2x4x64xi32, #tpu.memory_space<hbm>>
      tpu.wait_dma2 semaphore(%arg23 : memref<!tpu.dma_semaphore, #tpu.memory_space<semaphore_mem>>) src(%dma_wait3A_252 : memref<2x4x64xi32, #tpu.memory_space<hbm>>) dst(%arg7 : memref<2x4x64xi32, #tpu.memory_space<vmem>>)
      %dma_start3A_253 = arith.constant 0 : i32
      %dma_start3A_254 = arith.constant 0 : i32
      %dma_start3A_255 = arith.constant 0 : i32
      %dma_start3A_256 = tpu.memref_slice %arg7[%dma_start3A_253, %dma_start3A_254, %dma_start3A_255] : memref<2x4x64xi32, #tpu.memory_space<vmem>> -> memref<1x1x64xi32, #tpu.memory_space<vmem>>
      %dma_start3A_257 = tpu.memref_squeeze %dma_start3A_256 : memref<1x1x64xi32, #tpu.memory_space<vmem>> -> memref<64xi32, #tpu.memory_space<vmem>>
      %dma_start3A_258 = arith.constant 0 : i32
      %dma_start3A_259 = arith.constant 0 : i32
      %dma_start3A_260 = tpu.memref_slice %arg2[%dma_start3A_258, %dma_start3A_259] : memref<10000x128xf32, #tpu.memory_space<hbm>> -> memref<10000x128xf32, #tpu.memory_space<hbm>>
      tpu.enqueue_indirect_dma source(%dma_start3A_260 : memref<10000x128xf32, #tpu.memory_space<hbm>>) target(%arg8 : memref<64x128xf32, #tpu.memory_space<vmem>>) offsets(%dma_start3A_257 : memref<64xi32, #tpu.memory_space<vmem>>) semaphore(%arg14 : memref<!tpu.dma_semaphore, #tpu.memory_space<semaphore_mem>>)
      %dma_wait3A_261 = arith.constant 0 : i32
      %dma_wait3A_262 = arith.constant 2 : i32
      %dma_wait3A_263 = arith.constant 0 : i32
      %dma_wait3A_264 = tpu.memref_slice %arg6[%dma_wait3A_261, %dma_wait3A_262, %dma_wait3A_263] : memref<2x4x64xi32, #tpu.memory_space<vmem>> -> memref<1x1x64xi32, #tpu.memory_space<vmem>>
      %dma_wait3A_265 = tpu.memref_squeeze %dma_wait3A_264 : memref<1x1x64xi32, #tpu.memory_space<vmem>> -> memref<64xi32, #tpu.memory_space<vmem>>
      %dma_wait3A_266 = arith.constant 0 : i32
      %dma_wait3A_267 = arith.constant 0 : i32
      %dma_wait3A_268 = tpu.memref_slice %arg2[%dma_wait3A_266, %dma_wait3A_267] : memref<10000x128xf32, #tpu.memory_space<hbm>> -> memref<10000x128xf32, #tpu.memory_space<hbm>>
      tpu.wait_indirect_dma semaphore(%arg16 : memref<!tpu.dma_semaphore, #tpu.memory_space<semaphore_mem>>) src(%dma_wait3A_268 : memref<10000x128xf32, #tpu.memory_space<hbm>>) dst(%arg10 : memref<64x128xf32, #tpu.memory_space<vmem>>)
      %dma_wait3A_269 = arith.constant 1 : i32
      %dma_wait3A_270 = arith.constant 1 : i32
      %dma_wait3A_271 = arith.constant 0 : i32
      %dma_wait3A_272 = tpu.memref_slice %arg6[%dma_wait3A_269, %dma_wait3A_270, %dma_wait3A_271] : memref<2x4x64xi32, #tpu.memory_space<vmem>> -> memref<1x1x64xi32, #tpu.memory_space<vmem>>
      %dma_wait3A_273 = tpu.memref_squeeze %dma_wait3A_272 : memref<1x1x64xi32, #tpu.memory_space<vmem>> -> memref<64xi32, #tpu.memory_space<vmem>>
      %dma_wait3A_274 = arith.constant 0 : i32
      %dma_wait3A_275 = arith.constant 0 : i32
      %dma_wait3A_276 = tpu.memref_slice %arg13[%dma_wait3A_274, %dma_wait3A_275] : memref<10240x128xf32, #tpu.memory_space<vmem_shared>> -> memref<10240x128xf32, #tpu.memory_space<vmem_shared>>
      tpu.wait_indirect_dma semaphore(%arg19 : memref<!tpu.dma_semaphore, #tpu.memory_space<semaphore_mem>>) src(%arg9 : memref<64x128xf32, #tpu.memory_space<vmem>>) dst(%dma_wait3A_276 : memref<10240x128xf32, #tpu.memory_space<vmem_shared>>)
      %dma_start3A_277 = arith.constant 1 : i32
      %dma_start3A_278 = arith.constant 2 : i32
      %dma_start3A_279 = arith.constant 0 : i32
      %dma_start3A_280 = tpu.memref_slice %arg6[%dma_start3A_277, %dma_start3A_278, %dma_start3A_279] : memref<2x4x64xi32, #tpu.memory_space<vmem>> -> memref<1x1x64xi32, #tpu.memory_space<vmem>>
      %dma_start3A_281 = tpu.memref_squeeze %dma_start3A_280 : memref<1x1x64xi32, #tpu.memory_space<vmem>> -> memref<64xi32, #tpu.memory_space<vmem>>
      %dma_start3A_282 = arith.constant 0 : i32
      %dma_start3A_283 = arith.constant 0 : i32
      %dma_start3A_284 = tpu.memref_slice %arg13[%dma_start3A_282, %dma_start3A_283] : memref<10240x128xf32, #tpu.memory_space<vmem_shared>> -> memref<10240x128xf32, #tpu.memory_space<vmem_shared>>
      tpu.enqueue_indirect_dma source(%arg10 : memref<64x128xf32, #tpu.memory_space<vmem>>) target(%dma_start3A_284 : memref<10240x128xf32, #tpu.memory_space<vmem_shared>>) offsets(%dma_start3A_281 : memref<64xi32, #tpu.memory_space<vmem>>) semaphore(%arg20 : memref<!tpu.dma_semaphore, #tpu.memory_space<semaphore_mem>>) {add = true}
      %get3A_285 = arith.constant 1 : i32
      %get3A_286 = arith.constant 2 : i32
      %get3A_287 = arith.index_cast %get3A_285 : i32 to index
      %get3A_288 = arith.index_cast %get3A_286 : i32 to index
      %get3A_289 = arith.constant 0 : index
      %get3A_290 = tpu.vector_load %arg6[%get3A_287, %get3A_288, %get3A_289] {strides = array<i32>} : memref<2x4x64xi32, #tpu.memory_space<vmem>>, vector<16xi32>,
      tpu.vector_store_idx %arg12[%get3A_290], %broadcast_in_dim3A_5 {add = true} : memref<10240xf32, #tpu.memory_space<vmem>>[vector<16xi32>], vector<16xf32>,
      %get3A_291 = arith.constant 1 : i32
      %get3A_292 = arith.constant 2 : i32
      %get3A_293 = arith.index_cast %get3A_291 : i32 to index
      %get3A_294 = arith.index_cast %get3A_292 : i32 to index
      %get3A_295 = arith.constant 16 : index
      %get3A_296 = tpu.vector_load %arg6[%get3A_293, %get3A_294, %get3A_295] {strides = array<i32>} : memref<2x4x64xi32, #tpu.memory_space<vmem>>, vector<16xi32>,
      tpu.vector_store_idx %arg12[%get3A_296], %broadcast_in_dim3A_5 {add = true} : memref<10240xf32, #tpu.memory_space<vmem>>[vector<16xi32>], vector<16xf32>,
      %get3A_297 = arith.constant 1 : i32
      %get3A_298 = arith.constant 2 : i32
      %get3A_299 = arith.index_cast %get3A_297 : i32 to index
      %get3A_300 = arith.index_cast %get3A_298 : i32 to index
      %get3A_301 = arith.constant 32 : index
      %get3A_302 = tpu.vector_load %arg6[%get3A_299, %get3A_300, %get3A_301] {strides = array<i32>} : memref<2x4x64xi32, #tpu.memory_space<vmem>>, vector<16xi32>,
      tpu.vector_store_idx %arg12[%get3A_302], %broadcast_in_dim3A_5 {add = true} : memref<10240xf32, #tpu.memory_space<vmem>>[vector<16xi32>], vector<16xf32>,
      %get3A_303 = arith.constant 1 : i32
      %get3A_304 = arith.constant 2 : i32
      %get3A_305 = arith.index_cast %get3A_303 : i32 to index
      %get3A_306 = arith.index_cast %get3A_304 : i32 to index
      %get3A_307 = arith.constant 48 : index
      %get3A_308 = tpu.vector_load %arg6[%get3A_305, %get3A_306, %get3A_307] {strides = array<i32>} : memref<2x4x64xi32, #tpu.memory_space<vmem>>, vector<16xi32>,
      tpu.vector_store_idx %arg12[%get3A_308], %broadcast_in_dim3A_5 {add = true} : memref<10240xf32, #tpu.memory_space<vmem>>[vector<16xi32>], vector<16xf32>,
      %dma_start3A_309 = arith.constant 0 : i32
      %dma_start3A_310 = arith.constant 1 : i32
      %dma_start3A_311 = arith.constant 0 : i32
      %dma_start3A_312 = tpu.memref_slice %arg7[%dma_start3A_309, %dma_start3A_310, %dma_start3A_311] : memref<2x4x64xi32, #tpu.memory_space<vmem>> -> memref<1x1x64xi32, #tpu.memory_space<vmem>>
      %dma_start3A_313 = tpu.memref_squeeze %dma_start3A_312 : memref<1x1x64xi32, #tpu.memory_space<vmem>> -> memref<64xi32, #tpu.memory_space<vmem>>
      %dma_start3A_314 = arith.constant 0 : i32
      %dma_start3A_315 = arith.constant 0 : i32
      %dma_start3A_316 = tpu.memref_slice %arg2[%dma_start3A_314, %dma_start3A_315] : memref<10000x128xf32, #tpu.memory_space<hbm>> -> memref<10000x128xf32, #tpu.memory_space<hbm>>
      tpu.enqueue_indirect_dma source(%dma_start3A_316 : memref<10000x128xf32, #tpu.memory_space<hbm>>) target(%arg9 : memref<64x128xf32, #tpu.memory_space<vmem>>) offsets(%dma_start3A_313 : memref<64xi32, #tpu.memory_space<vmem>>) semaphore(%arg15 : memref<!tpu.dma_semaphore, #tpu.memory_space<semaphore_mem>>)
      %dma_wait3A_317 = arith.constant 0 : i32
      %dma_wait3A_318 = arith.constant 3 : i32
      %dma_wait3A_319 = arith.constant 0 : i32
      %dma_wait3A_320 = tpu.memref_slice %arg6[%dma_wait3A_317, %dma_wait3A_318, %dma_wait3A_319] : memref<2x4x64xi32, #tpu.memory_space<vmem>> -> memref<1x1x64xi32, #tpu.memory_space<vmem>>
      %dma_wait3A_321 = tpu.memref_squeeze %dma_wait3A_320 : memref<1x1x64xi32, #tpu.memory_space<vmem>> -> memref<64xi32, #tpu.memory_space<vmem>>
      %dma_wait3A_322 = arith.constant 0 : i32
      %dma_wait3A_323 = arith.constant 0 : i32
      %dma_wait3A_324 = tpu.memref_slice %arg2[%dma_wait3A_322, %dma_wait3A_323] : memref<10000x128xf32, #tpu.memory_space<hbm>> -> memref<10000x128xf32, #tpu.memory_space<hbm>>
      tpu.wait_indirect_dma semaphore(%arg17 : memref<!tpu.dma_semaphore, #tpu.memory_space<semaphore_mem>>) src(%dma_wait3A_324 : memref<10000x128xf32, #tpu.memory_space<hbm>>) dst(%arg11 : memref<64x128xf32, #tpu.memory_space<vmem>>)
      %dma_wait3A_325 = arith.constant 1 : i32
      %dma_wait3A_326 = arith.constant 2 : i32
      %dma_wait3A_327 = arith.constant 0 : i32
      %dma_wait3A_328 = tpu.memref_slice %arg6[%dma_wait3A_325, %dma_wait3A_326, %dma_wait3A_327] : memref<2x4x64xi32, #tpu.memory_space<vmem>> -> memref<1x1x64xi32, #tpu.memory_space<vmem>>
      %dma_wait3A_329 = tpu.memref_squeeze %dma_wait3A_328 : memref<1x1x64xi32, #tpu.memory_space<vmem>> -> memref<64xi32, #tpu.memory_space<vmem>>
      %dma_wait3A_330 = arith.constant 0 : i32
      %dma_wait3A_331 = arith.constant 0 : i32
      %dma_wait3A_332 = tpu.memref_slice %arg13[%dma_wait3A_330, %dma_wait3A_331] : memref<10240x128xf32, #tpu.memory_space<vmem_shared>> -> memref<10240x128xf32, #tpu.memory_space<vmem_shared>>
      tpu.wait_indirect_dma semaphore(%arg20 : memref<!tpu.dma_semaphore, #tpu.memory_space<semaphore_mem>>) src(%arg10 : memref<64x128xf32, #tpu.memory_space<vmem>>) dst(%dma_wait3A_332 : memref<10240x128xf32, #tpu.memory_space<vmem_shared>>)
      %dma_start3A_333 = arith.constant 1 : i32
      %dma_start3A_334 = arith.constant 3 : i32
      %dma_start3A_335 = arith.constant 0 : i32
      %dma_start3A_336 = tpu.memref_slice %arg6[%dma_start3A_333, %dma_start3A_334, %dma_start3A_335] : memref<2x4x64xi32, #tpu.memory_space<vmem>> -> memref<1x1x64xi32, #tpu.memory_space<vmem>>
      %dma_start3A_337 = tpu.memref_squeeze %dma_start3A_336 : memref<1x1x64xi32, #tpu.memory_space<vmem>> -> memref<64xi32, #tpu.memory_space<vmem>>
      %dma_start3A_338 = arith.constant 0 : i32
      %dma_start3A_339 = arith.constant 0 : i32
      %dma_start3A_340 = tpu.memref_slice %arg13[%dma_start3A_338, %dma_start3A_339] : memref<10240x128xf32, #tpu.memory_space<vmem_shared>> -> memref<10240x128xf32, #tpu.memory_space<vmem_shared>>
      tpu.enqueue_indirect_dma source(%arg11 : memref<64x128xf32, #tpu.memory_space<vmem>>) target(%dma_start3A_340 : memref<10240x128xf32, #tpu.memory_space<vmem_shared>>) offsets(%dma_start3A_337 : memref<64xi32, #tpu.memory_space<vmem>>) semaphore(%arg21 : memref<!tpu.dma_semaphore, #tpu.memory_space<semaphore_mem>>) {add = true}
      %get3A_341 = arith.constant 1 : i32
      %get3A_342 = arith.constant 3 : i32
      %get3A_343 = arith.index_cast %get3A_341 : i32 to index
      %get3A_344 = arith.index_cast %get3A_342 : i32 to index
      %get3A_345 = arith.constant 0 : index
      %get3A_346 = tpu.vector_load %arg6[%get3A_343, %get3A_344, %get3A_345] {strides = array<i32>} : memref<2x4x64xi32, #tpu.memory_space<vmem>>, vector<16xi32>,
      tpu.vector_store_idx %arg12[%get3A_346], %broadcast_in_dim3A_5 {add = true} : memref<10240xf32, #tpu.memory_space<vmem>>[vector<16xi32>], vector<16xf32>,
      %get3A_347 = arith.constant 1 : i32
      %get3A_348 = arith.constant 3 : i32
      %get3A_349 = arith.index_cast %get3A_347 : i32 to index
      %get3A_350 = arith.index_cast %get3A_348 : i32 to index
      %get3A_351 = arith.constant 16 : index
      %get3A_352 = tpu.vector_load %arg6[%get3A_349, %get3A_350, %get3A_351] {strides = array<i32>} : memref<2x4x64xi32, #tpu.memory_space<vmem>>, vector<16xi32>,
      tpu.vector_store_idx %arg12[%get3A_352], %broadcast_in_dim3A_5 {add = true} : memref<10240xf32, #tpu.memory_space<vmem>>[vector<16xi32>], vector<16xf32>,
      %get3A_353 = arith.constant 1 : i32
      %get3A_354 = arith.constant 3 : i32
      %get3A_355 = arith.index_cast %get3A_353 : i32 to index
      %get3A_356 = arith.index_cast %get3A_354 : i32 to index
      %get3A_357 = arith.constant 32 : index
      %get3A_358 = tpu.vector_load %arg6[%get3A_355, %get3A_356, %get3A_357] {strides = array<i32>} : memref<2x4x64xi32, #tpu.memory_space<vmem>>, vector<16xi32>,
      tpu.vector_store_idx %arg12[%get3A_358], %broadcast_in_dim3A_5 {add = true} : memref<10240xf32, #tpu.memory_space<vmem>>[vector<16xi32>], vector<16xf32>,
      %get3A_359 = arith.constant 1 : i32
      %get3A_360 = arith.constant 3 : i32
      %get3A_361 = arith.index_cast %get3A_359 : i32 to index
      %get3A_362 = arith.index_cast %get3A_360 : i32 to index
      %get3A_363 = arith.constant 48 : index
      %get3A_364 = tpu.vector_load %arg6[%get3A_361, %get3A_362, %get3A_363] {strides = array<i32>} : memref<2x4x64xi32, #tpu.memory_space<vmem>>, vector<16xi32>,
      tpu.vector_store_idx %arg12[%get3A_364], %broadcast_in_dim3A_5 {add = true} : memref<10240xf32, #tpu.memory_space<vmem>>[vector<16xi32>], vector<16xf32>,
      %add3A_365 = arith.constant 8 : i32
      %add3A_366 = arith.addi %add3A_137, %add3A_365 : i32
      %add3A_367 = arith.constant 8 : i32
      %add3A_368 = arith.addi %add3A_137, %add3A_367 : i32
      %dma_start3A_369 = arith.constant 0 : i32
      %dma_start3A_370 = arith.constant 2 : i32
      %dma_start3A_371 = arith.constant 0 : i32
      %dma_start3A_372 = tpu.memref_slice %arg7[%dma_start3A_369, %dma_start3A_370, %dma_start3A_371] : memref<2x4x64xi32, #tpu.memory_space<vmem>> -> memref<1x1x64xi32, #tpu.memory_space<vmem>>
      %dma_start3A_373 = tpu.memref_squeeze %dma_start3A_372 : memref<1x1x64xi32, #tpu.memory_space<vmem>> -> memref<64xi32, #tpu.memory_space<vmem>>
      %dma_start3A_374 = arith.constant 0 : i32
      %dma_start3A_375 = arith.constant 0 : i32
      %dma_start3A_376 = tpu.memref_slice %arg2[%dma_start3A_374, %dma_start3A_375] : memref<10000x128xf32, #tpu.memory_space<hbm>> -> memref<10000x128xf32, #tpu.memory_space<hbm>>
      tpu.enqueue_indirect_dma source(%dma_start3A_376 : memref<10000x128xf32, #tpu.memory_space<hbm>>) target(%arg10 : memref<64x128xf32, #tpu.memory_space<vmem>>) offsets(%dma_start3A_373 : memref<64xi32, #tpu.memory_space<vmem>>) semaphore(%arg16 : memref<!tpu.dma_semaphore, #tpu.memory_space<semaphore_mem>>)
      %dma_wait3A_377 = arith.constant 0 : i32
      %dma_wait3A_378 = arith.constant 0 : i32
      %dma_wait3A_379 = arith.constant 0 : i32
      %dma_wait3A_380 = tpu.memref_slice %arg7[%dma_wait3A_377, %dma_wait3A_378, %dma_wait3A_379] : memref<2x4x64xi32, #tpu.memory_space<vmem>> -> memref<1x1x64xi32, #tpu.memory_space<vmem>>
      %dma_wait3A_381 = tpu.memref_squeeze %dma_wait3A_380 : memref<1x1x64xi32, #tpu.memory_space<vmem>> -> memref<64xi32, #tpu.memory_space<vmem>>
      %dma_wait3A_382 = arith.constant 0 : i32
      %dma_wait3A_383 = arith.constant 0 : i32
      %dma_wait3A_384 = tpu.memref_slice %arg2[%dma_wait3A_382, %dma_wait3A_383] : memref<10000x128xf32, #tpu.memory_space<hbm>> -> memref<10000x128xf32, #tpu.memory_space<hbm>>
      tpu.wait_indirect_dma semaphore(%arg14 : memref<!tpu.dma_semaphore, #tpu.memory_space<semaphore_mem>>) src(%dma_wait3A_384 : memref<10000x128xf32, #tpu.memory_space<hbm>>) dst(%arg8 : memref<64x128xf32, #tpu.memory_space<vmem>>)
      %dma_wait3A_385 = arith.constant 1 : i32
      %dma_wait3A_386 = arith.constant 3 : i32
      %dma_wait3A_387 = arith.constant 0 : i32
      %dma_wait3A_388 = tpu.memref_slice %arg6[%dma_wait3A_385, %dma_wait3A_386, %dma_wait3A_387] : memref<2x4x64xi32, #tpu.memory_space<vmem>> -> memref<1x1x64xi32, #tpu.memory_space<vmem>>
      %dma_wait3A_389 = tpu.memref_squeeze %dma_wait3A_388 : memref<1x1x64xi32, #tpu.memory_space<vmem>> -> memref<64xi32, #tpu.memory_space<vmem>>
      %dma_wait3A_390 = arith.constant 0 : i32
      %dma_wait3A_391 = arith.constant 0 : i32
      %dma_wait3A_392 = tpu.memref_slice %arg13[%dma_wait3A_390, %dma_wait3A_391] : memref<10240x128xf32, #tpu.memory_space<vmem_shared>> -> memref<10240x128xf32, #tpu.memory_space<vmem_shared>>
      tpu.wait_indirect_dma semaphore(%arg21 : memref<!tpu.dma_semaphore, #tpu.memory_space<semaphore_mem>>) src(%arg11 : memref<64x128xf32, #tpu.memory_space<vmem>>) dst(%dma_wait3A_392 : memref<10240x128xf32, #tpu.memory_space<vmem_shared>>)
      %lt3A = arith.constant 19 : i32
      %lt3A_393 = arith.cmpi slt, %scan3A_134, %lt3A : i32
      %convert_element_type3A_394 = arith.extui %lt3A_393 : i1 to i32
      %cond3A_395 = arith.constant 0 : i32
      %cond3A_396 = arith.cmpi ne, %convert_element_type3A_394, %cond3A_395 : i32
      scf.if %cond3A_396 {
        %dma_start3A_591 = arith.constant 0 : i32
        %dma_start3A_592 = arith.constant 0 : i32
        %dma_start3A_593 = tpu.memref_slice %arg3[%dma_start3A_591, %add3A_366, %dma_start3A_592] : memref<2x5120x64xi32, #tpu.memory_space<hbm>> -> memref<2x4x64xi32, #tpu.memory_space<hbm>>
        %dma_start3A_594 = arith.constant 0 : i32
        %dma_start3A_595 = arith.constant 0 : i32
        %dma_start3A_596 = tpu.memref_slice %arg3[%dma_start3A_594, %add3A_366, %dma_start3A_595] : memref<2x5120x64xi32, #tpu.memory_space<hbm>> -> memref<2x4x64xi32, #tpu.memory_space<hbm>>
        tpu.enqueue_dma source(%dma_start3A_596 : memref<2x4x64xi32, #tpu.memory_space<hbm>>) target(%arg6 : memref<2x4x64xi32, #tpu.memory_space<vmem>>) target_semaphore(%arg22 : memref<!tpu.dma_semaphore, #tpu.memory_space<semaphore_mem>>)
      } else {
      }
      %dma_start3A_397 = arith.constant 1 : i32
      %dma_start3A_398 = arith.constant 0 : i32
      %dma_start3A_399 = arith.constant 0 : i32
      %dma_start3A_400 = tpu.memref_slice %arg7[%dma_start3A_397, %dma_start3A_398, %dma_start3A_399] : memref<2x4x64xi32, #tpu.memory_space<vmem>> -> memref<1x1x64xi32, #tpu.memory_space<vmem>>
      %dma_start3A_401 = tpu.memref_squeeze %dma_start3A_400 : memref<1x1x64xi32, #tpu.memory_space<vmem>> -> memref<64xi32, #tpu.memory_space<vmem>>
      %dma_start3A_402 = arith.constant 0 : i32
      %dma_start3A_403 = arith.constant 0 : i32
      %dma_start3A_404 = tpu.memref_slice %arg13[%dma_start3A_402, %dma_start3A_403] : memref<10240x128xf32, #tpu.memory_space<vmem_shared>> -> memref<10240x128xf32, #tpu.memory_space<vmem_shared>>
      tpu.enqueue_indirect_dma source(%arg8 : memref<64x128xf32, #tpu.memory_space<vmem>>) target(%dma_start3A_404 : memref<10240x128xf32, #tpu.memory_space<vmem_shared>>) offsets(%dma_start3A_401 : memref<64xi32, #tpu.memory_space<vmem>>) semaphore(%arg18 : memref<!tpu.dma_semaphore, #tpu.memory_space<semaphore_mem>>) {add = true}
      %get3A_405 = arith.constant 1 : i32
      %get3A_406 = arith.constant 0 : i32
      %get3A_407 = arith.index_cast %get3A_405 : i32 to index
      %get3A_408 = arith.index_cast %get3A_406 : i32 to index
      %get3A_409 = arith.constant 0 : index
      %get3A_410 = tpu.vector_load %arg7[%get3A_407, %get3A_408, %get3A_409] {strides = array<i32>} : memref<2x4x64xi32, #tpu.memory_space<vmem>>, vector<16xi32>,
      tpu.vector_store_idx %arg12[%get3A_410], %broadcast_in_dim3A_5 {add = true} : memref<10240xf32, #tpu.memory_space<vmem>>[vector<16xi32>], vector<16xf32>,
      %get3A_411 = arith.constant 1 : i32
      %get3A_412 = arith.constant 0 : i32
      %get3A_413 = arith.index_cast %get3A_411 : i32 to index
      %get3A_414 = arith.index_cast %get3A_412 : i32 to index
      %get3A_415 = arith.constant 16 : index
      %get3A_416 = tpu.vector_load %arg7[%get3A_413, %get3A_414, %get3A_415] {strides = array<i32>} : memref<2x4x64xi32, #tpu.memory_space<vmem>>, vector<16xi32>,
      tpu.vector_store_idx %arg12[%get3A_416], %broadcast_in_dim3A_5 {add = true} : memref<10240xf32, #tpu.memory_space<vmem>>[vector<16xi32>], vector<16xf32>,
      %get3A_417 = arith.constant 1 : i32
      %get3A_418 = arith.constant 0 : i32
      %get3A_419 = arith.index_cast %get3A_417 : i32 to index
      %get3A_420 = arith.index_cast %get3A_418 : i32 to index
      %get3A_421 = arith.constant 32 : index
      %get3A_422 = tpu.vector_load %arg7[%get3A_419, %get3A_420, %get3A_421] {strides = array<i32>} : memref<2x4x64xi32, #tpu.memory_space<vmem>>, vector<16xi32>,
      tpu.vector_store_idx %arg12[%get3A_422], %broadcast_in_dim3A_5 {add = true} : memref<10240xf32, #tpu.memory_space<vmem>>[vector<16xi32>], vector<16xf32>,
      %get3A_423 = arith.constant 1 : i32
      %get3A_424 = arith.constant 0 : i32
      %get3A_425 = arith.index_cast %get3A_423 : i32 to index
      %get3A_426 = arith.index_cast %get3A_424 : i32 to index
      %get3A_427 = arith.constant 48 : index
      %get3A_428 = tpu.vector_load %arg7[%get3A_425, %get3A_426, %get3A_427] {strides = array<i32>} : memref<2x4x64xi32, #tpu.memory_space<vmem>>, vector<16xi32>,
      tpu.vector_store_idx %arg12[%get3A_428], %broadcast_in_dim3A_5 {add = true} : memref<10240xf32, #tpu.memory_space<vmem>>[vector<16xi32>], vector<16xf32>,
      %dma_start3A_429 = arith.constant 0 : i32
      %dma_start3A_430 = arith.constant 3 : i32
      %dma_start3A_431 = arith.constant 0 : i32
      %dma_start3A_432 = tpu.memref_slice %arg7[%dma_start3A_429, %dma_start3A_430, %dma_start3A_431] : memref<2x4x64xi32, #tpu.memory_space<vmem>> -> memref<1x1x64xi32, #tpu.memory_space<vmem>>
      %dma_start3A_433 = tpu.memref_squeeze %dma_start3A_432 : memref<1x1x64xi32, #tpu.memory_space<vmem>> -> memref<64xi32, #tpu.memory_space<vmem>>
      %dma_start3A_434 = arith.constant 0 : i32
      %dma_start3A_435 = arith.constant 0 : i32
      %dma_start3A_436 = tpu.memref_slice %arg2[%dma_start3A_434, %dma_start3A_435] : memref<10000x128xf32, #tpu.memory_space<hbm>> -> memref<10000x128xf32, #tpu.memory_space<hbm>>
      tpu.enqueue_indirect_dma source(%dma_start3A_436 : memref<10000x128xf32, #tpu.memory_space<hbm>>) target(%arg11 : memref<64x128xf32, #tpu.memory_space<vmem>>) offsets(%dma_start3A_433 : memref<64xi32, #tpu.memory_space<vmem>>) semaphore(%arg17 : memref<!tpu.dma_semaphore, #tpu.memory_space<semaphore_mem>>)
      %dma_wait3A_437 = arith.constant 0 : i32
      %dma_wait3A_438 = arith.constant 1 : i32
      %dma_wait3A_439 = arith.constant 0 : i32
      %dma_wait3A_440 = tpu.memref_slice %arg7[%dma_wait3A_437, %dma_wait3A_438, %dma_wait3A_439] : memref<2x4x64xi32, #tpu.memory_space<vmem>> -> memref<1x1x64xi32, #tpu.memory_space<vmem>>
      %dma_wait3A_441 = tpu.memref_squeeze %dma_wait3A_440 : memref<1x1x64xi32, #tpu.memory_space<vmem>> -> memref<64xi32, #tpu.memory_space<vmem>>
      %dma_wait3A_442 = arith.constant 0 : i32
      %dma_wait3A_443 = arith.constant 0 : i32
      %dma_wait3A_444 = tpu.memref_slice %arg2[%dma_wait3A_442, %dma_wait3A_443] : memref<10000x128xf32, #tpu.memory_space<hbm>> -> memref<10000x128xf32, #tpu.memory_space<hbm>>
      tpu.wait_indirect_dma semaphore(%arg15 : memref<!tpu.dma_semaphore, #tpu.memory_space<semaphore_mem>>) src(%dma_wait3A_444 : memref<10000x128xf32, #tpu.memory_space<hbm>>) dst(%arg9 : memref<64x128xf32, #tpu.memory_space<vmem>>)
      %dma_wait3A_445 = arith.constant 1 : i32
      %dma_wait3A_446 = arith.constant 0 : i32
      %dma_wait3A_447 = arith.constant 0 : i32
      %dma_wait3A_448 = tpu.memref_slice %arg7[%dma_wait3A_445, %dma_wait3A_446, %dma_wait3A_447] : memref<2x4x64xi32, #tpu.memory_space<vmem>> -> memref<1x1x64xi32, #tpu.memory_space<vmem>>
      %dma_wait3A_449 = tpu.memref_squeeze %dma_wait3A_448 : memref<1x1x64xi32, #tpu.memory_space<vmem>> -> memref<64xi32, #tpu.memory_space<vmem>>
      %dma_wait3A_450 = arith.constant 0 : i32
      %dma_wait3A_451 = arith.constant 0 : i32
      %dma_wait3A_452 = tpu.memref_slice %arg13[%dma_wait3A_450, %dma_wait3A_451] : memref<10240x128xf32, #tpu.memory_space<vmem_shared>> -> memref<10240x128xf32, #tpu.memory_space<vmem_shared>>
      tpu.wait_indirect_dma semaphore(%arg18 : memref<!tpu.dma_semaphore, #tpu.memory_space<semaphore_mem>>) src(%arg8 : memref<64x128xf32, #tpu.memory_space<vmem>>) dst(%dma_wait3A_452 : memref<10240x128xf32, #tpu.memory_space<vmem_shared>>)
      %dma_start3A_453 = arith.constant 1 : i32
      %dma_start3A_454 = arith.constant 1 : i32
      %dma_start3A_455 = arith.constant 0 : i32
      %dma_start3A_456 = tpu.memref_slice %arg7[%dma_start3A_453, %dma_start3A_454, %dma_start3A_455] : memref<2x4x64xi32, #tpu.memory_space<vmem>> -> memref<1x1x64xi32, #tpu.memory_space<vmem>>
      %dma_start3A_457 = tpu.memref_squeeze %dma_start3A_456 : memref<1x1x64xi32, #tpu.memory_space<vmem>> -> memref<64xi32, #tpu.memory_space<vmem>>
      %dma_start3A_458 = arith.constant 0 : i32
      %dma_start3A_459 = arith.constant 0 : i32
      %dma_start3A_460 = tpu.memref_slice %arg13[%dma_start3A_458, %dma_start3A_459] : memref<10240x128xf32, #tpu.memory_space<vmem_shared>> -> memref<10240x128xf32, #tpu.memory_space<vmem_shared>>
      tpu.enqueue_indirect_dma source(%arg9 : memref<64x128xf32, #tpu.memory_space<vmem>>) target(%dma_start3A_460 : memref<10240x128xf32, #tpu.memory_space<vmem_shared>>) offsets(%dma_start3A_457 : memref<64xi32, #tpu.memory_space<vmem>>) semaphore(%arg19 : memref<!tpu.dma_semaphore, #tpu.memory_space<semaphore_mem>>) {add = true}
      %get3A_461 = arith.constant 1 : i32
      %get3A_462 = arith.constant 1 : i32
      %get3A_463 = arith.index_cast %get3A_461 : i32 to index
      %get3A_464 = arith.index_cast %get3A_462 : i32 to index
      %get3A_465 = arith.constant 0 : index
      %get3A_466 = tpu.vector_load %arg7[%get3A_463, %get3A_464, %get3A_465] {strides = array<i32>} : memref<2x4x64xi32, #tpu.memory_space<vmem>>, vector<16xi32>,
      tpu.vector_store_idx %arg12[%get3A_466], %broadcast_in_dim3A_5 {add = true} : memref<10240xf32, #tpu.memory_space<vmem>>[vector<16xi32>], vector<16xf32>,
      %get3A_467 = arith.constant 1 : i32
      %get3A_468 = arith.constant 1 : i32
      %get3A_469 = arith.index_cast %get3A_467 : i32 to index
      %get3A_470 = arith.index_cast %get3A_468 : i32 to index
      %get3A_471 = arith.constant 16 : index
      %get3A_472 = tpu.vector_load %arg7[%get3A_469, %get3A_470, %get3A_471] {strides = array<i32>} : memref<2x4x64xi32, #tpu.memory_space<vmem>>, vector<16xi32>,
      tpu.vector_store_idx %arg12[%get3A_472], %broadcast_in_dim3A_5 {add = true} : memref<10240xf32, #tpu.memory_space<vmem>>[vector<16xi32>], vector<16xf32>,
      %get3A_473 = arith.constant 1 : i32
      %get3A_474 = arith.constant 1 : i32
      %get3A_475 = arith.index_cast %get3A_473 : i32 to index
      %get3A_476 = arith.index_cast %get3A_474 : i32 to index
      %get3A_477 = arith.constant 32 : index
      %get3A_478 = tpu.vector_load %arg7[%get3A_475, %get3A_476, %get3A_477] {strides = array<i32>} : memref<2x4x64xi32, #tpu.memory_space<vmem>>, vector<16xi32>,
      tpu.vector_store_idx %arg12[%get3A_478], %broadcast_in_dim3A_5 {add = true} : memref<10240xf32, #tpu.memory_space<vmem>>[vector<16xi32>], vector<16xf32>,
      %get3A_479 = arith.constant 1 : i32
      %get3A_480 = arith.constant 1 : i32
      %get3A_481 = arith.index_cast %get3A_479 : i32 to index
      %get3A_482 = arith.index_cast %get3A_480 : i32 to index
      %get3A_483 = arith.constant 48 : index
      %get3A_484 = tpu.vector_load %arg7[%get3A_481, %get3A_482, %get3A_483] {strides = array<i32>} : memref<2x4x64xi32, #tpu.memory_space<vmem>>, vector<16xi32>,
      tpu.vector_store_idx %arg12[%get3A_484], %broadcast_in_dim3A_5 {add = true} : memref<10240xf32, #tpu.memory_space<vmem>>[vector<16xi32>], vector<16xf32>,
      %lt3A_485 = arith.constant 19 : i32
      %lt3A_486 = arith.cmpi slt, %scan3A_134, %lt3A_485 : i32
      %convert_element_type3A_487 = arith.extui %lt3A_486 : i1 to i32
      %cond3A_488 = arith.constant 0 : i32
      %cond3A_489 = arith.cmpi ne, %convert_element_type3A_487, %cond3A_488 : i32
      scf.if %cond3A_489 {
        %dma_wait3A_591 = arith.constant 0 : i32
        %dma_wait3A_592 = arith.constant 0 : i32
        %dma_wait3A_593 = tpu.memref_slice %arg3[%dma_wait3A_591, %add3A_368, %dma_wait3A_592] : memref<2x5120x64xi32, #tpu.memory_space<hbm>> -> memref<2x4x64xi32, #tpu.memory_space<hbm>>
        %dma_wait3A_594 = arith.constant 0 : i32
        %dma_wait3A_595 = arith.constant 0 : i32
        %dma_wait3A_596 = tpu.memref_slice %arg3[%dma_wait3A_594, %add3A_368, %dma_wait3A_595] : memref<2x5120x64xi32, #tpu.memory_space<hbm>> -> memref<2x4x64xi32, #tpu.memory_space<hbm>>
        tpu.wait_dma2 semaphore(%arg22 : memref<!tpu.dma_semaphore, #tpu.memory_space<semaphore_mem>>) src(%dma_wait3A_596 : memref<2x4x64xi32, #tpu.memory_space<hbm>>) dst(%arg6 : memref<2x4x64xi32, #tpu.memory_space<vmem>>)
        %dma_start3A_597 = arith.constant 0 : i32
        %dma_start3A_598 = arith.constant 0 : i32
        %dma_start3A_599 = arith.constant 0 : i32
        %dma_start3A_600 = tpu.memref_slice %arg6[%dma_start3A_597, %dma_start3A_598, %dma_start3A_599] : memref<2x4x64xi32, #tpu.memory_space<vmem>> -> memref<1x1x64xi32, #tpu.memory_space<vmem>>
        %dma_start3A_601 = tpu.memref_squeeze %dma_start3A_600 : memref<1x1x64xi32, #tpu.memory_space<vmem>> -> memref<64xi32, #tpu.memory_space<vmem>>
        %dma_start3A_602 = arith.constant 0 : i32
        %dma_start3A_603 = arith.constant 0 : i32
        %dma_start3A_604 = tpu.memref_slice %arg2[%dma_start3A_602, %dma_start3A_603] : memref<10000x128xf32, #tpu.memory_space<hbm>> -> memref<10000x128xf32, #tpu.memory_space<hbm>>
        tpu.enqueue_indirect_dma source(%dma_start3A_604 : memref<10000x128xf32, #tpu.memory_space<hbm>>) target(%arg8 : memref<64x128xf32, #tpu.memory_space<vmem>>) offsets(%dma_start3A_601 : memref<64xi32, #tpu.memory_space<vmem>>) semaphore(%arg14 : memref<!tpu.dma_semaphore, #tpu.memory_space<semaphore_mem>>)
      } else {
      }
      %dma_wait3A_490 = arith.constant 0 : i32
      %dma_wait3A_491 = arith.constant 2 : i32
      %dma_wait3A_492 = arith.constant 0 : i32
      %dma_wait3A_493 = tpu.memref_slice %arg7[%dma_wait3A_490, %dma_wait3A_491, %dma_wait3A_492] : memref<2x4x64xi32, #tpu.memory_space<vmem>> -> memref<1x1x64xi32, #tpu.memory_space<vmem>>
      %dma_wait3A_494 = tpu.memref_squeeze %dma_wait3A_493 : memref<1x1x64xi32, #tpu.memory_space<vmem>> -> memref<64xi32, #tpu.memory_space<vmem>>
      %dma_wait3A_495 = arith.constant 0 : i32
      %dma_wait3A_496 = arith.constant 0 : i32
      %dma_wait3A_497 = tpu.memref_slice %arg2[%dma_wait3A_495, %dma_wait3A_496] : memref<10000x128xf32, #tpu.memory_space<hbm>> -> memref<10000x128xf32, #tpu.memory_space<hbm>>
      tpu.wait_indirect_dma semaphore(%arg16 : memref<!tpu.dma_semaphore, #tpu.memory_space<semaphore_mem>>) src(%dma_wait3A_497 : memref<10000x128xf32, #tpu.memory_space<hbm>>) dst(%arg10 : memref<64x128xf32, #tpu.memory_space<vmem>>)
      %dma_wait3A_498 = arith.constant 1 : i32
      %dma_wait3A_499 = arith.constant 1 : i32
      %dma_wait3A_500 = arith.constant 0 : i32
      %dma_wait3A_501 = tpu.memref_slice %arg7[%dma_wait3A_498, %dma_wait3A_499, %dma_wait3A_500] : memref<2x4x64xi32, #tpu.memory_space<vmem>> -> memref<1x1x64xi32, #tpu.memory_space<vmem>>
      %dma_wait3A_502 = tpu.memref_squeeze %dma_wait3A_501 : memref<1x1x64xi32, #tpu.memory_space<vmem>> -> memref<64xi32, #tpu.memory_space<vmem>>
      %dma_wait3A_503 = arith.constant 0 : i32
      %dma_wait3A_504 = arith.constant 0 : i32
      %dma_wait3A_505 = tpu.memref_slice %arg13[%dma_wait3A_503, %dma_wait3A_504] : memref<10240x128xf32, #tpu.memory_space<vmem_shared>> -> memref<10240x128xf32, #tpu.memory_space<vmem_shared>>
      tpu.wait_indirect_dma semaphore(%arg19 : memref<!tpu.dma_semaphore, #tpu.memory_space<semaphore_mem>>) src(%arg9 : memref<64x128xf32, #tpu.memory_space<vmem>>) dst(%dma_wait3A_505 : memref<10240x128xf32, #tpu.memory_space<vmem_shared>>)
      %dma_start3A_506 = arith.constant 1 : i32
      %dma_start3A_507 = arith.constant 2 : i32
      %dma_start3A_508 = arith.constant 0 : i32
      %dma_start3A_509 = tpu.memref_slice %arg7[%dma_start3A_506, %dma_start3A_507, %dma_start3A_508] : memref<2x4x64xi32, #tpu.memory_space<vmem>> -> memref<1x1x64xi32, #tpu.memory_space<vmem>>
      %dma_start3A_510 = tpu.memref_squeeze %dma_start3A_509 : memref<1x1x64xi32, #tpu.memory_space<vmem>> -> memref<64xi32, #tpu.memory_space<vmem>>
      %dma_start3A_511 = arith.constant 0 : i32
      %dma_start3A_512 = arith.constant 0 : i32
      %dma_start3A_513 = tpu.memref_slice %arg13[%dma_start3A_511, %dma_start3A_512] : memref<10240x128xf32, #tpu.memory_space<vmem_shared>> -> memref<10240x128xf32, #tpu.memory_space<vmem_shared>>
      tpu.enqueue_indirect_dma source(%arg10 : memref<64x128xf32, #tpu.memory_space<vmem>>) target(%dma_start3A_513 : memref<10240x128xf32, #tpu.memory_space<vmem_shared>>) offsets(%dma_start3A_510 : memref<64xi32, #tpu.memory_space<vmem>>) semaphore(%arg20 : memref<!tpu.dma_semaphore, #tpu.memory_space<semaphore_mem>>) {add = true}
      %get3A_514 = arith.constant 1 : i32
      %get3A_515 = arith.constant 2 : i32
      %get3A_516 = arith.index_cast %get3A_514 : i32 to index
      %get3A_517 = arith.index_cast %get3A_515 : i32 to index
      %get3A_518 = arith.constant 0 : index
      %get3A_519 = tpu.vector_load %arg7[%get3A_516, %get3A_517, %get3A_518] {strides = array<i32>} : memref<2x4x64xi32, #tpu.memory_space<vmem>>, vector<16xi32>,
      tpu.vector_store_idx %arg12[%get3A_519], %broadcast_in_dim3A_5 {add = true} : memref<10240xf32, #tpu.memory_space<vmem>>[vector<16xi32>], vector<16xf32>,
      %get3A_520 = arith.constant 1 : i32
      %get3A_521 = arith.constant 2 : i32
      %get3A_522 = arith.index_cast %get3A_520 : i32 to index
      %get3A_523 = arith.index_cast %get3A_521 : i32 to index
      %get3A_524 = arith.constant 16 : index
      %get3A_525 = tpu.vector_load %arg7[%get3A_522, %get3A_523, %get3A_524] {strides = array<i32>} : memref<2x4x64xi32, #tpu.memory_space<vmem>>, vector<16xi32>,
      tpu.vector_store_idx %arg12[%get3A_525], %broadcast_in_dim3A_5 {add = true} : memref<10240xf32, #tpu.memory_space<vmem>>[vector<16xi32>], vector<16xf32>,
      %get3A_526 = arith.constant 1 : i32
      %get3A_527 = arith.constant 2 : i32
      %get3A_528 = arith.index_cast %get3A_526 : i32 to index
      %get3A_529 = arith.index_cast %get3A_527 : i32 to index
      %get3A_530 = arith.constant 32 : index
      %get3A_531 = tpu.vector_load %arg7[%get3A_528, %get3A_529, %get3A_530] {strides = array<i32>} : memref<2x4x64xi32, #tpu.memory_space<vmem>>, vector<16xi32>,
      tpu.vector_store_idx %arg12[%get3A_531], %broadcast_in_dim3A_5 {add = true} : memref<10240xf32, #tpu.memory_space<vmem>>[vector<16xi32>], vector<16xf32>,
      %get3A_532 = arith.constant 1 : i32
      %get3A_533 = arith.constant 2 : i32
      %get3A_534 = arith.index_cast %get3A_532 : i32 to index
      %get3A_535 = arith.index_cast %get3A_533 : i32 to index
      %get3A_536 = arith.constant 48 : index
      %get3A_537 = tpu.vector_load %arg7[%get3A_534, %get3A_535, %get3A_536] {strides = array<i32>} : memref<2x4x64xi32, #tpu.memory_space<vmem>>, vector<16xi32>,
      tpu.vector_store_idx %arg12[%get3A_537], %broadcast_in_dim3A_5 {add = true} : memref<10240xf32, #tpu.memory_space<vmem>>[vector<16xi32>], vector<16xf32>,
      %lt3A_538 = arith.constant 19 : i32
      %lt3A_539 = arith.cmpi slt, %scan3A_134, %lt3A_538 : i32
      %convert_element_type3A_540 = arith.extui %lt3A_539 : i1 to i32
      %cond3A_541 = arith.constant 0 : i32
      %cond3A_542 = arith.cmpi ne, %convert_element_type3A_540, %cond3A_541 : i32
      scf.if %cond3A_542 {
        %dma_start3A_591 = arith.constant 0 : i32
        %dma_start3A_592 = arith.constant 1 : i32
        %dma_start3A_593 = arith.constant 0 : i32
        %dma_start3A_594 = tpu.memref_slice %arg6[%dma_start3A_591, %dma_start3A_592, %dma_start3A_593] : memref<2x4x64xi32, #tpu.memory_space<vmem>> -> memref<1x1x64xi32, #tpu.memory_space<vmem>>
        %dma_start3A_595 = tpu.memref_squeeze %dma_start3A_594 : memref<1x1x64xi32, #tpu.memory_space<vmem>> -> memref<64xi32, #tpu.memory_space<vmem>>
        %dma_start3A_596 = arith.constant 0 : i32
        %dma_start3A_597 = arith.constant 0 : i32
        %dma_start3A_598 = tpu.memref_slice %arg2[%dma_start3A_596, %dma_start3A_597] : memref<10000x128xf32, #tpu.memory_space<hbm>> -> memref<10000x128xf32, #tpu.memory_space<hbm>>
        tpu.enqueue_indirect_dma source(%dma_start3A_598 : memref<10000x128xf32, #tpu.memory_space<hbm>>) target(%arg9 : memref<64x128xf32, #tpu.memory_space<vmem>>) offsets(%dma_start3A_595 : memref<64xi32, #tpu.memory_space<vmem>>) semaphore(%arg15 : memref<!tpu.dma_semaphore, #tpu.memory_space<semaphore_mem>>)
      } else {
      }
      %dma_wait3A_543 = arith.constant 0 : i32
      %dma_wait3A_544 = arith.constant 3 : i32
      %dma_wait3A_545 = arith.constant 0 : i32
      %dma_wait3A_546 = tpu.memref_slice %arg7[%dma_wait3A_543, %dma_wait3A_544, %dma_wait3A_545] : memref<2x4x64xi32, #tpu.memory_space<vmem>> -> memref<1x1x64xi32, #tpu.memory_space<vmem>>
      %dma_wait3A_547 = tpu.memref_squeeze %dma_wait3A_546 : memref<1x1x64xi32, #tpu.memory_space<vmem>> -> memref<64xi32, #tpu.memory_space<vmem>>
      %dma_wait3A_548 = arith.constant 0 : i32
      %dma_wait3A_549 = arith.constant 0 : i32
      %dma_wait3A_550 = tpu.memref_slice %arg2[%dma_wait3A_548, %dma_wait3A_549] : memref<10000x128xf32, #tpu.memory_space<hbm>> -> memref<10000x128xf32, #tpu.memory_space<hbm>>
      tpu.wait_indirect_dma semaphore(%arg17 : memref<!tpu.dma_semaphore, #tpu.memory_space<semaphore_mem>>) src(%dma_wait3A_550 : memref<10000x128xf32, #tpu.memory_space<hbm>>) dst(%arg11 : memref<64x128xf32, #tpu.memory_space<vmem>>)
      %dma_wait3A_551 = arith.constant 1 : i32
      %dma_wait3A_552 = arith.constant 2 : i32
      %dma_wait3A_553 = arith.constant 0 : i32
      %dma_wait3A_554 = tpu.memref_slice %arg7[%dma_wait3A_551, %dma_wait3A_552, %dma_wait3A_553] : memref<2x4x64xi32, #tpu.memory_space<vmem>> -> memref<1x1x64xi32, #tpu.memory_space<vmem>>
      %dma_wait3A_555 = tpu.memref_squeeze %dma_wait3A_554 : memref<1x1x64xi32, #tpu.memory_space<vmem>> -> memref<64xi32, #tpu.memory_space<vmem>>
      %dma_wait3A_556 = arith.constant 0 : i32
      %dma_wait3A_557 = arith.constant 0 : i32
      %dma_wait3A_558 = tpu.memref_slice %arg13[%dma_wait3A_556, %dma_wait3A_557] : memref<10240x128xf32, #tpu.memory_space<vmem_shared>> -> memref<10240x128xf32, #tpu.memory_space<vmem_shared>>
      tpu.wait_indirect_dma semaphore(%arg20 : memref<!tpu.dma_semaphore, #tpu.memory_space<semaphore_mem>>) src(%arg10 : memref<64x128xf32, #tpu.memory_space<vmem>>) dst(%dma_wait3A_558 : memref<10240x128xf32, #tpu.memory_space<vmem_shared>>)
      %dma_start3A_559 = arith.constant 1 : i32
      %dma_start3A_560 = arith.constant 3 : i32
      %dma_start3A_561 = arith.constant 0 : i32
      %dma_start3A_562 = tpu.memref_slice %arg7[%dma_start3A_559, %dma_start3A_560, %dma_start3A_561] : memref<2x4x64xi32, #tpu.memory_space<vmem>> -> memref<1x1x64xi32, #tpu.memory_space<vmem>>
      %dma_start3A_563 = tpu.memref_squeeze %dma_start3A_562 : memref<1x1x64xi32, #tpu.memory_space<vmem>> -> memref<64xi32, #tpu.memory_space<vmem>>
      %dma_start3A_564 = arith.constant 0 : i32
      %dma_start3A_565 = arith.constant 0 : i32
      %dma_start3A_566 = tpu.memref_slice %arg13[%dma_start3A_564, %dma_start3A_565] : memref<10240x128xf32, #tpu.memory_space<vmem_shared>> -> memref<10240x128xf32, #tpu.memory_space<vmem_shared>>
      tpu.enqueue_indirect_dma source(%arg11 : memref<64x128xf32, #tpu.memory_space<vmem>>) target(%dma_start3A_566 : memref<10240x128xf32, #tpu.memory_space<vmem_shared>>) offsets(%dma_start3A_563 : memref<64xi32, #tpu.memory_space<vmem>>) semaphore(%arg21 : memref<!tpu.dma_semaphore, #tpu.memory_space<semaphore_mem>>) {add = true}
      %get3A_567 = arith.constant 1 : i32
      %get3A_568 = arith.constant 3 : i32
      %get3A_569 = arith.index_cast %get3A_567 : i32 to index
      %get3A_570 = arith.index_cast %get3A_568 : i32 to index
      %get3A_571 = arith.constant 0 : index
      %get3A_572 = tpu.vector_load %arg7[%get3A_569, %get3A_570, %get3A_571] {strides = array<i32>} : memref<2x4x64xi32, #tpu.memory_space<vmem>>, vector<16xi32>,
      tpu.vector_store_idx %arg12[%get3A_572], %broadcast_in_dim3A_5 {add = true} : memref<10240xf32, #tpu.memory_space<vmem>>[vector<16xi32>], vector<16xf32>,
      %get3A_573 = arith.constant 1 : i32
      %get3A_574 = arith.constant 3 : i32
      %get3A_575 = arith.index_cast %get3A_573 : i32 to index
      %get3A_576 = arith.index_cast %get3A_574 : i32 to index
      %get3A_577 = arith.constant 16 : index
      %get3A_578 = tpu.vector_load %arg7[%get3A_575, %get3A_576, %get3A_577] {strides = array<i32>} : memref<2x4x64xi32, #tpu.memory_space<vmem>>, vector<16xi32>,
      tpu.vector_store_idx %arg12[%get3A_578], %broadcast_in_dim3A_5 {add = true} : memref<10240xf32, #tpu.memory_space<vmem>>[vector<16xi32>], vector<16xf32>,
      %get3A_579 = arith.constant 1 : i32
      %get3A_580 = arith.constant 3 : i32
      %get3A_581 = arith.index_cast %get3A_579 : i32 to index
      %get3A_582 = arith.index_cast %get3A_580 : i32 to index
      %get3A_583 = arith.constant 32 : index
      %get3A_584 = tpu.vector_load %arg7[%get3A_581, %get3A_582, %get3A_583] {strides = array<i32>} : memref<2x4x64xi32, #tpu.memory_space<vmem>>, vector<16xi32>,
      tpu.vector_store_idx %arg12[%get3A_584], %broadcast_in_dim3A_5 {add = true} : memref<10240xf32, #tpu.memory_space<vmem>>[vector<16xi32>], vector<16xf32>,
      %get3A_585 = arith.constant 1 : i32
      %get3A_586 = arith.constant 3 : i32
      %get3A_587 = arith.index_cast %get3A_585 : i32 to index
      %get3A_588 = arith.index_cast %get3A_586 : i32 to index
      %get3A_589 = arith.constant 48 : index
      %get3A_590 = tpu.vector_load %arg7[%get3A_587, %get3A_588, %get3A_589] {strides = array<i32>} : memref<2x4x64xi32, #tpu.memory_space<vmem>>, vector<16xi32>,
      tpu.vector_store_idx %arg12[%get3A_590], %broadcast_in_dim3A_5 {add = true} : memref<10240xf32, #tpu.memory_space<vmem>>[vector<16xi32>], vector<16xf32>,
    }
    %scan3A_85 = arith.constant 20 : i32
    %dma_wait3A = arith.constant 1 : i32
    %dma_wait3A_86 = arith.constant 3 : i32
    %dma_wait3A_87 = arith.constant 0 : i32
    %dma_wait3A_88 = tpu.memref_slice %arg7[%dma_wait3A, %dma_wait3A_86, %dma_wait3A_87] : memref<2x4x64xi32, #tpu.memory_space<vmem>> -> memref<1x1x64xi32, #tpu.memory_space<vmem>>
    %dma_wait3A_89 = tpu.memref_squeeze %dma_wait3A_88 : memref<1x1x64xi32, #tpu.memory_space<vmem>> -> memref<64xi32, #tpu.memory_space<vmem>>
    %dma_wait3A_90 = arith.constant 0 : i32
    %dma_wait3A_91 = arith.constant 0 : i32
    %dma_wait3A_92 = tpu.memref_slice %arg13[%dma_wait3A_90, %dma_wait3A_91] : memref<10240x128xf32, #tpu.memory_space<vmem_shared>> -> memref<10240x128xf32, #tpu.memory_space<vmem_shared>>
    tpu.wait_indirect_dma semaphore(%arg21 : memref<!tpu.dma_semaphore, #tpu.memory_space<semaphore_mem>>) src(%arg11 : memref<64x128xf32, #tpu.memory_space<vmem>>) dst(%dma_wait3A_92 : memref<10240x128xf32, #tpu.memory_space<vmem_shared>>)
    %barrier3A_93 = arith.constant 0 : index
    tpu.barrier barrier_id(%barrier3A_93)
    %mul3A_94 = arith.constant 640 : i32
    %mul3A_95 = arith.muli %arg1, %mul3A_94 : i32
    %add3A_96 = arith.constant 0 : i32
    %add3A_97 = arith.addi %mul3A_95, %add3A_96 : i32
    "tpu.region"() ({
      %run_scoped3A = tpu.sem_alloc : memref<!tpu.dma_semaphore, #tpu.memory_space<semaphore_mem>>
      %dma_start3A_134 = arith.constant 0 : i32
      %dma_start3A_135 = tpu.memref_slice %arg13[%add3A_97, %dma_start3A_134] : memref<10240x128xf32, #tpu.memory_space<vmem_shared>> -> memref<64x128xf32, #tpu.memory_space<vmem_shared>>
      %dma_start3A_136 = arith.constant 0 : i32
      %dma_start3A_137 = tpu.memref_slice %arg13[%add3A_97, %dma_start3A_136] : memref<10240x128xf32, #tpu.memory_space<vmem_shared>> -> memref<64x128xf32, #tpu.memory_space<vmem_shared>>
      tpu.enqueue_dma source(%dma_start3A_137 : memref<64x128xf32, #tpu.memory_space<vmem_shared>>) target(%arg8 : memref<64x128xf32, #tpu.memory_space<vmem>>) target_semaphore(%run_scoped3A : memref<!tpu.dma_semaphore, #tpu.memory_space<semaphore_mem>>)
      %dma_wait3A_138 = arith.constant 0 : i32
      %dma_wait3A_139 = tpu.memref_slice %arg13[%add3A_97, %dma_wait3A_138] : memref<10240x128xf32, #tpu.memory_space<vmem_shared>> -> memref<64x128xf32, #tpu.memory_space<vmem_shared>>
      %dma_wait3A_140 = arith.constant 0 : i32
      %dma_wait3A_141 = tpu.memref_slice %arg13[%add3A_97, %dma_wait3A_140] : memref<10240x128xf32, #tpu.memory_space<vmem_shared>> -> memref<64x128xf32, #tpu.memory_space<vmem_shared>>
      tpu.wait_dma2 semaphore(%run_scoped3A : memref<!tpu.dma_semaphore, #tpu.memory_space<semaphore_mem>>) src(%dma_wait3A_141 : memref<64x128xf32, #tpu.memory_space<vmem_shared>>) dst(%arg8 : memref<64x128xf32, #tpu.memory_space<vmem>>)
      tpu.yield
    }) : () -> ()
    "tpu.region"() ({
      %run_scoped3A = tpu.sem_alloc : memref<!tpu.dma_semaphore, #tpu.memory_space<semaphore_mem>>
      %dma_start3A_134 = arith.constant 0 : i32
      %dma_start3A_135 = arith.constant 0 : i32
      %dma_start3A_136 = tpu.memref_slice %arg4[%arg0, %dma_start3A_134, %dma_start3A_135] : memref<2x10240x128xf32, #tpu.memory_space<hbm>> -> memref<1x10240x128xf32, #tpu.memory_space<hbm>>
      %dma_start3A_137 = tpu.memref_squeeze %dma_start3A_136 : memref<1x10240x128xf32, #tpu.memory_space<hbm>> -> memref<10240x128xf32, #tpu.memory_space<hbm>>
      %dma_start3A_138 = arith.constant 0 : i32
      %dma_start3A_139 = tpu.memref_slice %dma_start3A_137[%add3A_97, %dma_start3A_138] : memref<10240x128xf32, #tpu.memory_space<hbm>> -> memref<64x128xf32, #tpu.memory_space<hbm>>
      %dma_start3A_140 = arith.constant 0 : i32
      %dma_start3A_141 = arith.constant 0 : i32
      %dma_start3A_142 = tpu.memref_slice %arg4[%arg0, %dma_start3A_140, %dma_start3A_141] : memref<2x10240x128xf32, #tpu.memory_space<hbm>> -> memref<1x10240x128xf32, #tpu.memory_space<hbm>>
      %dma_start3A_143 = tpu.memref_squeeze %dma_start3A_142 : memref<1x10240x128xf32, #tpu.memory_space<hbm>> -> memref<10240x128xf32, #tpu.memory_space<hbm>>
      %dma_start3A_144 = arith.constant 0 : i32
      %dma_start3A_145 = tpu.memref_slice %dma_start3A_143[%add3A_97, %dma_start3A_144] : memref<10240x128xf32, #tpu.memory_space<hbm>> -> memref<64x128xf32, #tpu.memory_space<hbm>>
      tpu.enqueue_dma source(%arg8 : memref<64x128xf32, #tpu.memory_space<vmem>>) target(%dma_start3A_145 : memref<64x128xf32, #tpu.memory_space<hbm>>) target_semaphore(%run_scoped3A : memref<!tpu.dma_semaphore, #tpu.memory_space<semaphore_mem>>)
      %dma_wait3A_146 = arith.constant 0 : i32
      %dma_wait3A_147 = arith.constant 0 : i32
      %dma_wait3A_148 = tpu.memref_slice %arg4[%arg0, %dma_wait3A_146, %dma_wait3A_147] : memref<2x10240x128xf32, #tpu.memory_space<hbm>> -> memref<1x10240x128xf32, #tpu.memory_space<hbm>>
      %dma_wait3A_149 = tpu.memref_squeeze %dma_wait3A_148 : memref<1x10240x128xf32, #tpu.memory_space<hbm>> -> memref<10240x128xf32, #tpu.memory_space<hbm>>
      %dma_wait3A_150 = arith.constant 0 : i32
      %dma_wait3A_151 = tpu.memref_slice %dma_wait3A_149[%add3A_97, %dma_wait3A_150] : memref<10240x128xf32, #tpu.memory_space<hbm>> -> memref<64x128xf32, #tpu.memory_space<hbm>>
      %dma_wait3A_152 = arith.constant 0 : i32
      %dma_wait3A_153 = arith.constant 0 : i32
      %dma_wait3A_154 = tpu.memref_slice %arg4[%arg0, %dma_wait3A_152, %dma_wait3A_153] : memref<2x10240x128xf32, #tpu.memory_space<hbm>> -> memref<1x10240x128xf32, #tpu.memory_space<hbm>>
      %dma_wait3A_155 = tpu.memref_squeeze %dma_wait3A_154 : memref<1x10240x128xf32, #tpu.memory_space<hbm>> -> memref<10240x128xf32, #tpu.memory_space<hbm>>
      %dma_wait3A_156 = arith.constant 0 : i32
      %dma_wait3A_157 = tpu.memref_slice %dma_wait3A_155[%add3A_97, %dma_wait3A_156] : memref<10240x128xf32, #tpu.memory_space<hbm>> -> memref<64x128xf32, #tpu.memory_space<hbm>>
      tpu.wait_dma2 semaphore(%run_scoped3A : memref<!tpu.dma_semaphore, #tpu.memory_space<semaphore_mem>>) src(%arg8 : memref<64x128xf32, #tpu.memory_space<vmem>>) dst(%dma_wait3A_157 : memref<64x128xf32, #tpu.memory_space<hbm>>)
      tpu.yield
    }) : () -> ()
    %mul3A_98 = arith.constant 640 : i32
    %mul3A_99 = arith.muli %arg1, %mul3A_98 : i32
    %add3A_100 = arith.constant 64 : i32
    %add3A_101 = arith.addi %mul3A_99, %add3A_100 : i32
    "tpu.region"() ({
      %run_scoped3A = tpu.sem_alloc : memref<!tpu.dma_semaphore, #tpu.memory_space<semaphore_mem>>
      %dma_start3A_134 = arith.constant 0 : i32
      %dma_start3A_135 = tpu.memref_slice %arg13[%add3A_101, %dma_start3A_134] : memref<10240x128xf32, #tpu.memory_space<vmem_shared>> -> memref<64x128xf32, #tpu.memory_space<vmem_shared>>
      %dma_start3A_136 = arith.constant 0 : i32
      %dma_start3A_137 = tpu.memref_slice %arg13[%add3A_101, %dma_start3A_136] : memref<10240x128xf32, #tpu.memory_space<vmem_shared>> -> memref<64x128xf32, #tpu.memory_space<vmem_shared>>
      tpu.enqueue_dma source(%dma_start3A_137 : memref<64x128xf32, #tpu.memory_space<vmem_shared>>) target(%arg8 : memref<64x128xf32, #tpu.memory_space<vmem>>) target_semaphore(%run_scoped3A : memref<!tpu.dma_semaphore, #tpu.memory_space<semaphore_mem>>)
      %dma_wait3A_138 = arith.constant 0 : i32
      %dma_wait3A_139 = tpu.memref_slice %arg13[%add3A_101, %dma_wait3A_138] : memref<10240x128xf32, #tpu.memory_space<vmem_shared>> -> memref<64x128xf32, #tpu.memory_space<vmem_shared>>
      %dma_wait3A_140 = arith.constant 0 : i32
      %dma_wait3A_141 = tpu.memref_slice %arg13[%add3A_101, %dma_wait3A_140] : memref<10240x128xf32, #tpu.memory_space<vmem_shared>> -> memref<64x128xf32, #tpu.memory_space<vmem_shared>>
      tpu.wait_dma2 semaphore(%run_scoped3A : memref<!tpu.dma_semaphore, #tpu.memory_space<semaphore_mem>>) src(%dma_wait3A_141 : memref<64x128xf32, #tpu.memory_space<vmem_shared>>) dst(%arg8 : memref<64x128xf32, #tpu.memory_space<vmem>>)
      tpu.yield
    }) : () -> ()
    "tpu.region"() ({
      %run_scoped3A = tpu.sem_alloc : memref<!tpu.dma_semaphore, #tpu.memory_space<semaphore_mem>>
      %dma_start3A_134 = arith.constant 0 : i32
      %dma_start3A_135 = arith.constant 0 : i32
      %dma_start3A_136 = tpu.memref_slice %arg4[%arg0, %dma_start3A_134, %dma_start3A_135] : memref<2x10240x128xf32, #tpu.memory_space<hbm>> -> memref<1x10240x128xf32, #tpu.memory_space<hbm>>
      %dma_start3A_137 = tpu.memref_squeeze %dma_start3A_136 : memref<1x10240x128xf32, #tpu.memory_space<hbm>> -> memref<10240x128xf32, #tpu.memory_space<hbm>>
      %dma_start3A_138 = arith.constant 0 : i32
      %dma_start3A_139 = tpu.memref_slice %dma_start3A_137[%add3A_101, %dma_start3A_138] : memref<10240x128xf32, #tpu.memory_space<hbm>> -> memref<64x128xf32, #tpu.memory_space<hbm>>
      %dma_start3A_140 = arith.constant 0 : i32
      %dma_start3A_141 = arith.constant 0 : i32
      %dma_start3A_142 = tpu.memref_slice %arg4[%arg0, %dma_start3A_140, %dma_start3A_141] : memref<2x10240x128xf32, #tpu.memory_space<hbm>> -> memref<1x10240x128xf32, #tpu.memory_space<hbm>>
      %dma_start3A_143 = tpu.memref_squeeze %dma_start3A_142 : memref<1x10240x128xf32, #tpu.memory_space<hbm>> -> memref<10240x128xf32, #tpu.memory_space<hbm>>
      %dma_start3A_144 = arith.constant 0 : i32
      %dma_start3A_145 = tpu.memref_slice %dma_start3A_143[%add3A_101, %dma_start3A_144] : memref<10240x128xf32, #tpu.memory_space<hbm>> -> memref<64x128xf32, #tpu.memory_space<hbm>>
      tpu.enqueue_dma source(%arg8 : memref<64x128xf32, #tpu.memory_space<vmem>>) target(%dma_start3A_145 : memref<64x128xf32, #tpu.memory_space<hbm>>) target_semaphore(%run_scoped3A : memref<!tpu.dma_semaphore, #tpu.memory_space<semaphore_mem>>)
      %dma_wait3A_146 = arith.constant 0 : i32
      %dma_wait3A_147 = arith.constant 0 : i32
      %dma_wait3A_148 = tpu.memref_slice %arg4[%arg0, %dma_wait3A_146, %dma_wait3A_147] : memref<2x10240x128xf32, #tpu.memory_space<hbm>> -> memref<1x10240x128xf32, #tpu.memory_space<hbm>>
      %dma_wait3A_149 = tpu.memref_squeeze %dma_wait3A_148 : memref<1x10240x128xf32, #tpu.memory_space<hbm>> -> memref<10240x128xf32, #tpu.memory_space<hbm>>
      %dma_wait3A_150 = arith.constant 0 : i32
      %dma_wait3A_151 = tpu.memref_slice %dma_wait3A_149[%add3A_101, %dma_wait3A_150] : memref<10240x128xf32, #tpu.memory_space<hbm>> -> memref<64x128xf32, #tpu.memory_space<hbm>>
      %dma_wait3A_152 = arith.constant 0 : i32
      %dma_wait3A_153 = arith.constant 0 : i32
      %dma_wait3A_154 = tpu.memref_slice %arg4[%arg0, %dma_wait3A_152, %dma_wait3A_153] : memref<2x10240x128xf32, #tpu.memory_space<hbm>> -> memref<1x10240x128xf32, #tpu.memory_space<hbm>>
      %dma_wait3A_155 = tpu.memref_squeeze %dma_wait3A_154 : memref<1x10240x128xf32, #tpu.memory_space<hbm>> -> memref<10240x128xf32, #tpu.memory_space<hbm>>
      %dma_wait3A_156 = arith.constant 0 : i32
      %dma_wait3A_157 = tpu.memref_slice %dma_wait3A_155[%add3A_101, %dma_wait3A_156] : memref<10240x128xf32, #tpu.memory_space<hbm>> -> memref<64x128xf32, #tpu.memory_space<hbm>>
      tpu.wait_dma2 semaphore(%run_scoped3A : memref<!tpu.dma_semaphore, #tpu.memory_space<semaphore_mem>>) src(%arg8 : memref<64x128xf32, #tpu.memory_space<vmem>>) dst(%dma_wait3A_157 : memref<64x128xf32, #tpu.memory_space<hbm>>)
      tpu.yield
    }) : () -> ()
    %mul3A_102 = arith.constant 640 : i32
    %mul3A_103 = arith.muli %arg1, %mul3A_102 : i32
    %add3A_104 = arith.constant 128 : i32
    %add3A_105 = arith.addi %mul3A_103, %add3A_104 : i32
    "tpu.region"() ({
      %run_scoped3A = tpu.sem_alloc : memref<!tpu.dma_semaphore, #tpu.memory_space<semaphore_mem>>
      %dma_start3A_134 = arith.constant 0 : i32
      %dma_start3A_135 = tpu.memref_slice %arg13[%add3A_105, %dma_start3A_134] : memref<10240x128xf32, #tpu.memory_space<vmem_shared>> -> memref<64x128xf32, #tpu.memory_space<vmem_shared>>
      %dma_start3A_136 = arith.constant 0 : i32
      %dma_start3A_137 = tpu.memref_slice %arg13[%add3A_105, %dma_start3A_136] : memref<10240x128xf32, #tpu.memory_space<vmem_shared>> -> memref<64x128xf32, #tpu.memory_space<vmem_shared>>
      tpu.enqueue_dma source(%dma_start3A_137 : memref<64x128xf32, #tpu.memory_space<vmem_shared>>) target(%arg8 : memref<64x128xf32, #tpu.memory_space<vmem>>) target_semaphore(%run_scoped3A : memref<!tpu.dma_semaphore, #tpu.memory_space<semaphore_mem>>)
      %dma_wait3A_138 = arith.constant 0 : i32
      %dma_wait3A_139 = tpu.memref_slice %arg13[%add3A_105, %dma_wait3A_138] : memref<10240x128xf32, #tpu.memory_space<vmem_shared>> -> memref<64x128xf32, #tpu.memory_space<vmem_shared>>
      %dma_wait3A_140 = arith.constant 0 : i32
      %dma_wait3A_141 = tpu.memref_slice %arg13[%add3A_105, %dma_wait3A_140] : memref<10240x128xf32, #tpu.memory_space<vmem_shared>> -> memref<64x128xf32, #tpu.memory_space<vmem_shared>>
      tpu.wait_dma2 semaphore(%run_scoped3A : memref<!tpu.dma_semaphore, #tpu.memory_space<semaphore_mem>>) src(%dma_wait3A_141 : memref<64x128xf32, #tpu.memory_space<vmem_shared>>) dst(%arg8 : memref<64x128xf32, #tpu.memory_space<vmem>>)
      tpu.yield
    }) : () -> ()
    "tpu.region"() ({
      %run_scoped3A = tpu.sem_alloc : memref<!tpu.dma_semaphore, #tpu.memory_space<semaphore_mem>>
      %dma_start3A_134 = arith.constant 0 : i32
      %dma_start3A_135 = arith.constant 0 : i32
      %dma_start3A_136 = tpu.memref_slice %arg4[%arg0, %dma_start3A_134, %dma_start3A_135] : memref<2x10240x128xf32, #tpu.memory_space<hbm>> -> memref<1x10240x128xf32, #tpu.memory_space<hbm>>
      %dma_start3A_137 = tpu.memref_squeeze %dma_start3A_136 : memref<1x10240x128xf32, #tpu.memory_space<hbm>> -> memref<10240x128xf32, #tpu.memory_space<hbm>>
      %dma_start3A_138 = arith.constant 0 : i32
      %dma_start3A_139 = tpu.memref_slice %dma_start3A_137[%add3A_105, %dma_start3A_138] : memref<10240x128xf32, #tpu.memory_space<hbm>> -> memref<64x128xf32, #tpu.memory_space<hbm>>
      %dma_start3A_140 = arith.constant 0 : i32
      %dma_start3A_141 = arith.constant 0 : i32
      %dma_start3A_142 = tpu.memref_slice %arg4[%arg0, %dma_start3A_140, %dma_start3A_141] : memref<2x10240x128xf32, #tpu.memory_space<hbm>> -> memref<1x10240x128xf32, #tpu.memory_space<hbm>>
      %dma_start3A_143 = tpu.memref_squeeze %dma_start3A_142 : memref<1x10240x128xf32, #tpu.memory_space<hbm>> -> memref<10240x128xf32, #tpu.memory_space<hbm>>
      %dma_start3A_144 = arith.constant 0 : i32
      %dma_start3A_145 = tpu.memref_slice %dma_start3A_143[%add3A_105, %dma_start3A_144] : memref<10240x128xf32, #tpu.memory_space<hbm>> -> memref<64x128xf32, #tpu.memory_space<hbm>>
      tpu.enqueue_dma source(%arg8 : memref<64x128xf32, #tpu.memory_space<vmem>>) target(%dma_start3A_145 : memref<64x128xf32, #tpu.memory_space<hbm>>) target_semaphore(%run_scoped3A : memref<!tpu.dma_semaphore, #tpu.memory_space<semaphore_mem>>)
      %dma_wait3A_146 = arith.constant 0 : i32
      %dma_wait3A_147 = arith.constant 0 : i32
      %dma_wait3A_148 = tpu.memref_slice %arg4[%arg0, %dma_wait3A_146, %dma_wait3A_147] : memref<2x10240x128xf32, #tpu.memory_space<hbm>> -> memref<1x10240x128xf32, #tpu.memory_space<hbm>>
      %dma_wait3A_149 = tpu.memref_squeeze %dma_wait3A_148 : memref<1x10240x128xf32, #tpu.memory_space<hbm>> -> memref<10240x128xf32, #tpu.memory_space<hbm>>
      %dma_wait3A_150 = arith.constant 0 : i32
      %dma_wait3A_151 = tpu.memref_slice %dma_wait3A_149[%add3A_105, %dma_wait3A_150] : memref<10240x128xf32, #tpu.memory_space<hbm>> -> memref<64x128xf32, #tpu.memory_space<hbm>>
      %dma_wait3A_152 = arith.constant 0 : i32
      %dma_wait3A_153 = arith.constant 0 : i32
      %dma_wait3A_154 = tpu.memref_slice %arg4[%arg0, %dma_wait3A_152, %dma_wait3A_153] : memref<2x10240x128xf32, #tpu.memory_space<hbm>> -> memref<1x10240x128xf32, #tpu.memory_space<hbm>>
      %dma_wait3A_155 = tpu.memref_squeeze %dma_wait3A_154 : memref<1x10240x128xf32, #tpu.memory_space<hbm>> -> memref<10240x128xf32, #tpu.memory_space<hbm>>
      %dma_wait3A_156 = arith.constant 0 : i32
      %dma_wait3A_157 = tpu.memref_slice %dma_wait3A_155[%add3A_105, %dma_wait3A_156] : memref<10240x128xf32, #tpu.memory_space<hbm>> -> memref<64x128xf32, #tpu.memory_space<hbm>>
      tpu.wait_dma2 semaphore(%run_scoped3A : memref<!tpu.dma_semaphore, #tpu.memory_space<semaphore_mem>>) src(%arg8 : memref<64x128xf32, #tpu.memory_space<vmem>>) dst(%dma_wait3A_157 : memref<64x128xf32, #tpu.memory_space<hbm>>)
      tpu.yield
    }) : () -> ()
    %mul3A_106 = arith.constant 640 : i32
    %mul3A_107 = arith.muli %arg1, %mul3A_106 : i32
    %add3A_108 = arith.constant 192 : i32
    %add3A_109 = arith.addi %mul3A_107, %add3A_108 : i32
    "tpu.region"() ({
      %run_scoped3A = tpu.sem_alloc : memref<!tpu.dma_semaphore, #tpu.memory_space<semaphore_mem>>
      %dma_start3A_134 = arith.constant 0 : i32
      %dma_start3A_135 = tpu.memref_slice %arg13[%add3A_109, %dma_start3A_134] : memref<10240x128xf32, #tpu.memory_space<vmem_shared>> -> memref<64x128xf32, #tpu.memory_space<vmem_shared>>
      %dma_start3A_136 = arith.constant 0 : i32
      %dma_start3A_137 = tpu.memref_slice %arg13[%add3A_109, %dma_start3A_136] : memref<10240x128xf32, #tpu.memory_space<vmem_shared>> -> memref<64x128xf32, #tpu.memory_space<vmem_shared>>
      tpu.enqueue_dma source(%dma_start3A_137 : memref<64x128xf32, #tpu.memory_space<vmem_shared>>) target(%arg8 : memref<64x128xf32, #tpu.memory_space<vmem>>) target_semaphore(%run_scoped3A : memref<!tpu.dma_semaphore, #tpu.memory_space<semaphore_mem>>)
      %dma_wait3A_138 = arith.constant 0 : i32
      %dma_wait3A_139 = tpu.memref_slice %arg13[%add3A_109, %dma_wait3A_138] : memref<10240x128xf32, #tpu.memory_space<vmem_shared>> -> memref<64x128xf32, #tpu.memory_space<vmem_shared>>
      %dma_wait3A_140 = arith.constant 0 : i32
      %dma_wait3A_141 = tpu.memref_slice %arg13[%add3A_109, %dma_wait3A_140] : memref<10240x128xf32, #tpu.memory_space<vmem_shared>> -> memref<64x128xf32, #tpu.memory_space<vmem_shared>>
      tpu.wait_dma2 semaphore(%run_scoped3A : memref<!tpu.dma_semaphore, #tpu.memory_space<semaphore_mem>>) src(%dma_wait3A_141 : memref<64x128xf32, #tpu.memory_space<vmem_shared>>) dst(%arg8 : memref<64x128xf32, #tpu.memory_space<vmem>>)
      tpu.yield
    }) : () -> ()
    "tpu.region"() ({
      %run_scoped3A = tpu.sem_alloc : memref<!tpu.dma_semaphore, #tpu.memory_space<semaphore_mem>>
      %dma_start3A_134 = arith.constant 0 : i32
      %dma_start3A_135 = arith.constant 0 : i32
      %dma_start3A_136 = tpu.memref_slice %arg4[%arg0, %dma_start3A_134, %dma_start3A_135] : memref<2x10240x128xf32, #tpu.memory_space<hbm>> -> memref<1x10240x128xf32, #tpu.memory_space<hbm>>
      %dma_start3A_137 = tpu.memref_squeeze %dma_start3A_136 : memref<1x10240x128xf32, #tpu.memory_space<hbm>> -> memref<10240x128xf32, #tpu.memory_space<hbm>>
      %dma_start3A_138 = arith.constant 0 : i32
      %dma_start3A_139 = tpu.memref_slice %dma_start3A_137[%add3A_109, %dma_start3A_138] : memref<10240x128xf32, #tpu.memory_space<hbm>> -> memref<64x128xf32, #tpu.memory_space<hbm>>
      %dma_start3A_140 = arith.constant 0 : i32
      %dma_start3A_141 = arith.constant 0 : i32
      %dma_start3A_142 = tpu.memref_slice %arg4[%arg0, %dma_start3A_140, %dma_start3A_141] : memref<2x10240x128xf32, #tpu.memory_space<hbm>> -> memref<1x10240x128xf32, #tpu.memory_space<hbm>>
      %dma_start3A_143 = tpu.memref_squeeze %dma_start3A_142 : memref<1x10240x128xf32, #tpu.memory_space<hbm>> -> memref<10240x128xf32, #tpu.memory_space<hbm>>
      %dma_start3A_144 = arith.constant 0 : i32
      %dma_start3A_145 = tpu.memref_slice %dma_start3A_143[%add3A_109, %dma_start3A_144] : memref<10240x128xf32, #tpu.memory_space<hbm>> -> memref<64x128xf32, #tpu.memory_space<hbm>>
      tpu.enqueue_dma source(%arg8 : memref<64x128xf32, #tpu.memory_space<vmem>>) target(%dma_start3A_145 : memref<64x128xf32, #tpu.memory_space<hbm>>) target_semaphore(%run_scoped3A : memref<!tpu.dma_semaphore, #tpu.memory_space<semaphore_mem>>)
      %dma_wait3A_146 = arith.constant 0 : i32
      %dma_wait3A_147 = arith.constant 0 : i32
      %dma_wait3A_148 = tpu.memref_slice %arg4[%arg0, %dma_wait3A_146, %dma_wait3A_147] : memref<2x10240x128xf32, #tpu.memory_space<hbm>> -> memref<1x10240x128xf32, #tpu.memory_space<hbm>>
      %dma_wait3A_149 = tpu.memref_squeeze %dma_wait3A_148 : memref<1x10240x128xf32, #tpu.memory_space<hbm>> -> memref<10240x128xf32, #tpu.memory_space<hbm>>
      %dma_wait3A_150 = arith.constant 0 : i32
      %dma_wait3A_151 = tpu.memref_slice %dma_wait3A_149[%add3A_109, %dma_wait3A_150] : memref<10240x128xf32, #tpu.memory_space<hbm>> -> memref<64x128xf32, #tpu.memory_space<hbm>>
      %dma_wait3A_152 = arith.constant 0 : i32
      %dma_wait3A_153 = arith.constant 0 : i32
      %dma_wait3A_154 = tpu.memref_slice %arg4[%arg0, %dma_wait3A_152, %dma_wait3A_153] : memref<2x10240x128xf32, #tpu.memory_space<hbm>> -> memref<1x10240x128xf32, #tpu.memory_space<hbm>>
      %dma_wait3A_155 = tpu.memref_squeeze %dma_wait3A_154 : memref<1x10240x128xf32, #tpu.memory_space<hbm>> -> memref<10240x128xf32, #tpu.memory_space<hbm>>
      %dma_wait3A_156 = arith.constant 0 : i32
      %dma_wait3A_157 = tpu.memref_slice %dma_wait3A_155[%add3A_109, %dma_wait3A_156] : memref<10240x128xf32, #tpu.memory_space<hbm>> -> memref<64x128xf32, #tpu.memory_space<hbm>>
      tpu.wait_dma2 semaphore(%run_scoped3A : memref<!tpu.dma_semaphore, #tpu.memory_space<semaphore_mem>>) src(%arg8 : memref<64x128xf32, #tpu.memory_space<vmem>>) dst(%dma_wait3A_157 : memref<64x128xf32, #tpu.memory_space<hbm>>)
      tpu.yield
    }) : () -> ()
    %mul3A_110 = arith.constant 640 : i32
    %mul3A_111 = arith.muli %arg1, %mul3A_110 : i32
    %add3A_112 = arith.constant 256 : i32
    %add3A_113 = arith.addi %mul3A_111, %add3A_112 : i32
    "tpu.region"() ({
      %run_scoped3A = tpu.sem_alloc : memref<!tpu.dma_semaphore, #tpu.memory_space<semaphore_mem>>
      %dma_start3A_134 = arith.constant 0 : i32
      %dma_start3A_135 = tpu.memref_slice %arg13[%add3A_113, %dma_start3A_134] : memref<10240x128xf32, #tpu.memory_space<vmem_shared>> -> memref<64x128xf32, #tpu.memory_space<vmem_shared>>
      %dma_start3A_136 = arith.constant 0 : i32
      %dma_start3A_137 = tpu.memref_slice %arg13[%add3A_113, %dma_start3A_136] : memref<10240x128xf32, #tpu.memory_space<vmem_shared>> -> memref<64x128xf32, #tpu.memory_space<vmem_shared>>
      tpu.enqueue_dma source(%dma_start3A_137 : memref<64x128xf32, #tpu.memory_space<vmem_shared>>) target(%arg8 : memref<64x128xf32, #tpu.memory_space<vmem>>) target_semaphore(%run_scoped3A : memref<!tpu.dma_semaphore, #tpu.memory_space<semaphore_mem>>)
      %dma_wait3A_138 = arith.constant 0 : i32
      %dma_wait3A_139 = tpu.memref_slice %arg13[%add3A_113, %dma_wait3A_138] : memref<10240x128xf32, #tpu.memory_space<vmem_shared>> -> memref<64x128xf32, #tpu.memory_space<vmem_shared>>
      %dma_wait3A_140 = arith.constant 0 : i32
      %dma_wait3A_141 = tpu.memref_slice %arg13[%add3A_113, %dma_wait3A_140] : memref<10240x128xf32, #tpu.memory_space<vmem_shared>> -> memref<64x128xf32, #tpu.memory_space<vmem_shared>>
      tpu.wait_dma2 semaphore(%run_scoped3A : memref<!tpu.dma_semaphore, #tpu.memory_space<semaphore_mem>>) src(%dma_wait3A_141 : memref<64x128xf32, #tpu.memory_space<vmem_shared>>) dst(%arg8 : memref<64x128xf32, #tpu.memory_space<vmem>>)
      tpu.yield
    }) : () -> ()
    "tpu.region"() ({
      %run_scoped3A = tpu.sem_alloc : memref<!tpu.dma_semaphore, #tpu.memory_space<semaphore_mem>>
      %dma_start3A_134 = arith.constant 0 : i32
      %dma_start3A_135 = arith.constant 0 : i32
      %dma_start3A_136 = tpu.memref_slice %arg4[%arg0, %dma_start3A_134, %dma_start3A_135] : memref<2x10240x128xf32, #tpu.memory_space<hbm>> -> memref<1x10240x128xf32, #tpu.memory_space<hbm>>
      %dma_start3A_137 = tpu.memref_squeeze %dma_start3A_136 : memref<1x10240x128xf32, #tpu.memory_space<hbm>> -> memref<10240x128xf32, #tpu.memory_space<hbm>>
      %dma_start3A_138 = arith.constant 0 : i32
      %dma_start3A_139 = tpu.memref_slice %dma_start3A_137[%add3A_113, %dma_start3A_138] : memref<10240x128xf32, #tpu.memory_space<hbm>> -> memref<64x128xf32, #tpu.memory_space<hbm>>
      %dma_start3A_140 = arith.constant 0 : i32
      %dma_start3A_141 = arith.constant 0 : i32
      %dma_start3A_142 = tpu.memref_slice %arg4[%arg0, %dma_start3A_140, %dma_start3A_141] : memref<2x10240x128xf32, #tpu.memory_space<hbm>> -> memref<1x10240x128xf32, #tpu.memory_space<hbm>>
      %dma_start3A_143 = tpu.memref_squeeze %dma_start3A_142 : memref<1x10240x128xf32, #tpu.memory_space<hbm>> -> memref<10240x128xf32, #tpu.memory_space<hbm>>
      %dma_start3A_144 = arith.constant 0 : i32
      %dma_start3A_145 = tpu.memref_slice %dma_start3A_143[%add3A_113, %dma_start3A_144] : memref<10240x128xf32, #tpu.memory_space<hbm>> -> memref<64x128xf32, #tpu.memory_space<hbm>>
      tpu.enqueue_dma source(%arg8 : memref<64x128xf32, #tpu.memory_space<vmem>>) target(%dma_start3A_145 : memref<64x128xf32, #tpu.memory_space<hbm>>) target_semaphore(%run_scoped3A : memref<!tpu.dma_semaphore, #tpu.memory_space<semaphore_mem>>)
      %dma_wait3A_146 = arith.constant 0 : i32
      %dma_wait3A_147 = arith.constant 0 : i32
      %dma_wait3A_148 = tpu.memref_slice %arg4[%arg0, %dma_wait3A_146, %dma_wait3A_147] : memref<2x10240x128xf32, #tpu.memory_space<hbm>> -> memref<1x10240x128xf32, #tpu.memory_space<hbm>>
      %dma_wait3A_149 = tpu.memref_squeeze %dma_wait3A_148 : memref<1x10240x128xf32, #tpu.memory_space<hbm>> -> memref<10240x128xf32, #tpu.memory_space<hbm>>
      %dma_wait3A_150 = arith.constant 0 : i32
      %dma_wait3A_151 = tpu.memref_slice %dma_wait3A_149[%add3A_113, %dma_wait3A_150] : memref<10240x128xf32, #tpu.memory_space<hbm>> -> memref<64x128xf32, #tpu.memory_space<hbm>>
      %dma_wait3A_152 = arith.constant 0 : i32
      %dma_wait3A_153 = arith.constant 0 : i32
      %dma_wait3A_154 = tpu.memref_slice %arg4[%arg0, %dma_wait3A_152, %dma_wait3A_153] : memref<2x10240x128xf32, #tpu.memory_space<hbm>> -> memref<1x10240x128xf32, #tpu.memory_space<hbm>>
      %dma_wait3A_155 = tpu.memref_squeeze %dma_wait3A_154 : memref<1x10240x128xf32, #tpu.memory_space<hbm>> -> memref<10240x128xf32, #tpu.memory_space<hbm>>
      %dma_wait3A_156 = arith.constant 0 : i32
      %dma_wait3A_157 = tpu.memref_slice %dma_wait3A_155[%add3A_113, %dma_wait3A_156] : memref<10240x128xf32, #tpu.memory_space<hbm>> -> memref<64x128xf32, #tpu.memory_space<hbm>>
      tpu.wait_dma2 semaphore(%run_scoped3A : memref<!tpu.dma_semaphore, #tpu.memory_space<semaphore_mem>>) src(%arg8 : memref<64x128xf32, #tpu.memory_space<vmem>>) dst(%dma_wait3A_157 : memref<64x128xf32, #tpu.memory_space<hbm>>)
      tpu.yield
    }) : () -> ()
    %mul3A_114 = arith.constant 640 : i32
    %mul3A_115 = arith.muli %arg1, %mul3A_114 : i32
    %add3A_116 = arith.constant 320 : i32
    %add3A_117 = arith.addi %mul3A_115, %add3A_116 : i32
    "tpu.region"() ({
      %run_scoped3A = tpu.sem_alloc : memref<!tpu.dma_semaphore, #tpu.memory_space<semaphore_mem>>
      %dma_start3A_134 = arith.constant 0 : i32
      %dma_start3A_135 = tpu.memref_slice %arg13[%add3A_117, %dma_start3A_134] : memref<10240x128xf32, #tpu.memory_space<vmem_shared>> -> memref<64x128xf32, #tpu.memory_space<vmem_shared>>
      %dma_start3A_136 = arith.constant 0 : i32
      %dma_start3A_137 = tpu.memref_slice %arg13[%add3A_117, %dma_start3A_136] : memref<10240x128xf32, #tpu.memory_space<vmem_shared>> -> memref<64x128xf32, #tpu.memory_space<vmem_shared>>
      tpu.enqueue_dma source(%dma_start3A_137 : memref<64x128xf32, #tpu.memory_space<vmem_shared>>) target(%arg8 : memref<64x128xf32, #tpu.memory_space<vmem>>) target_semaphore(%run_scoped3A : memref<!tpu.dma_semaphore, #tpu.memory_space<semaphore_mem>>)
      %dma_wait3A_138 = arith.constant 0 : i32
      %dma_wait3A_139 = tpu.memref_slice %arg13[%add3A_117, %dma_wait3A_138] : memref<10240x128xf32, #tpu.memory_space<vmem_shared>> -> memref<64x128xf32, #tpu.memory_space<vmem_shared>>
      %dma_wait3A_140 = arith.constant 0 : i32
      %dma_wait3A_141 = tpu.memref_slice %arg13[%add3A_117, %dma_wait3A_140] : memref<10240x128xf32, #tpu.memory_space<vmem_shared>> -> memref<64x128xf32, #tpu.memory_space<vmem_shared>>
      tpu.wait_dma2 semaphore(%run_scoped3A : memref<!tpu.dma_semaphore, #tpu.memory_space<semaphore_mem>>) src(%dma_wait3A_141 : memref<64x128xf32, #tpu.memory_space<vmem_shared>>) dst(%arg8 : memref<64x128xf32, #tpu.memory_space<vmem>>)
      tpu.yield
    }) : () -> ()
    "tpu.region"() ({
      %run_scoped3A = tpu.sem_alloc : memref<!tpu.dma_semaphore, #tpu.memory_space<semaphore_mem>>
      %dma_start3A_134 = arith.constant 0 : i32
      %dma_start3A_135 = arith.constant 0 : i32
      %dma_start3A_136 = tpu.memref_slice %arg4[%arg0, %dma_start3A_134, %dma_start3A_135] : memref<2x10240x128xf32, #tpu.memory_space<hbm>> -> memref<1x10240x128xf32, #tpu.memory_space<hbm>>
      %dma_start3A_137 = tpu.memref_squeeze %dma_start3A_136 : memref<1x10240x128xf32, #tpu.memory_space<hbm>> -> memref<10240x128xf32, #tpu.memory_space<hbm>>
      %dma_start3A_138 = arith.constant 0 : i32
      %dma_start3A_139 = tpu.memref_slice %dma_start3A_137[%add3A_117, %dma_start3A_138] : memref<10240x128xf32, #tpu.memory_space<hbm>> -> memref<64x128xf32, #tpu.memory_space<hbm>>
      %dma_start3A_140 = arith.constant 0 : i32
      %dma_start3A_141 = arith.constant 0 : i32
      %dma_start3A_142 = tpu.memref_slice %arg4[%arg0, %dma_start3A_140, %dma_start3A_141] : memref<2x10240x128xf32, #tpu.memory_space<hbm>> -> memref<1x10240x128xf32, #tpu.memory_space<hbm>>
      %dma_start3A_143 = tpu.memref_squeeze %dma_start3A_142 : memref<1x10240x128xf32, #tpu.memory_space<hbm>> -> memref<10240x128xf32, #tpu.memory_space<hbm>>
      %dma_start3A_144 = arith.constant 0 : i32
      %dma_start3A_145 = tpu.memref_slice %dma_start3A_143[%add3A_117, %dma_start3A_144] : memref<10240x128xf32, #tpu.memory_space<hbm>> -> memref<64x128xf32, #tpu.memory_space<hbm>>
      tpu.enqueue_dma source(%arg8 : memref<64x128xf32, #tpu.memory_space<vmem>>) target(%dma_start3A_145 : memref<64x128xf32, #tpu.memory_space<hbm>>) target_semaphore(%run_scoped3A : memref<!tpu.dma_semaphore, #tpu.memory_space<semaphore_mem>>)
      %dma_wait3A_146 = arith.constant 0 : i32
      %dma_wait3A_147 = arith.constant 0 : i32
      %dma_wait3A_148 = tpu.memref_slice %arg4[%arg0, %dma_wait3A_146, %dma_wait3A_147] : memref<2x10240x128xf32, #tpu.memory_space<hbm>> -> memref<1x10240x128xf32, #tpu.memory_space<hbm>>
      %dma_wait3A_149 = tpu.memref_squeeze %dma_wait3A_148 : memref<1x10240x128xf32, #tpu.memory_space<hbm>> -> memref<10240x128xf32, #tpu.memory_space<hbm>>
      %dma_wait3A_150 = arith.constant 0 : i32
      %dma_wait3A_151 = tpu.memref_slice %dma_wait3A_149[%add3A_117, %dma_wait3A_150] : memref<10240x128xf32, #tpu.memory_space<hbm>> -> memref<64x128xf32, #tpu.memory_space<hbm>>
      %dma_wait3A_152 = arith.constant 0 : i32
      %dma_wait3A_153 = arith.constant 0 : i32
      %dma_wait3A_154 = tpu.memref_slice %arg4[%arg0, %dma_wait3A_152, %dma_wait3A_153] : memref<2x10240x128xf32, #tpu.memory_space<hbm>> -> memref<1x10240x128xf32, #tpu.memory_space<hbm>>
      %dma_wait3A_155 = tpu.memref_squeeze %dma_wait3A_154 : memref<1x10240x128xf32, #tpu.memory_space<hbm>> -> memref<10240x128xf32, #tpu.memory_space<hbm>>
      %dma_wait3A_156 = arith.constant 0 : i32
      %dma_wait3A_157 = tpu.memref_slice %dma_wait3A_155[%add3A_117, %dma_wait3A_156] : memref<10240x128xf32, #tpu.memory_space<hbm>> -> memref<64x128xf32, #tpu.memory_space<hbm>>
      tpu.wait_dma2 semaphore(%run_scoped3A : memref<!tpu.dma_semaphore, #tpu.memory_space<semaphore_mem>>) src(%arg8 : memref<64x128xf32, #tpu.memory_space<vmem>>) dst(%dma_wait3A_157 : memref<64x128xf32, #tpu.memory_space<hbm>>)
      tpu.yield
    }) : () -> ()
    %mul3A_118 = arith.constant 640 : i32
    %mul3A_119 = arith.muli %arg1, %mul3A_118 : i32
    %add3A_120 = arith.constant 384 : i32
    %add3A_121 = arith.addi %mul3A_119, %add3A_120 : i32
    "tpu.region"() ({
      %run_scoped3A = tpu.sem_alloc : memref<!tpu.dma_semaphore, #tpu.memory_space<semaphore_mem>>
      %dma_start3A_134 = arith.constant 0 : i32
      %dma_start3A_135 = tpu.memref_slice %arg13[%add3A_121, %dma_start3A_134] : memref<10240x128xf32, #tpu.memory_space<vmem_shared>> -> memref<64x128xf32, #tpu.memory_space<vmem_shared>>
      %dma_start3A_136 = arith.constant 0 : i32
      %dma_start3A_137 = tpu.memref_slice %arg13[%add3A_121, %dma_start3A_136] : memref<10240x128xf32, #tpu.memory_space<vmem_shared>> -> memref<64x128xf32, #tpu.memory_space<vmem_shared>>
      tpu.enqueue_dma source(%dma_start3A_137 : memref<64x128xf32, #tpu.memory_space<vmem_shared>>) target(%arg8 : memref<64x128xf32, #tpu.memory_space<vmem>>) target_semaphore(%run_scoped3A : memref<!tpu.dma_semaphore, #tpu.memory_space<semaphore_mem>>)
      %dma_wait3A_138 = arith.constant 0 : i32
      %dma_wait3A_139 = tpu.memref_slice %arg13[%add3A_121, %dma_wait3A_138] : memref<10240x128xf32, #tpu.memory_space<vmem_shared>> -> memref<64x128xf32, #tpu.memory_space<vmem_shared>>
      %dma_wait3A_140 = arith.constant 0 : i32
      %dma_wait3A_141 = tpu.memref_slice %arg13[%add3A_121, %dma_wait3A_140] : memref<10240x128xf32, #tpu.memory_space<vmem_shared>> -> memref<64x128xf32, #tpu.memory_space<vmem_shared>>
      tpu.wait_dma2 semaphore(%run_scoped3A : memref<!tpu.dma_semaphore, #tpu.memory_space<semaphore_mem>>) src(%dma_wait3A_141 : memref<64x128xf32, #tpu.memory_space<vmem_shared>>) dst(%arg8 : memref<64x128xf32, #tpu.memory_space<vmem>>)
      tpu.yield
    }) : () -> ()
    "tpu.region"() ({
      %run_scoped3A = tpu.sem_alloc : memref<!tpu.dma_semaphore, #tpu.memory_space<semaphore_mem>>
      %dma_start3A_134 = arith.constant 0 : i32
      %dma_start3A_135 = arith.constant 0 : i32
      %dma_start3A_136 = tpu.memref_slice %arg4[%arg0, %dma_start3A_134, %dma_start3A_135] : memref<2x10240x128xf32, #tpu.memory_space<hbm>> -> memref<1x10240x128xf32, #tpu.memory_space<hbm>>
      %dma_start3A_137 = tpu.memref_squeeze %dma_start3A_136 : memref<1x10240x128xf32, #tpu.memory_space<hbm>> -> memref<10240x128xf32, #tpu.memory_space<hbm>>
      %dma_start3A_138 = arith.constant 0 : i32
      %dma_start3A_139 = tpu.memref_slice %dma_start3A_137[%add3A_121, %dma_start3A_138] : memref<10240x128xf32, #tpu.memory_space<hbm>> -> memref<64x128xf32, #tpu.memory_space<hbm>>
      %dma_start3A_140 = arith.constant 0 : i32
      %dma_start3A_141 = arith.constant 0 : i32
      %dma_start3A_142 = tpu.memref_slice %arg4[%arg0, %dma_start3A_140, %dma_start3A_141] : memref<2x10240x128xf32, #tpu.memory_space<hbm>> -> memref<1x10240x128xf32, #tpu.memory_space<hbm>>
      %dma_start3A_143 = tpu.memref_squeeze %dma_start3A_142 : memref<1x10240x128xf32, #tpu.memory_space<hbm>> -> memref<10240x128xf32, #tpu.memory_space<hbm>>
      %dma_start3A_144 = arith.constant 0 : i32
      %dma_start3A_145 = tpu.memref_slice %dma_start3A_143[%add3A_121, %dma_start3A_144] : memref<10240x128xf32, #tpu.memory_space<hbm>> -> memref<64x128xf32, #tpu.memory_space<hbm>>
      tpu.enqueue_dma source(%arg8 : memref<64x128xf32, #tpu.memory_space<vmem>>) target(%dma_start3A_145 : memref<64x128xf32, #tpu.memory_space<hbm>>) target_semaphore(%run_scoped3A : memref<!tpu.dma_semaphore, #tpu.memory_space<semaphore_mem>>)
      %dma_wait3A_146 = arith.constant 0 : i32
      %dma_wait3A_147 = arith.constant 0 : i32
      %dma_wait3A_148 = tpu.memref_slice %arg4[%arg0, %dma_wait3A_146, %dma_wait3A_147] : memref<2x10240x128xf32, #tpu.memory_space<hbm>> -> memref<1x10240x128xf32, #tpu.memory_space<hbm>>
      %dma_wait3A_149 = tpu.memref_squeeze %dma_wait3A_148 : memref<1x10240x128xf32, #tpu.memory_space<hbm>> -> memref<10240x128xf32, #tpu.memory_space<hbm>>
      %dma_wait3A_150 = arith.constant 0 : i32
      %dma_wait3A_151 = tpu.memref_slice %dma_wait3A_149[%add3A_121, %dma_wait3A_150] : memref<10240x128xf32, #tpu.memory_space<hbm>> -> memref<64x128xf32, #tpu.memory_space<hbm>>
      %dma_wait3A_152 = arith.constant 0 : i32
      %dma_wait3A_153 = arith.constant 0 : i32
      %dma_wait3A_154 = tpu.memref_slice %arg4[%arg0, %dma_wait3A_152, %dma_wait3A_153] : memref<2x10240x128xf32, #tpu.memory_space<hbm>> -> memref<1x10240x128xf32, #tpu.memory_space<hbm>>
      %dma_wait3A_155 = tpu.memref_squeeze %dma_wait3A_154 : memref<1x10240x128xf32, #tpu.memory_space<hbm>> -> memref<10240x128xf32, #tpu.memory_space<hbm>>
      %dma_wait3A_156 = arith.constant 0 : i32
      %dma_wait3A_157 = tpu.memref_slice %dma_wait3A_155[%add3A_121, %dma_wait3A_156] : memref<10240x128xf32, #tpu.memory_space<hbm>> -> memref<64x128xf32, #tpu.memory_space<hbm>>
      tpu.wait_dma2 semaphore(%run_scoped3A : memref<!tpu.dma_semaphore, #tpu.memory_space<semaphore_mem>>) src(%arg8 : memref<64x128xf32, #tpu.memory_space<vmem>>) dst(%dma_wait3A_157 : memref<64x128xf32, #tpu.memory_space<hbm>>)
      tpu.yield
    }) : () -> ()
    %mul3A_122 = arith.constant 640 : i32
    %mul3A_123 = arith.muli %arg1, %mul3A_122 : i32
    %add3A_124 = arith.constant 448 : i32
    %add3A_125 = arith.addi %mul3A_123, %add3A_124 : i32
    "tpu.region"() ({
      %run_scoped3A = tpu.sem_alloc : memref<!tpu.dma_semaphore, #tpu.memory_space<semaphore_mem>>
      %dma_start3A_134 = arith.constant 0 : i32
      %dma_start3A_135 = tpu.memref_slice %arg13[%add3A_125, %dma_start3A_134] : memref<10240x128xf32, #tpu.memory_space<vmem_shared>> -> memref<64x128xf32, #tpu.memory_space<vmem_shared>>
      %dma_start3A_136 = arith.constant 0 : i32
      %dma_start3A_137 = tpu.memref_slice %arg13[%add3A_125, %dma_start3A_136] : memref<10240x128xf32, #tpu.memory_space<vmem_shared>> -> memref<64x128xf32, #tpu.memory_space<vmem_shared>>
      tpu.enqueue_dma source(%dma_start3A_137 : memref<64x128xf32, #tpu.memory_space<vmem_shared>>) target(%arg8 : memref<64x128xf32, #tpu.memory_space<vmem>>) target_semaphore(%run_scoped3A : memref<!tpu.dma_semaphore, #tpu.memory_space<semaphore_mem>>)
      %dma_wait3A_138 = arith.constant 0 : i32
      %dma_wait3A_139 = tpu.memref_slice %arg13[%add3A_125, %dma_wait3A_138] : memref<10240x128xf32, #tpu.memory_space<vmem_shared>> -> memref<64x128xf32, #tpu.memory_space<vmem_shared>>
      %dma_wait3A_140 = arith.constant 0 : i32
      %dma_wait3A_141 = tpu.memref_slice %arg13[%add3A_125, %dma_wait3A_140] : memref<10240x128xf32, #tpu.memory_space<vmem_shared>> -> memref<64x128xf32, #tpu.memory_space<vmem_shared>>
      tpu.wait_dma2 semaphore(%run_scoped3A : memref<!tpu.dma_semaphore, #tpu.memory_space<semaphore_mem>>) src(%dma_wait3A_141 : memref<64x128xf32, #tpu.memory_space<vmem_shared>>) dst(%arg8 : memref<64x128xf32, #tpu.memory_space<vmem>>)
      tpu.yield
    }) : () -> ()
    "tpu.region"() ({
      %run_scoped3A = tpu.sem_alloc : memref<!tpu.dma_semaphore, #tpu.memory_space<semaphore_mem>>
      %dma_start3A_134 = arith.constant 0 : i32
      %dma_start3A_135 = arith.constant 0 : i32
      %dma_start3A_136 = tpu.memref_slice %arg4[%arg0, %dma_start3A_134, %dma_start3A_135] : memref<2x10240x128xf32, #tpu.memory_space<hbm>> -> memref<1x10240x128xf32, #tpu.memory_space<hbm>>
      %dma_start3A_137 = tpu.memref_squeeze %dma_start3A_136 : memref<1x10240x128xf32, #tpu.memory_space<hbm>> -> memref<10240x128xf32, #tpu.memory_space<hbm>>
      %dma_start3A_138 = arith.constant 0 : i32
      %dma_start3A_139 = tpu.memref_slice %dma_start3A_137[%add3A_125, %dma_start3A_138] : memref<10240x128xf32, #tpu.memory_space<hbm>> -> memref<64x128xf32, #tpu.memory_space<hbm>>
      %dma_start3A_140 = arith.constant 0 : i32
      %dma_start3A_141 = arith.constant 0 : i32
      %dma_start3A_142 = tpu.memref_slice %arg4[%arg0, %dma_start3A_140, %dma_start3A_141] : memref<2x10240x128xf32, #tpu.memory_space<hbm>> -> memref<1x10240x128xf32, #tpu.memory_space<hbm>>
      %dma_start3A_143 = tpu.memref_squeeze %dma_start3A_142 : memref<1x10240x128xf32, #tpu.memory_space<hbm>> -> memref<10240x128xf32, #tpu.memory_space<hbm>>
      %dma_start3A_144 = arith.constant 0 : i32
      %dma_start3A_145 = tpu.memref_slice %dma_start3A_143[%add3A_125, %dma_start3A_144] : memref<10240x128xf32, #tpu.memory_space<hbm>> -> memref<64x128xf32, #tpu.memory_space<hbm>>
      tpu.enqueue_dma source(%arg8 : memref<64x128xf32, #tpu.memory_space<vmem>>) target(%dma_start3A_145 : memref<64x128xf32, #tpu.memory_space<hbm>>) target_semaphore(%run_scoped3A : memref<!tpu.dma_semaphore, #tpu.memory_space<semaphore_mem>>)
      %dma_wait3A_146 = arith.constant 0 : i32
      %dma_wait3A_147 = arith.constant 0 : i32
      %dma_wait3A_148 = tpu.memref_slice %arg4[%arg0, %dma_wait3A_146, %dma_wait3A_147] : memref<2x10240x128xf32, #tpu.memory_space<hbm>> -> memref<1x10240x128xf32, #tpu.memory_space<hbm>>
      %dma_wait3A_149 = tpu.memref_squeeze %dma_wait3A_148 : memref<1x10240x128xf32, #tpu.memory_space<hbm>> -> memref<10240x128xf32, #tpu.memory_space<hbm>>
      %dma_wait3A_150 = arith.constant 0 : i32
      %dma_wait3A_151 = tpu.memref_slice %dma_wait3A_149[%add3A_125, %dma_wait3A_150] : memref<10240x128xf32, #tpu.memory_space<hbm>> -> memref<64x128xf32, #tpu.memory_space<hbm>>
      %dma_wait3A_152 = arith.constant 0 : i32
      %dma_wait3A_153 = arith.constant 0 : i32
      %dma_wait3A_154 = tpu.memref_slice %arg4[%arg0, %dma_wait3A_152, %dma_wait3A_153] : memref<2x10240x128xf32, #tpu.memory_space<hbm>> -> memref<1x10240x128xf32, #tpu.memory_space<hbm>>
      %dma_wait3A_155 = tpu.memref_squeeze %dma_wait3A_154 : memref<1x10240x128xf32, #tpu.memory_space<hbm>> -> memref<10240x128xf32, #tpu.memory_space<hbm>>
      %dma_wait3A_156 = arith.constant 0 : i32
      %dma_wait3A_157 = tpu.memref_slice %dma_wait3A_155[%add3A_125, %dma_wait3A_156] : memref<10240x128xf32, #tpu.memory_space<hbm>> -> memref<64x128xf32, #tpu.memory_space<hbm>>
      tpu.wait_dma2 semaphore(%run_scoped3A : memref<!tpu.dma_semaphore, #tpu.memory_space<semaphore_mem>>) src(%arg8 : memref<64x128xf32, #tpu.memory_space<vmem>>) dst(%dma_wait3A_157 : memref<64x128xf32, #tpu.memory_space<hbm>>)
      tpu.yield
    }) : () -> ()
    %mul3A_126 = arith.constant 640 : i32
    %mul3A_127 = arith.muli %arg1, %mul3A_126 : i32
    %add3A_128 = arith.constant 512 : i32
    %add3A_129 = arith.addi %mul3A_127, %add3A_128 : i32
    "tpu.region"() ({
      %run_scoped3A = tpu.sem_alloc : memref<!tpu.dma_semaphore, #tpu.memory_space<semaphore_mem>>
      %dma_start3A_134 = arith.constant 0 : i32
      %dma_start3A_135 = tpu.memref_slice %arg13[%add3A_129, %dma_start3A_134] : memref<10240x128xf32, #tpu.memory_space<vmem_shared>> -> memref<64x128xf32, #tpu.memory_space<vmem_shared>>
      %dma_start3A_136 = arith.constant 0 : i32
      %dma_start3A_137 = tpu.memref_slice %arg13[%add3A_129, %dma_start3A_136] : memref<10240x128xf32, #tpu.memory_space<vmem_shared>> -> memref<64x128xf32, #tpu.memory_space<vmem_shared>>
      tpu.enqueue_dma source(%dma_start3A_137 : memref<64x128xf32, #tpu.memory_space<vmem_shared>>) target(%arg8 : memref<64x128xf32, #tpu.memory_space<vmem>>) target_semaphore(%run_scoped3A : memref<!tpu.dma_semaphore, #tpu.memory_space<semaphore_mem>>)
      %dma_wait3A_138 = arith.constant 0 : i32
      %dma_wait3A_139 = tpu.memref_slice %arg13[%add3A_129, %dma_wait3A_138] : memref<10240x128xf32, #tpu.memory_space<vmem_shared>> -> memref<64x128xf32, #tpu.memory_space<vmem_shared>>
      %dma_wait3A_140 = arith.constant 0 : i32
      %dma_wait3A_141 = tpu.memref_slice %arg13[%add3A_129, %dma_wait3A_140] : memref<10240x128xf32, #tpu.memory_space<vmem_shared>> -> memref<64x128xf32, #tpu.memory_space<vmem_shared>>
      tpu.wait_dma2 semaphore(%run_scoped3A : memref<!tpu.dma_semaphore, #tpu.memory_space<semaphore_mem>>) src(%dma_wait3A_141 : memref<64x128xf32, #tpu.memory_space<vmem_shared>>) dst(%arg8 : memref<64x128xf32, #tpu.memory_space<vmem>>)
      tpu.yield
    }) : () -> ()
    "tpu.region"() ({
      %run_scoped3A = tpu.sem_alloc : memref<!tpu.dma_semaphore, #tpu.memory_space<semaphore_mem>>
      %dma_start3A_134 = arith.constant 0 : i32
      %dma_start3A_135 = arith.constant 0 : i32
      %dma_start3A_136 = tpu.memref_slice %arg4[%arg0, %dma_start3A_134, %dma_start3A_135] : memref<2x10240x128xf32, #tpu.memory_space<hbm>> -> memref<1x10240x128xf32, #tpu.memory_space<hbm>>
      %dma_start3A_137 = tpu.memref_squeeze %dma_start3A_136 : memref<1x10240x128xf32, #tpu.memory_space<hbm>> -> memref<10240x128xf32, #tpu.memory_space<hbm>>
      %dma_start3A_138 = arith.constant 0 : i32
      %dma_start3A_139 = tpu.memref_slice %dma_start3A_137[%add3A_129, %dma_start3A_138] : memref<10240x128xf32, #tpu.memory_space<hbm>> -> memref<64x128xf32, #tpu.memory_space<hbm>>
      %dma_start3A_140 = arith.constant 0 : i32
      %dma_start3A_141 = arith.constant 0 : i32
      %dma_start3A_142 = tpu.memref_slice %arg4[%arg0, %dma_start3A_140, %dma_start3A_141] : memref<2x10240x128xf32, #tpu.memory_space<hbm>> -> memref<1x10240x128xf32, #tpu.memory_space<hbm>>
      %dma_start3A_143 = tpu.memref_squeeze %dma_start3A_142 : memref<1x10240x128xf32, #tpu.memory_space<hbm>> -> memref<10240x128xf32, #tpu.memory_space<hbm>>
      %dma_start3A_144 = arith.constant 0 : i32
      %dma_start3A_145 = tpu.memref_slice %dma_start3A_143[%add3A_129, %dma_start3A_144] : memref<10240x128xf32, #tpu.memory_space<hbm>> -> memref<64x128xf32, #tpu.memory_space<hbm>>
      tpu.enqueue_dma source(%arg8 : memref<64x128xf32, #tpu.memory_space<vmem>>) target(%dma_start3A_145 : memref<64x128xf32, #tpu.memory_space<hbm>>) target_semaphore(%run_scoped3A : memref<!tpu.dma_semaphore, #tpu.memory_space<semaphore_mem>>)
      %dma_wait3A_146 = arith.constant 0 : i32
      %dma_wait3A_147 = arith.constant 0 : i32
      %dma_wait3A_148 = tpu.memref_slice %arg4[%arg0, %dma_wait3A_146, %dma_wait3A_147] : memref<2x10240x128xf32, #tpu.memory_space<hbm>> -> memref<1x10240x128xf32, #tpu.memory_space<hbm>>
      %dma_wait3A_149 = tpu.memref_squeeze %dma_wait3A_148 : memref<1x10240x128xf32, #tpu.memory_space<hbm>> -> memref<10240x128xf32, #tpu.memory_space<hbm>>
      %dma_wait3A_150 = arith.constant 0 : i32
      %dma_wait3A_151 = tpu.memref_slice %dma_wait3A_149[%add3A_129, %dma_wait3A_150] : memref<10240x128xf32, #tpu.memory_space<hbm>> -> memref<64x128xf32, #tpu.memory_space<hbm>>
      %dma_wait3A_152 = arith.constant 0 : i32
      %dma_wait3A_153 = arith.constant 0 : i32
      %dma_wait3A_154 = tpu.memref_slice %arg4[%arg0, %dma_wait3A_152, %dma_wait3A_153] : memref<2x10240x128xf32, #tpu.memory_space<hbm>> -> memref<1x10240x128xf32, #tpu.memory_space<hbm>>
      %dma_wait3A_155 = tpu.memref_squeeze %dma_wait3A_154 : memref<1x10240x128xf32, #tpu.memory_space<hbm>> -> memref<10240x128xf32, #tpu.memory_space<hbm>>
      %dma_wait3A_156 = arith.constant 0 : i32
      %dma_wait3A_157 = tpu.memref_slice %dma_wait3A_155[%add3A_129, %dma_wait3A_156] : memref<10240x128xf32, #tpu.memory_space<hbm>> -> memref<64x128xf32, #tpu.memory_space<hbm>>
      tpu.wait_dma2 semaphore(%run_scoped3A : memref<!tpu.dma_semaphore, #tpu.memory_space<semaphore_mem>>) src(%arg8 : memref<64x128xf32, #tpu.memory_space<vmem>>) dst(%dma_wait3A_157 : memref<64x128xf32, #tpu.memory_space<hbm>>)
      tpu.yield
    }) : () -> ()
    %mul3A_130 = arith.constant 640 : i32
    %mul3A_131 = arith.muli %arg1, %mul3A_130 : i32
    %add3A_132 = arith.constant 576 : i32
    %add3A_133 = arith.addi %mul3A_131, %add3A_132 : i32
    "tpu.region"() ({
      %run_scoped3A = tpu.sem_alloc : memref<!tpu.dma_semaphore, #tpu.memory_space<semaphore_mem>>
      %dma_start3A_134 = arith.constant 0 : i32
      %dma_start3A_135 = tpu.memref_slice %arg13[%add3A_133, %dma_start3A_134] : memref<10240x128xf32, #tpu.memory_space<vmem_shared>> -> memref<64x128xf32, #tpu.memory_space<vmem_shared>>
      %dma_start3A_136 = arith.constant 0 : i32
      %dma_start3A_137 = tpu.memref_slice %arg13[%add3A_133, %dma_start3A_136] : memref<10240x128xf32, #tpu.memory_space<vmem_shared>> -> memref<64x128xf32, #tpu.memory_space<vmem_shared>>
      tpu.enqueue_dma source(%dma_start3A_137 : memref<64x128xf32, #tpu.memory_space<vmem_shared>>) target(%arg8 : memref<64x128xf32, #tpu.memory_space<vmem>>) target_semaphore(%run_scoped3A : memref<!tpu.dma_semaphore, #tpu.memory_space<semaphore_mem>>)
      %dma_wait3A_138 = arith.constant 0 : i32
      %dma_wait3A_139 = tpu.memref_slice %arg13[%add3A_133, %dma_wait3A_138] : memref<10240x128xf32, #tpu.memory_space<vmem_shared>> -> memref<64x128xf32, #tpu.memory_space<vmem_shared>>
      %dma_wait3A_140 = arith.constant 0 : i32
      %dma_wait3A_141 = tpu.memref_slice %arg13[%add3A_133, %dma_wait3A_140] : memref<10240x128xf32, #tpu.memory_space<vmem_shared>> -> memref<64x128xf32, #tpu.memory_space<vmem_shared>>
      tpu.wait_dma2 semaphore(%run_scoped3A : memref<!tpu.dma_semaphore, #tpu.memory_space<semaphore_mem>>) src(%dma_wait3A_141 : memref<64x128xf32, #tpu.memory_space<vmem_shared>>) dst(%arg8 : memref<64x128xf32, #tpu.memory_space<vmem>>)
      tpu.yield
    }) : () -> ()
    "tpu.region"() ({
      %run_scoped3A = tpu.sem_alloc : memref<!tpu.dma_semaphore, #tpu.memory_space<semaphore_mem>>
      %dma_start3A_134 = arith.constant 0 : i32
      %dma_start3A_135 = arith.constant 0 : i32
      %dma_start3A_136 = tpu.memref_slice %arg4[%arg0, %dma_start3A_134, %dma_start3A_135] : memref<2x10240x128xf32, #tpu.memory_space<hbm>> -> memref<1x10240x128xf32, #tpu.memory_space<hbm>>
      %dma_start3A_137 = tpu.memref_squeeze %dma_start3A_136 : memref<1x10240x128xf32, #tpu.memory_space<hbm>> -> memref<10240x128xf32, #tpu.memory_space<hbm>>
      %dma_start3A_138 = arith.constant 0 : i32
      %dma_start3A_139 = tpu.memref_slice %dma_start3A_137[%add3A_133, %dma_start3A_138] : memref<10240x128xf32, #tpu.memory_space<hbm>> -> memref<64x128xf32, #tpu.memory_space<hbm>>
      %dma_start3A_140 = arith.constant 0 : i32
      %dma_start3A_141 = arith.constant 0 : i32
      %dma_start3A_142 = tpu.memref_slice %arg4[%arg0, %dma_start3A_140, %dma_start3A_141] : memref<2x10240x128xf32, #tpu.memory_space<hbm>> -> memref<1x10240x128xf32, #tpu.memory_space<hbm>>
      %dma_start3A_143 = tpu.memref_squeeze %dma_start3A_142 : memref<1x10240x128xf32, #tpu.memory_space<hbm>> -> memref<10240x128xf32, #tpu.memory_space<hbm>>
      %dma_start3A_144 = arith.constant 0 : i32
      %dma_start3A_145 = tpu.memref_slice %dma_start3A_143[%add3A_133, %dma_start3A_144] : memref<10240x128xf32, #tpu.memory_space<hbm>> -> memref<64x128xf32, #tpu.memory_space<hbm>>
      tpu.enqueue_dma source(%arg8 : memref<64x128xf32, #tpu.memory_space<vmem>>) target(%dma_start3A_145 : memref<64x128xf32, #tpu.memory_space<hbm>>) target_semaphore(%run_scoped3A : memref<!tpu.dma_semaphore, #tpu.memory_space<semaphore_mem>>)
      %dma_wait3A_146 = arith.constant 0 : i32
      %dma_wait3A_147 = arith.constant 0 : i32
      %dma_wait3A_148 = tpu.memref_slice %arg4[%arg0, %dma_wait3A_146, %dma_wait3A_147] : memref<2x10240x128xf32, #tpu.memory_space<hbm>> -> memref<1x10240x128xf32, #tpu.memory_space<hbm>>
      %dma_wait3A_149 = tpu.memref_squeeze %dma_wait3A_148 : memref<1x10240x128xf32, #tpu.memory_space<hbm>> -> memref<10240x128xf32, #tpu.memory_space<hbm>>
      %dma_wait3A_150 = arith.constant 0 : i32
      %dma_wait3A_151 = tpu.memref_slice %dma_wait3A_149[%add3A_133, %dma_wait3A_150] : memref<10240x128xf32, #tpu.memory_space<hbm>> -> memref<64x128xf32, #tpu.memory_space<hbm>>
      %dma_wait3A_152 = arith.constant 0 : i32
      %dma_wait3A_153 = arith.constant 0 : i32
      %dma_wait3A_154 = tpu.memref_slice %arg4[%arg0, %dma_wait3A_152, %dma_wait3A_153] : memref<2x10240x128xf32, #tpu.memory_space<hbm>> -> memref<1x10240x128xf32, #tpu.memory_space<hbm>>
      %dma_wait3A_155 = tpu.memref_squeeze %dma_wait3A_154 : memref<1x10240x128xf32, #tpu.memory_space<hbm>> -> memref<10240x128xf32, #tpu.memory_space<hbm>>
      %dma_wait3A_156 = arith.constant 0 : i32
      %dma_wait3A_157 = tpu.memref_slice %dma_wait3A_155[%add3A_133, %dma_wait3A_156] : memref<10240x128xf32, #tpu.memory_space<hbm>> -> memref<64x128xf32, #tpu.memory_space<hbm>>
      tpu.wait_dma2 semaphore(%run_scoped3A : memref<!tpu.dma_semaphore, #tpu.memory_space<semaphore_mem>>) src(%arg8 : memref<64x128xf32, #tpu.memory_space<vmem>>) dst(%dma_wait3A_157 : memref<64x128xf32, #tpu.memory_space<hbm>>)
      tpu.yield
    }) : () -> ()
    "tpu.region"() ({
      %run_scoped3A = tpu.sem_alloc : memref<!tpu.dma_semaphore, #tpu.memory_space<semaphore_mem>>
      %dma_start3A_134 = arith.constant 0 : i32
      %dma_start3A_135 = tpu.memref_slice %arg5[%add3A, %dma_start3A_134] : memref<32x10240xf32, #tpu.memory_space<hbm>> -> memref<1x10240xf32, #tpu.memory_space<hbm>>
      %dma_start3A_136 = tpu.memref_squeeze %dma_start3A_135 : memref<1x10240xf32, #tpu.memory_space<hbm>> -> memref<10240xf32, #tpu.memory_space<hbm>>
      %dma_start3A_137 = arith.constant 0 : i32
      %dma_start3A_138 = tpu.memref_slice %arg5[%add3A, %dma_start3A_137] : memref<32x10240xf32, #tpu.memory_space<hbm>> -> memref<1x10240xf32, #tpu.memory_space<hbm>>
      %dma_start3A_139 = tpu.memref_squeeze %dma_start3A_138 : memref<1x10240xf32, #tpu.memory_space<hbm>> -> memref<10240xf32, #tpu.memory_space<hbm>>
      tpu.enqueue_dma source(%arg12 : memref<10240xf32, #tpu.memory_space<vmem>>) target(%dma_start3A_139 : memref<10240xf32, #tpu.memory_space<hbm>>) target_semaphore(%run_scoped3A : memref<!tpu.dma_semaphore, #tpu.memory_space<semaphore_mem>>)
      %dma_wait3A_140 = arith.constant 0 : i32
      %dma_wait3A_141 = tpu.memref_slice %arg5[%add3A, %dma_wait3A_140] : memref<32x10240xf32, #tpu.memory_space<hbm>> -> memref<1x10240xf32, #tpu.memory_space<hbm>>
      %dma_wait3A_142 = tpu.memref_squeeze %dma_wait3A_141 : memref<1x10240xf32, #tpu.memory_space<hbm>> -> memref<10240xf32, #tpu.memory_space<hbm>>
      %dma_wait3A_143 = arith.constant 0 : i32
      %dma_wait3A_144 = tpu.memref_slice %arg5[%add3A, %dma_wait3A_143] : memref<32x10240xf32, #tpu.memory_space<hbm>> -> memref<1x10240xf32, #tpu.memory_space<hbm>>
      %dma_wait3A_145 = tpu.memref_squeeze %dma_wait3A_144 : memref<1x10240xf32, #tpu.memory_space<hbm>> -> memref<10240xf32, #tpu.memory_space<hbm>>
      tpu.wait_dma2 semaphore(%run_scoped3A : memref<!tpu.dma_semaphore, #tpu.memory_space<semaphore_mem>>) src(%arg12 : memref<10240xf32, #tpu.memory_space<vmem>>) dst(%dma_wait3A_145 : memref<10240xf32, #tpu.memory_space<hbm>>)
      tpu.yield
    }) : () -> ()
    return
  }
}

module attributes {stable_mosaic.version = 14 : i64} {
  func.func @_tc_skip_stats_body(%arg0: i32, %arg1: memref<1024x128xf32, #tpu.memory_space<vmem>>, %arg2: memref<3x128x128xf32, #tpu.memory_space<vmem>>, %arg3: memref<8x128xf32, #tpu.memory_space<vmem>>, %arg4: memref<2x128xf32, #tpu.memory_space<vmem>>) attributes {dimension_semantics = [#tpu.dimension_semantics<arbitrary>], iteration_bounds = array<i64: 10>, scalar_prefetch = 0 : i64, scratch_operands = 0 : i64, tpu.core_type = #tpu.core_type<tc>, window_params = [{transform_indices = @transform_0, window_bounds = array<i64: 1024, 128>}, {pipeline_mode = #tpu.pipeline_mode<synchronous>, transform_indices = @transform_1, window_bounds = array<i64: 3, 128, 128>}, {pipeline_mode = #tpu.pipeline_mode<synchronous>, transform_indices = @transform_2, window_bounds = array<i64: 8, 128>}, {pipeline_mode = #tpu.pipeline_mode<synchronous>, transform_indices = @transform_3, window_bounds = array<i64: 2, 128>}]} {
    %eq3A = arith.constant 0 : i32
    %eq3A_0 = arith.cmpi eq, %arg0, %eq3A : i32
    %convert_element_type3A = arith.extui %eq3A_0 : i1 to i32
    %cond3A = arith.constant 0 : i32
    %cond3A_1 = arith.cmpi ne, %convert_element_type3A, %cond3A : i32
    scf.if %cond3A_1 {
      %broadcast_in_dim3A_46 = arith.constant 0.000000e+00 : f32
      %broadcast_in_dim3A_47 = vector.broadcast %broadcast_in_dim3A_46 : f32 to vector<2x128xf32>
      %swap3A_48 = arith.constant 0 : index
      %swap3A_49 = arith.constant 0 : index
      %swap3A_50 = vector.load %arg4[%swap3A_48, %swap3A_49] : memref<2x128xf32, #tpu.memory_space<vmem>>, vector<2x128xf32>
      tpu.vector_store %arg4[%swap3A_48, %swap3A_49], %broadcast_in_dim3A_47 {strides = array<i32>} : memref<2x128xf32, #tpu.memory_space<vmem>>, vector<2x128xf32>,
    } else {
    }
    %mul3A = arith.constant 1024 : i32
    %mul3A_2 = arith.muli %arg0, %mul3A : i32
    %iota3A = tpu.iota {dimensions = array<i32: 0>} : vector<1024x1xi32>
    %add3A = vector.broadcast %mul3A_2 : i32 to vector<1024x1xi32>
    %add3A_3 = arith.addi %add3A, %iota3A : vector<1024x1xi32>
    %lt3A = arith.constant 10000 : i32
    %lt3A_4 = vector.broadcast %lt3A : i32 to vector<1024x1xi32>
    %lt3A_5 = arith.cmpi slt, %add3A_3, %lt3A_4 : vector<1024x1xi32>
    %get3A = arith.constant 0 : index
    %get3A_6 = arith.constant 0 : index
    %get3A_7 = vector.load %arg1[%get3A, %get3A_6] : memref<1024x128xf32, #tpu.memory_space<vmem>>, vector<1024x128xf32>
    %get3A_8 = arith.constant 2 : index
    %get3A_9 = arith.constant 0 : index
    %get3A_10 = arith.constant 0 : index
    %get3A_11 = vector.load %arg2[%get3A_8, %get3A_9, %get3A_10] : memref<3x128x128xf32, #tpu.memory_space<vmem>>, vector<1x128x128xf32>
    %get3A_12 = vector.shape_cast %get3A_11 : vector<1x128x128xf32> to vector<128x128xf32>
    %dot_general3A = arith.constant dense<0.000000e+00> : vector<1024x128xf32>
    %dot_general3A_13 = tpu.matmul %get3A_7, %get3A_12, %dot_general3A {dimension_numbers = #tpu.dot_dimension_numbers<[1], [0], [0], [1], [0, 0, 1, 1], [], []>, transpose_lhs_hint = false} : vector<1024x128xf32>, vector<128x128xf32>, vector<1024x128xf32> -> vector<1024x128xf32>
    %get3A_14 = arith.constant 1 : index
    %get3A_15 = arith.constant 0 : index
    %get3A_16 = vector.load %arg3[%get3A_14, %get3A_15] : memref<8x128xf32, #tpu.memory_space<vmem>>, vector<1x128xf32>
    %get3A_17 = vector.shape_cast %get3A_16 : vector<1x128xf32> to vector<128xf32>
    %broadcast_in_dim3A = vector.shape_cast %get3A_17 : vector<128xf32> to vector<1x128xf32>
    %add3A_18 = vector.broadcast %broadcast_in_dim3A : vector<1x128xf32> to vector<1024x128xf32>
    %add3A_19 = arith.addf %dot_general3A_13, %add3A_18 : vector<1024x128xf32>
    %jit3A = arith.constant 0.000000e+00 : f32
    %broadcast_in_dim3A_20 = vector.shape_cast %lt3A_5 : vector<1024x1xi1> to vector<1024x1xi1>
    %broadcast_in_dim3A_21 = vector.broadcast %broadcast_in_dim3A_20 : vector<1024x1xi1> to vector<1024x128xi1>
    %broadcast_in_dim3A_22 = vector.broadcast %jit3A : f32 to vector<1024x128xf32>
    %select_n3A = arith.select %broadcast_in_dim3A_21, %add3A_19, %broadcast_in_dim3A_22 : vector<1024x128xi1>, vector<1024x128xf32>
    %get3A_23 = arith.constant 0 : index
    %get3A_24 = arith.constant 0 : index
    %get3A_25 = vector.load %arg4[%get3A_23, %get3A_24] : memref<2x128xf32, #tpu.memory_space<vmem>>, vector<1x128xf32>
    %get3A_26 = vector.shape_cast %get3A_25 : vector<1x128xf32> to vector<128xf32>
    %reduce_sum3A = arith.constant dense<0.000000e+00> : vector<128xf32>
    %reduce_sum3A_27 = vector.multi_reduction <add>, %select_n3A, %reduce_sum3A [0] : vector<1024x128xf32> to vector<128xf32>
    %add3A_28 = arith.addf %get3A_26, %reduce_sum3A_27 : vector<128xf32>
    %swap3A = arith.constant 0 : index
    %swap3A_29 = arith.constant 0 : index
    %swap3A_30 = vector.load %arg4[%swap3A, %swap3A_29] : memref<2x128xf32, #tpu.memory_space<vmem>>, vector<1x128xf32>
    %swap3A_31 = vector.shape_cast %swap3A_30 : vector<1x128xf32> to vector<128xf32>
    %swap3A_32 = vector.shape_cast %add3A_28 : vector<128xf32> to vector<1x128xf32>
    tpu.vector_store %arg4[%swap3A, %swap3A_29], %swap3A_32 {strides = array<i32>} : memref<2x128xf32, #tpu.memory_space<vmem>>, vector<1x128xf32>,
    %get3A_33 = arith.constant 1 : index
    %get3A_34 = arith.constant 0 : index
    %get3A_35 = vector.load %arg4[%get3A_33, %get3A_34] : memref<2x128xf32, #tpu.memory_space<vmem>>, vector<1x128xf32>
    %get3A_36 = vector.shape_cast %get3A_35 : vector<1x128xf32> to vector<128xf32>
    %mul3A_37 = arith.mulf %select_n3A, %select_n3A : vector<1024x128xf32>
    %reduce_sum3A_38 = arith.constant dense<0.000000e+00> : vector<128xf32>
    %reduce_sum3A_39 = vector.multi_reduction <add>, %mul3A_37, %reduce_sum3A_38 [0] : vector<1024x128xf32> to vector<128xf32>
    %add3A_40 = arith.addf %get3A_36, %reduce_sum3A_39 : vector<128xf32>
    %swap3A_41 = arith.constant 1 : index
    %swap3A_42 = arith.constant 0 : index
    %swap3A_43 = vector.load %arg4[%swap3A_41, %swap3A_42] : memref<2x128xf32, #tpu.memory_space<vmem>>, vector<1x128xf32>
    %swap3A_44 = vector.shape_cast %swap3A_43 : vector<1x128xf32> to vector<128xf32>
    %swap3A_45 = vector.shape_cast %add3A_40 : vector<128xf32> to vector<1x128xf32>
    tpu.vector_store %arg4[%swap3A_41, %swap3A_42], %swap3A_45 {strides = array<i32>} : memref<2x128xf32, #tpu.memory_space<vmem>>, vector<1x128xf32>,
    return
  }
  func.func @transform_0(%arg0: i32) -> (i32, i32) {
    %c0_i32 = arith.constant 0 : i32
    %c0_i32_0 = arith.constant 0 : i32
    return %arg0, %c0_i32 : i32, i32
  }
  func.func @transform_1(%arg0: i32) -> (i32, i32, i32) {
    %c0_i32 = arith.constant 0 : i32
    %c0_i32_0 = arith.constant 0 : i32
    %c0_i32_1 = arith.constant 0 : i32
    %c0_i32_2 = arith.constant 0 : i32
    return %c0_i32, %c0_i32_0, %c0_i32_1 : i32, i32, i32
  }
  func.func @transform_2(%arg0: i32) -> (i32, i32) {
    %c0_i32 = arith.constant 0 : i32
    %c0_i32_0 = arith.constant 0 : i32
    %c0_i32_1 = arith.constant 0 : i32
    return %c0_i32, %c0_i32_0 : i32, i32
  }
  func.func @transform_3(%arg0: i32) -> (i32, i32) {
    %c0_i32 = arith.constant 0 : i32
    %c0_i32_0 = arith.constant 0 : i32
    %c0_i32_1 = arith.constant 0 : i32
    return %c0_i32, %c0_i32_0 : i32, i32
  }
}

module attributes {stable_mosaic.version = 14 : i64} {
  func.func @_tc_main_stats_body(%arg0: i32, %arg1: memref<2x1024x128xf32, #tpu.memory_space<vmem>>, %arg2: memref<32x1024xf32, #tpu.memory_space<vmem>>, %arg3: memref<1024x128xf32, #tpu.memory_space<vmem>>, %arg4: memref<3x128x128xf32, #tpu.memory_space<vmem>>, %arg5: memref<8x128xf32, #tpu.memory_space<vmem>>, %arg6: memref<2x128xf32, #tpu.memory_space<vmem>>) attributes {dimension_semantics = [#tpu.dimension_semantics<arbitrary>], iteration_bounds = array<i64: 10>, scalar_prefetch = 0 : i64, scratch_operands = 0 : i64, tpu.core_type = #tpu.core_type<tc>, window_params = [{transform_indices = @transform_0, window_bounds = array<i64: 2, 1024, 128>}, {transform_indices = @transform_1, window_bounds = array<i64: 32, 1024>}, {transform_indices = @transform_2, window_bounds = array<i64: 1024, 128>}, {pipeline_mode = #tpu.pipeline_mode<synchronous>, transform_indices = @transform_3, window_bounds = array<i64: 3, 128, 128>}, {pipeline_mode = #tpu.pipeline_mode<synchronous>, transform_indices = @transform_4, window_bounds = array<i64: 8, 128>}, {pipeline_mode = #tpu.pipeline_mode<synchronous>, transform_indices = @transform_5, window_bounds = array<i64: 2, 128>}]} {
    %eq3A = arith.constant 0 : i32
    %eq3A_0 = arith.cmpi eq, %arg0, %eq3A : i32
    %convert_element_type3A = arith.extui %eq3A_0 : i1 to i32
    %cond3A = arith.constant 0 : i32
    %cond3A_1 = arith.cmpi ne, %convert_element_type3A, %cond3A : i32
    scf.if %cond3A_1 {
      %broadcast_in_dim3A_74 = arith.constant 0.000000e+00 : f32
      %broadcast_in_dim3A_75 = vector.broadcast %broadcast_in_dim3A_74 : f32 to vector<2x128xf32>
      %swap3A_76 = arith.constant 0 : index
      %swap3A_77 = arith.constant 0 : index
      %swap3A_78 = vector.load %arg6[%swap3A_76, %swap3A_77] : memref<2x128xf32, #tpu.memory_space<vmem>>, vector<2x128xf32>
      tpu.vector_store %arg6[%swap3A_76, %swap3A_77], %broadcast_in_dim3A_75 {strides = array<i32>} : memref<2x128xf32, #tpu.memory_space<vmem>>, vector<2x128xf32>,
    } else {
    }
    %mul3A = arith.constant 1024 : i32
    %mul3A_2 = arith.muli %arg0, %mul3A : i32
    %iota3A = tpu.iota {dimensions = array<i32: 0>} : vector<1024x1xi32>
    %add3A = vector.broadcast %mul3A_2 : i32 to vector<1024x1xi32>
    %add3A_3 = arith.addi %add3A, %iota3A : vector<1024x1xi32>
    %lt3A = arith.constant 10000 : i32
    %lt3A_4 = vector.broadcast %lt3A : i32 to vector<1024x1xi32>
    %lt3A_5 = arith.cmpi slt, %add3A_3, %lt3A_4 : vector<1024x1xi32>
    %get3A = arith.constant 0 : index
    %get3A_6 = arith.constant 0 : index
    %get3A_7 = vector.load %arg2[%get3A, %get3A_6] : memref<32x1024xf32, #tpu.memory_space<vmem>>, vector<32x1024xf32>
    %reduce_sum3A = arith.constant dense<0.000000e+00> : vector<1024xf32>
    %reduce_sum3A_8 = vector.multi_reduction <add>, %get3A_7, %reduce_sum3A [0] : vector<32x1024xf32> to vector<1024xf32>
    %get3A_9 = arith.constant 0 : index
    %get3A_10 = arith.constant 0 : index
    %get3A_11 = arith.constant 0 : index
    %get3A_12 = vector.load %arg1[%get3A_9, %get3A_10, %get3A_11] : memref<2x1024x128xf32, #tpu.memory_space<vmem>>, vector<1x1024x128xf32>
    %get3A_13 = vector.shape_cast %get3A_12 : vector<1x1024x128xf32> to vector<1024x128xf32>
    %get3A_14 = arith.constant 1 : index
    %get3A_15 = arith.constant 0 : index
    %get3A_16 = arith.constant 0 : index
    %get3A_17 = vector.load %arg1[%get3A_14, %get3A_15, %get3A_16] : memref<2x1024x128xf32, #tpu.memory_space<vmem>>, vector<1x1024x128xf32>
    %get3A_18 = vector.shape_cast %get3A_17 : vector<1x1024x128xf32> to vector<1024x128xf32>
    %add3A_19 = arith.addf %get3A_13, %get3A_18 : vector<1024x128xf32>
    %max3A = arith.constant 1.000000e+00 : f32
    %max3A_20 = vector.broadcast %max3A : f32 to vector<1024xf32>
    %max3A_21 = arith.maximumf %reduce_sum3A_8, %max3A_20 : vector<1024xf32>
    %broadcast_in_dim3A = vector.shape_cast %max3A_21 : vector<1024xf32> to vector<1024x1xf32>
    %div3A = vector.broadcast %broadcast_in_dim3A : vector<1024x1xf32> to vector<1024x128xf32>
    %div3A_22 = arith.divf %add3A_19, %div3A : vector<1024x128xf32>
    %get3A_23 = arith.constant 0 : index
    %get3A_24 = arith.constant 0 : index
    %get3A_25 = arith.constant 0 : index
    %get3A_26 = vector.load %arg4[%get3A_23, %get3A_24, %get3A_25] : memref<3x128x128xf32, #tpu.memory_space<vmem>>, vector<1x128x128xf32>
    %get3A_27 = vector.shape_cast %get3A_26 : vector<1x128x128xf32> to vector<128x128xf32>
    %dot_general3A = arith.constant dense<0.000000e+00> : vector<1024x128xf32>
    %dot_general3A_28 = tpu.matmul %div3A_22, %get3A_27, %dot_general3A {dimension_numbers = #tpu.dot_dimension_numbers<[1], [0], [0], [1], [0, 0, 1, 1], [], []>, transpose_lhs_hint = false} : vector<1024x128xf32>, vector<128x128xf32>, vector<1024x128xf32> -> vector<1024x128xf32>
    %get3A_29 = arith.constant 0 : index
    %get3A_30 = arith.constant 0 : index
    %get3A_31 = vector.load %arg3[%get3A_29, %get3A_30] : memref<1024x128xf32, #tpu.memory_space<vmem>>, vector<1024x128xf32>
    %get3A_32 = arith.constant 1 : index
    %get3A_33 = arith.constant 0 : index
    %get3A_34 = arith.constant 0 : index
    %get3A_35 = vector.load %arg4[%get3A_32, %get3A_33, %get3A_34] : memref<3x128x128xf32, #tpu.memory_space<vmem>>, vector<1x128x128xf32>
    %get3A_36 = vector.shape_cast %get3A_35 : vector<1x128x128xf32> to vector<128x128xf32>
    %dot_general3A_37 = arith.constant dense<0.000000e+00> : vector<1024x128xf32>
    %dot_general3A_38 = tpu.matmul %get3A_31, %get3A_36, %dot_general3A_37 {dimension_numbers = #tpu.dot_dimension_numbers<[1], [0], [0], [1], [0, 0, 1, 1], [], []>, transpose_lhs_hint = false} : vector<1024x128xf32>, vector<128x128xf32>, vector<1024x128xf32> -> vector<1024x128xf32>
    %add3A_39 = arith.addf %dot_general3A_28, %dot_general3A_38 : vector<1024x128xf32>
    %get3A_40 = arith.constant 0 : index
    %get3A_41 = arith.constant 0 : index
    %get3A_42 = vector.load %arg5[%get3A_40, %get3A_41] : memref<8x128xf32, #tpu.memory_space<vmem>>, vector<1x128xf32>
    %get3A_43 = vector.shape_cast %get3A_42 : vector<1x128xf32> to vector<128xf32>
    %broadcast_in_dim3A_44 = vector.shape_cast %get3A_43 : vector<128xf32> to vector<1x128xf32>
    %add3A_45 = vector.broadcast %broadcast_in_dim3A_44 : vector<1x128xf32> to vector<1024x128xf32>
    %add3A_46 = arith.addf %add3A_39, %add3A_45 : vector<1024x128xf32>
    %jit3A = arith.constant 0.000000e+00 : f32
    %broadcast_in_dim3A_47 = vector.shape_cast %lt3A_5 : vector<1024x1xi1> to vector<1024x1xi1>
    %broadcast_in_dim3A_48 = vector.broadcast %broadcast_in_dim3A_47 : vector<1024x1xi1> to vector<1024x128xi1>
    %broadcast_in_dim3A_49 = vector.broadcast %jit3A : f32 to vector<1024x128xf32>
    %select_n3A = arith.select %broadcast_in_dim3A_48, %add3A_46, %broadcast_in_dim3A_49 : vector<1024x128xi1>, vector<1024x128xf32>
    %get3A_50 = arith.constant 0 : index
    %get3A_51 = arith.constant 0 : index
    %get3A_52 = vector.load %arg6[%get3A_50, %get3A_51] : memref<2x128xf32, #tpu.memory_space<vmem>>, vector<1x128xf32>
    %get3A_53 = vector.shape_cast %get3A_52 : vector<1x128xf32> to vector<128xf32>
    %reduce_sum3A_54 = arith.constant dense<0.000000e+00> : vector<128xf32>
    %reduce_sum3A_55 = vector.multi_reduction <add>, %select_n3A, %reduce_sum3A_54 [0] : vector<1024x128xf32> to vector<128xf32>
    %add3A_56 = arith.addf %get3A_53, %reduce_sum3A_55 : vector<128xf32>
    %swap3A = arith.constant 0 : index
    %swap3A_57 = arith.constant 0 : index
    %swap3A_58 = vector.load %arg6[%swap3A, %swap3A_57] : memref<2x128xf32, #tpu.memory_space<vmem>>, vector<1x128xf32>
    %swap3A_59 = vector.shape_cast %swap3A_58 : vector<1x128xf32> to vector<128xf32>
    %swap3A_60 = vector.shape_cast %add3A_56 : vector<128xf32> to vector<1x128xf32>
    tpu.vector_store %arg6[%swap3A, %swap3A_57], %swap3A_60 {strides = array<i32>} : memref<2x128xf32, #tpu.memory_space<vmem>>, vector<1x128xf32>,
    %get3A_61 = arith.constant 1 : index
    %get3A_62 = arith.constant 0 : index
    %get3A_63 = vector.load %arg6[%get3A_61, %get3A_62] : memref<2x128xf32, #tpu.memory_space<vmem>>, vector<1x128xf32>
    %get3A_64 = vector.shape_cast %get3A_63 : vector<1x128xf32> to vector<128xf32>
    %mul3A_65 = arith.mulf %select_n3A, %select_n3A : vector<1024x128xf32>
    %reduce_sum3A_66 = arith.constant dense<0.000000e+00> : vector<128xf32>
    %reduce_sum3A_67 = vector.multi_reduction <add>, %mul3A_65, %reduce_sum3A_66 [0] : vector<1024x128xf32> to vector<128xf32>
    %add3A_68 = arith.addf %get3A_64, %reduce_sum3A_67 : vector<128xf32>
    %swap3A_69 = arith.constant 1 : index
    %swap3A_70 = arith.constant 0 : index
    %swap3A_71 = vector.load %arg6[%swap3A_69, %swap3A_70] : memref<2x128xf32, #tpu.memory_space<vmem>>, vector<1x128xf32>
    %swap3A_72 = vector.shape_cast %swap3A_71 : vector<1x128xf32> to vector<128xf32>
    %swap3A_73 = vector.shape_cast %add3A_68 : vector<128xf32> to vector<1x128xf32>
    tpu.vector_store %arg6[%swap3A_69, %swap3A_70], %swap3A_73 {strides = array<i32>} : memref<2x128xf32, #tpu.memory_space<vmem>>, vector<1x128xf32>,
    return
  }
  func.func @transform_0(%arg0: i32) -> (i32, i32, i32) {
    %c0_i32 = arith.constant 0 : i32
    %c0_i32_0 = arith.constant 0 : i32
    %c0_i32_1 = arith.constant 0 : i32
    return %c0_i32, %arg0, %c0_i32_0 : i32, i32, i32
  }
  func.func @transform_1(%arg0: i32) -> (i32, i32) {
    %c0_i32 = arith.constant 0 : i32
    %c0_i32_0 = arith.constant 0 : i32
    return %c0_i32, %arg0 : i32, i32
  }
  func.func @transform_2(%arg0: i32) -> (i32, i32) {
    %c0_i32 = arith.constant 0 : i32
    %c0_i32_0 = arith.constant 0 : i32
    return %arg0, %c0_i32 : i32, i32
  }
  func.func @transform_3(%arg0: i32) -> (i32, i32, i32) {
    %c0_i32 = arith.constant 0 : i32
    %c0_i32_0 = arith.constant 0 : i32
    %c0_i32_1 = arith.constant 0 : i32
    %c0_i32_2 = arith.constant 0 : i32
    return %c0_i32, %c0_i32_0, %c0_i32_1 : i32, i32, i32
  }
  func.func @transform_4(%arg0: i32) -> (i32, i32) {
    %c0_i32 = arith.constant 0 : i32
    %c0_i32_0 = arith.constant 0 : i32
    %c0_i32_1 = arith.constant 0 : i32
    return %c0_i32, %c0_i32_0 : i32, i32
  }
  func.func @transform_5(%arg0: i32) -> (i32, i32) {
    %c0_i32 = arith.constant 0 : i32
    %c0_i32_0 = arith.constant 0 : i32
    %c0_i32_1 = arith.constant 0 : i32
    return %c0_i32, %c0_i32_0 : i32, i32
  }
}

module attributes {stable_mosaic.version = 14 : i64} {
  func.func @_tc_final_body(%arg0: i32, %arg1: memref<2x1024x128xf32, #tpu.memory_space<vmem>>, %arg2: memref<32x1024xf32, #tpu.memory_space<vmem>>, %arg3: memref<1024x128xf32, #tpu.memory_space<vmem>>, %arg4: memref<3x128x128xf32, #tpu.memory_space<vmem>>, %arg5: memref<8x128xf32, #tpu.memory_space<vmem>>, %arg6: memref<2x128xf32, #tpu.memory_space<vmem>>, %arg7: memref<2x128xf32, #tpu.memory_space<vmem>>, %arg8: memref<1024x128xf32, #tpu.memory_space<vmem>>) attributes {dimension_semantics = [#tpu.dimension_semantics<arbitrary>], iteration_bounds = array<i64: 10>, scalar_prefetch = 0 : i64, scratch_operands = 0 : i64, tpu.core_type = #tpu.core_type<tc>, window_params = [{transform_indices = @transform_0, window_bounds = array<i64: 2, 1024, 128>}, {transform_indices = @transform_1, window_bounds = array<i64: 32, 1024>}, {transform_indices = @transform_2, window_bounds = array<i64: 1024, 128>}, {pipeline_mode = #tpu.pipeline_mode<synchronous>, transform_indices = @transform_3, window_bounds = array<i64: 3, 128, 128>}, {pipeline_mode = #tpu.pipeline_mode<synchronous>, transform_indices = @transform_4, window_bounds = array<i64: 8, 128>}, {pipeline_mode = #tpu.pipeline_mode<synchronous>, transform_indices = @transform_5, window_bounds = array<i64: 2, 128>}, {pipeline_mode = #tpu.pipeline_mode<synchronous>, transform_indices = @transform_6, window_bounds = array<i64: 2, 128>}, {transform_indices = @transform_7, window_bounds = array<i64: 1024, 128>}]} {
    %get3A = arith.constant 0 : index
    %get3A_0 = arith.constant 0 : index
    %get3A_1 = vector.load %arg2[%get3A, %get3A_0] : memref<32x1024xf32, #tpu.memory_space<vmem>>, vector<32x1024xf32>
    %reduce_sum3A = arith.constant dense<0.000000e+00> : vector<1024xf32>
    %reduce_sum3A_2 = vector.multi_reduction <add>, %get3A_1, %reduce_sum3A [0] : vector<32x1024xf32> to vector<1024xf32>
    %get3A_3 = arith.constant 0 : index
    %get3A_4 = arith.constant 0 : index
    %get3A_5 = arith.constant 0 : index
    %get3A_6 = vector.load %arg1[%get3A_3, %get3A_4, %get3A_5] : memref<2x1024x128xf32, #tpu.memory_space<vmem>>, vector<1x1024x128xf32>
    %get3A_7 = vector.shape_cast %get3A_6 : vector<1x1024x128xf32> to vector<1024x128xf32>
    %get3A_8 = arith.constant 1 : index
    %get3A_9 = arith.constant 0 : index
    %get3A_10 = arith.constant 0 : index
    %get3A_11 = vector.load %arg1[%get3A_8, %get3A_9, %get3A_10] : memref<2x1024x128xf32, #tpu.memory_space<vmem>>, vector<1x1024x128xf32>
    %get3A_12 = vector.shape_cast %get3A_11 : vector<1x1024x128xf32> to vector<1024x128xf32>
    %add3A = arith.addf %get3A_7, %get3A_12 : vector<1024x128xf32>
    %max3A = arith.constant 1.000000e+00 : f32
    %max3A_13 = vector.broadcast %max3A : f32 to vector<1024xf32>
    %max3A_14 = arith.maximumf %reduce_sum3A_2, %max3A_13 : vector<1024xf32>
    %broadcast_in_dim3A = vector.shape_cast %max3A_14 : vector<1024xf32> to vector<1024x1xf32>
    %div3A = vector.broadcast %broadcast_in_dim3A : vector<1024x1xf32> to vector<1024x128xf32>
    %div3A_15 = arith.divf %add3A, %div3A : vector<1024x128xf32>
    %get3A_16 = arith.constant 0 : index
    %get3A_17 = arith.constant 0 : index
    %get3A_18 = arith.constant 0 : index
    %get3A_19 = vector.load %arg4[%get3A_16, %get3A_17, %get3A_18] : memref<3x128x128xf32, #tpu.memory_space<vmem>>, vector<1x128x128xf32>
    %get3A_20 = vector.shape_cast %get3A_19 : vector<1x128x128xf32> to vector<128x128xf32>
    %dot_general3A = arith.constant dense<0.000000e+00> : vector<1024x128xf32>
    %dot_general3A_21 = tpu.matmul %div3A_15, %get3A_20, %dot_general3A {dimension_numbers = #tpu.dot_dimension_numbers<[1], [0], [0], [1], [0, 0, 1, 1], [], []>, transpose_lhs_hint = false} : vector<1024x128xf32>, vector<128x128xf32>, vector<1024x128xf32> -> vector<1024x128xf32>
    %get3A_22 = arith.constant 0 : index
    %get3A_23 = arith.constant 0 : index
    %get3A_24 = vector.load %arg3[%get3A_22, %get3A_23] : memref<1024x128xf32, #tpu.memory_space<vmem>>, vector<1024x128xf32>
    %get3A_25 = arith.constant 1 : index
    %get3A_26 = arith.constant 0 : index
    %get3A_27 = arith.constant 0 : index
    %get3A_28 = vector.load %arg4[%get3A_25, %get3A_26, %get3A_27] : memref<3x128x128xf32, #tpu.memory_space<vmem>>, vector<1x128x128xf32>
    %get3A_29 = vector.shape_cast %get3A_28 : vector<1x128x128xf32> to vector<128x128xf32>
    %dot_general3A_30 = arith.constant dense<0.000000e+00> : vector<1024x128xf32>
    %dot_general3A_31 = tpu.matmul %get3A_24, %get3A_29, %dot_general3A_30 {dimension_numbers = #tpu.dot_dimension_numbers<[1], [0], [0], [1], [0, 0, 1, 1], [], []>, transpose_lhs_hint = false} : vector<1024x128xf32>, vector<128x128xf32>, vector<1024x128xf32> -> vector<1024x128xf32>
    %add3A_32 = arith.addf %dot_general3A_21, %dot_general3A_31 : vector<1024x128xf32>
    %get3A_33 = arith.constant 0 : index
    %get3A_34 = arith.constant 0 : index
    %get3A_35 = vector.load %arg5[%get3A_33, %get3A_34] : memref<8x128xf32, #tpu.memory_space<vmem>>, vector<1x128xf32>
    %get3A_36 = vector.shape_cast %get3A_35 : vector<1x128xf32> to vector<128xf32>
    %broadcast_in_dim3A_37 = vector.shape_cast %get3A_36 : vector<128xf32> to vector<1x128xf32>
    %add3A_38 = vector.broadcast %broadcast_in_dim3A_37 : vector<1x128xf32> to vector<1024x128xf32>
    %add3A_39 = arith.addf %add3A_32, %add3A_38 : vector<1024x128xf32>
    %get3A_40 = arith.constant 0 : index
    %get3A_41 = arith.constant 0 : index
    %get3A_42 = vector.load %arg3[%get3A_40, %get3A_41] : memref<1024x128xf32, #tpu.memory_space<vmem>>, vector<1024x128xf32>
    %get3A_43 = arith.constant 2 : index
    %get3A_44 = arith.constant 0 : index
    %get3A_45 = arith.constant 0 : index
    %get3A_46 = vector.load %arg4[%get3A_43, %get3A_44, %get3A_45] : memref<3x128x128xf32, #tpu.memory_space<vmem>>, vector<1x128x128xf32>
    %get3A_47 = vector.shape_cast %get3A_46 : vector<1x128x128xf32> to vector<128x128xf32>
    %dot_general3A_48 = arith.constant dense<0.000000e+00> : vector<1024x128xf32>
    %dot_general3A_49 = tpu.matmul %get3A_42, %get3A_47, %dot_general3A_48 {dimension_numbers = #tpu.dot_dimension_numbers<[1], [0], [0], [1], [0, 0, 1, 1], [], []>, transpose_lhs_hint = false} : vector<1024x128xf32>, vector<128x128xf32>, vector<1024x128xf32> -> vector<1024x128xf32>
    %get3A_50 = arith.constant 1 : index
    %get3A_51 = arith.constant 0 : index
    %get3A_52 = vector.load %arg5[%get3A_50, %get3A_51] : memref<8x128xf32, #tpu.memory_space<vmem>>, vector<1x128xf32>
    %get3A_53 = vector.shape_cast %get3A_52 : vector<1x128xf32> to vector<128xf32>
    %broadcast_in_dim3A_54 = vector.shape_cast %get3A_53 : vector<128xf32> to vector<1x128xf32>
    %add3A_55 = vector.broadcast %broadcast_in_dim3A_54 : vector<1x128xf32> to vector<1024x128xf32>
    %add3A_56 = arith.addf %dot_general3A_49, %add3A_55 : vector<1024x128xf32>
    %get3A_57 = arith.constant 4 : index
    %get3A_58 = arith.constant 0 : index
    %get3A_59 = vector.load %arg5[%get3A_57, %get3A_58] : memref<8x128xf32, #tpu.memory_space<vmem>>, vector<1x128xf32>
    %get3A_60 = vector.shape_cast %get3A_59 : vector<1x128xf32> to vector<128xf32>
    %get3A_61 = arith.constant 7 : index
    %get3A_62 = arith.constant 0 : index
    %get3A_63 = vector.load %arg5[%get3A_61, %get3A_62] : memref<8x128xf32, #tpu.memory_space<vmem>>, vector<1x128xf32>
    %get3A_64 = vector.shape_cast %get3A_63 : vector<1x128xf32> to vector<128xf32>
    %get3A_65 = arith.constant 0 : index
    %get3A_66 = arith.constant 0 : index
    %get3A_67 = vector.load %arg6[%get3A_65, %get3A_66] : memref<2x128xf32, #tpu.memory_space<vmem>>, vector<1x128xf32>
    %get3A_68 = vector.shape_cast %get3A_67 : vector<1x128xf32> to vector<128xf32>
    %mul3A = arith.constant 9.99999974E-5 : f32
    %mul3A_69 = vector.broadcast %mul3A : f32 to vector<128xf32>
    %mul3A_70 = arith.mulf %get3A_68, %mul3A_69 : vector<128xf32>
    %get3A_71 = arith.constant 1 : index
    %get3A_72 = arith.constant 0 : index
    %get3A_73 = vector.load %arg6[%get3A_71, %get3A_72] : memref<2x128xf32, #tpu.memory_space<vmem>>, vector<1x128xf32>
    %get3A_74 = vector.shape_cast %get3A_73 : vector<1x128xf32> to vector<128xf32>
    %mul3A_75 = arith.constant 9.99999974E-5 : f32
    %mul3A_76 = vector.broadcast %mul3A_75 : f32 to vector<128xf32>
    %mul3A_77 = arith.mulf %get3A_74, %mul3A_76 : vector<128xf32>
    %mul3A_78 = arith.mulf %mul3A_70, %mul3A_70 : vector<128xf32>
    %mul3A_79 = arith.constant 2.000000e+00 : f32
    %mul3A_80 = vector.broadcast %mul3A_79 : f32 to vector<128xf32>
    %mul3A_81 = arith.mulf %mul3A_80, %get3A_60 : vector<128xf32>
    %mul3A_82 = arith.mulf %get3A_60, %get3A_60 : vector<128xf32>
    %sub3A = arith.subf %mul3A_81, %mul3A_82 : vector<128xf32>
    %mul3A_83 = arith.mulf %mul3A_78, %sub3A : vector<128xf32>
    %sub3A_84 = arith.subf %mul3A_77, %mul3A_83 : vector<128xf32>
    %get3A_85 = arith.constant 0 : index
    %get3A_86 = arith.constant 0 : index
    %get3A_87 = vector.load %arg7[%get3A_85, %get3A_86] : memref<2x128xf32, #tpu.memory_space<vmem>>, vector<1x128xf32>
    %get3A_88 = vector.shape_cast %get3A_87 : vector<1x128xf32> to vector<128xf32>
    %mul3A_89 = arith.constant 9.99999974E-5 : f32
    %mul3A_90 = vector.broadcast %mul3A_89 : f32 to vector<128xf32>
    %mul3A_91 = arith.mulf %get3A_88, %mul3A_90 : vector<128xf32>
    %get3A_92 = arith.constant 1 : index
    %get3A_93 = arith.constant 0 : index
    %get3A_94 = vector.load %arg7[%get3A_92, %get3A_93] : memref<2x128xf32, #tpu.memory_space<vmem>>, vector<1x128xf32>
    %get3A_95 = vector.shape_cast %get3A_94 : vector<1x128xf32> to vector<128xf32>
    %mul3A_96 = arith.constant 9.99999974E-5 : f32
    %mul3A_97 = vector.broadcast %mul3A_96 : f32 to vector<128xf32>
    %mul3A_98 = arith.mulf %get3A_95, %mul3A_97 : vector<128xf32>
    %mul3A_99 = arith.mulf %mul3A_91, %mul3A_91 : vector<128xf32>
    %mul3A_100 = arith.constant 2.000000e+00 : f32
    %mul3A_101 = vector.broadcast %mul3A_100 : f32 to vector<128xf32>
    %mul3A_102 = arith.mulf %mul3A_101, %get3A_64 : vector<128xf32>
    %mul3A_103 = arith.mulf %get3A_64, %get3A_64 : vector<128xf32>
    %sub3A_104 = arith.subf %mul3A_102, %mul3A_103 : vector<128xf32>
    %mul3A_105 = arith.mulf %mul3A_99, %sub3A_104 : vector<128xf32>
    %sub3A_106 = arith.subf %mul3A_98, %mul3A_105 : vector<128xf32>
    %get3A_107 = arith.constant 2 : index
    %get3A_108 = arith.constant 0 : index
    %get3A_109 = vector.load %arg5[%get3A_107, %get3A_108] : memref<8x128xf32, #tpu.memory_space<vmem>>, vector<1x128xf32>
    %get3A_110 = vector.shape_cast %get3A_109 : vector<1x128xf32> to vector<128xf32>
    %add3A_111 = arith.constant 9.99999974E-6 : f32
    %add3A_112 = vector.broadcast %add3A_111 : f32 to vector<128xf32>
    %add3A_113 = arith.addf %sub3A_84, %add3A_112 : vector<128xf32>
    %rsqrt3A = math.rsqrt %add3A_113 : vector<128xf32>
    %mul3A_114 = arith.mulf %get3A_110, %rsqrt3A : vector<128xf32>
    %get3A_115 = arith.constant 5 : index
    %get3A_116 = arith.constant 0 : index
    %get3A_117 = vector.load %arg5[%get3A_115, %get3A_116] : memref<8x128xf32, #tpu.memory_space<vmem>>, vector<1x128xf32>
    %get3A_118 = vector.shape_cast %get3A_117 : vector<1x128xf32> to vector<128xf32>
    %add3A_119 = arith.constant 9.99999974E-6 : f32
    %add3A_120 = vector.broadcast %add3A_119 : f32 to vector<128xf32>
    %add3A_121 = arith.addf %sub3A_106, %add3A_120 : vector<128xf32>
    %rsqrt3A_122 = math.rsqrt %add3A_121 : vector<128xf32>
    %mul3A_123 = arith.mulf %get3A_118, %rsqrt3A_122 : vector<128xf32>
    %mul3A_124 = arith.mulf %get3A_60, %mul3A_70 : vector<128xf32>
    %broadcast_in_dim3A_125 = vector.shape_cast %mul3A_124 : vector<128xf32> to vector<1x128xf32>
    %sub3A_126 = vector.broadcast %broadcast_in_dim3A_125 : vector<1x128xf32> to vector<1024x128xf32>
    %sub3A_127 = arith.subf %add3A_39, %sub3A_126 : vector<1024x128xf32>
    %broadcast_in_dim3A_128 = vector.shape_cast %mul3A_114 : vector<128xf32> to vector<1x128xf32>
    %mul3A_129 = vector.broadcast %broadcast_in_dim3A_128 : vector<1x128xf32> to vector<1024x128xf32>
    %mul3A_130 = arith.mulf %sub3A_127, %mul3A_129 : vector<1024x128xf32>
    %get3A_131 = arith.constant 3 : index
    %get3A_132 = arith.constant 0 : index
    %get3A_133 = vector.load %arg5[%get3A_131, %get3A_132] : memref<8x128xf32, #tpu.memory_space<vmem>>, vector<1x128xf32>
    %get3A_134 = vector.shape_cast %get3A_133 : vector<1x128xf32> to vector<128xf32>
    %broadcast_in_dim3A_135 = vector.shape_cast %get3A_134 : vector<128xf32> to vector<1x128xf32>
    %add3A_136 = vector.broadcast %broadcast_in_dim3A_135 : vector<1x128xf32> to vector<1024x128xf32>
    %add3A_137 = arith.addf %mul3A_130, %add3A_136 : vector<1024x128xf32>
    %mul3A_138 = arith.mulf %get3A_64, %mul3A_91 : vector<128xf32>
    %broadcast_in_dim3A_139 = vector.shape_cast %mul3A_138 : vector<128xf32> to vector<1x128xf32>
    %sub3A_140 = vector.broadcast %broadcast_in_dim3A_139 : vector<1x128xf32> to vector<1024x128xf32>
    %sub3A_141 = arith.subf %add3A_56, %sub3A_140 : vector<1024x128xf32>
    %broadcast_in_dim3A_142 = vector.shape_cast %mul3A_123 : vector<128xf32> to vector<1x128xf32>
    %mul3A_143 = vector.broadcast %broadcast_in_dim3A_142 : vector<1x128xf32> to vector<1024x128xf32>
    %mul3A_144 = arith.mulf %sub3A_141, %mul3A_143 : vector<1024x128xf32>
    %get3A_145 = arith.constant 6 : index
    %get3A_146 = arith.constant 0 : index
    %get3A_147 = vector.load %arg5[%get3A_145, %get3A_146] : memref<8x128xf32, #tpu.memory_space<vmem>>, vector<1x128xf32>
    %get3A_148 = vector.shape_cast %get3A_147 : vector<1x128xf32> to vector<128xf32>
    %broadcast_in_dim3A_149 = vector.shape_cast %get3A_148 : vector<128xf32> to vector<1x128xf32>
    %add3A_150 = vector.broadcast %broadcast_in_dim3A_149 : vector<1x128xf32> to vector<1024x128xf32>
    %add3A_151 = arith.addf %mul3A_144, %add3A_150 : vector<1024x128xf32>
    %add3A_152 = arith.addf %add3A_137, %add3A_151 : vector<1024x128xf32>
    %gt3A = arith.constant 0.000000e+00 : f32
    %gt3A_153 = vector.broadcast %gt3A : f32 to vector<1024x128xf32>
    %gt3A_154 = arith.cmpf ogt, %add3A_152, %gt3A_153 : vector<1024x128xf32>
    %exp3A = math.exp %add3A_152 : vector<1024x128xf32>
    %sub3A_155 = arith.constant 1.000000e+00 : f32
    %sub3A_156 = vector.broadcast %sub3A_155 : f32 to vector<1024x128xf32>
    %sub3A_157 = arith.subf %exp3A, %sub3A_156 : vector<1024x128xf32>
    %select_n3A = arith.select %gt3A_154, %add3A_152, %sub3A_157 : vector<1024x128xi1>, vector<1024x128xf32>
    %swap3A = arith.constant 0 : index
    %swap3A_158 = arith.constant 0 : index
    %swap3A_159 = vector.load %arg8[%swap3A, %swap3A_158] : memref<1024x128xf32, #tpu.memory_space<vmem>>, vector<1024x128xf32>
    tpu.vector_store %arg8[%swap3A, %swap3A_158], %select_n3A {strides = array<i32>} : memref<1024x128xf32, #tpu.memory_space<vmem>>, vector<1024x128xf32>,
    return
  }
  func.func @transform_0(%arg0: i32) -> (i32, i32, i32) {
    %c0_i32 = arith.constant 0 : i32
    %c0_i32_0 = arith.constant 0 : i32
    %c0_i32_1 = arith.constant 0 : i32
    return %c0_i32, %arg0, %c0_i32_0 : i32, i32, i32
  }
  func.func @transform_1(%arg0: i32) -> (i32, i32) {
    %c0_i32 = arith.constant 0 : i32
    %c0_i32_0 = arith.constant 0 : i32
    return %c0_i32, %arg0 : i32, i32
  }
  func.func @transform_2(%arg0: i32) -> (i32, i32) {
    %c0_i32 = arith.constant 0 : i32
    %c0_i32_0 = arith.constant 0 : i32
    return %arg0, %c0_i32 : i32, i32
  }
  func.func @transform_3(%arg0: i32) -> (i32, i32, i32) {
    %c0_i32 = arith.constant 0 : i32
    %c0_i32_0 = arith.constant 0 : i32
    %c0_i32_1 = arith.constant 0 : i32
    %c0_i32_2 = arith.constant 0 : i32
    return %c0_i32, %c0_i32_0, %c0_i32_1 : i32, i32, i32
  }
  func.func @transform_4(%arg0: i32) -> (i32, i32) {
    %c0_i32 = arith.constant 0 : i32
    %c0_i32_0 = arith.constant 0 : i32
    %c0_i32_1 = arith.constant 0 : i32
    return %c0_i32, %c0_i32_0 : i32, i32
  }
  func.func @transform_5(%arg0: i32) -> (i32, i32) {
    %c0_i32 = arith.constant 0 : i32
    %c0_i32_0 = arith.constant 0 : i32
    %c0_i32_1 = arith.constant 0 : i32
    return %c0_i32, %c0_i32_0 : i32, i32
  }
  func.func @transform_6(%arg0: i32) -> (i32, i32) {
    %c0_i32 = arith.constant 0 : i32
    %c0_i32_0 = arith.constant 0 : i32
    %c0_i32_1 = arith.constant 0 : i32
    return %c0_i32, %c0_i32_0 : i32, i32
  }
  func.func @transform_7(%arg0: i32) -> (i32, i32) {
    %c0_i32 = arith.constant 0 : i32
    %c0_i32_0 = arith.constant 0 : i32
    return %arg0, %c0_i32 : i32, i32
  }
}

</mosaic_0001>

<sc_bundles>
// kernel: kernel.6.cloned.1.call-start
scs
__scs_entry_jumppad:
0x0: {  	(pc) =	sbr.rel $0x88, $3  }
0x1: {  	(tag) =	ssettag $0x0;
	lr =	simm.s32 $0x1  }
0x2: {  	[smem:$0x3F94] =	sst lr;
	_ =	strace $0xD0000000  }
0x3: {  	_ = 	snop  }
0x4: {  	_ = 	snop  }
0x5: {  	_ = 	snop  }
0x6: {  	_ = 	snop  }
0x7: {  	_ = 	snop  }
__scs_overlays_trampoline_lowered:
0x8: {  	[smem:$0x3FA3] =	sst s0  }
0x9: {  	[smem:$0x3FA4] =	sst s1  }
0xa: {  	[smem:$0x3FA5] =	sst s2  }
0xb: {  	[smem:$0x3FA6] =	sst s3  }
0xc: {  	[smem:$0x3FA7] =	sst s4  }
0xd: {  	[smem:$0x3FA8] =	sst s5  }
0xe: {  	[smem:$0x3FA9] =	sst s6  }
0xf: {  	[smem:$0x3FAA] =	sst s7  }
0x10: {  	[smem:$0x3FAB] =	sst s8  }
0x11: {  	[smem:$0x3FAC] =	sst s9;
	s0 =	simm.s32 @!p0 $0x0  }
0x12: {  	s1 =	sld [smem:$0x3F92];
	s0 =	simm.s32 @p0 $0x1  }
0x13: {  	[smem:$0x3FAD] =	sst s0;
	s0 =	simm.s32 @!p1 $0x0  }
0x14: {  	s2 =	sld [smem:$0x3F91];
	s0 =	simm.s32 @p1 $0x1  }
0x15: {  	[smem:$0x3FAE] =	sst s0;
	s0 =	simm.s32 @!p2 $0x0  }
0x16: {  	s3 =	sld [smem:$0x3FDB];
	s0 =	simm.s32 @p2 $0x1  }
0x17: {  	s4 =	simm.s32 $0x1BF5;
	[smem:$0x3FB0] =	sst s0  }
0x18: {  	s0 =	sld [smem:$0x3F93];
	_ =	swait.ge [sflag:s4], $0x0  }
0x19: {  	s7 =	sld [smem:$0x3F94]  }
0x1a: {  	s8 =	sadd.s32 $0xFFFFE003, lr  }
0x1b: {  	s9 =	sadd.s32 $0xFFFFFEF7, lr;
	s5 =	simm.s32 $0xFFFFFFFF;
	p2 =	slt.u32 s8, $0xFFFFF086  }
0x1c: {  	p1 =	slt.u32 s9, $0xF7A;
	s5 =	simm.s32 @!p2 $0x0  }
0x1d: {  	s5 =	simm.s32 @p1 $0x1;
	p0 =	seq.s32 s7, s2  }
0x1e: {  	s7 =	smul.u32 @!p0 $0xF7A, s2;
	p2 =	seq.s32 @!p0 s5, $0x0  }
0x1f: {  	s9 =	smul.u32 $0xF7A, s1;
	s8 =	simm.s32 @!p0 $0x1BF5;
	p2 =	por !p2, p0  }
0x20: {  	[sflag:s8] =	ssyncset.s32 @!p0 $0xFFFFF086;
	s6 =	sadd.s32 @!p0 s3, s7;
	s7 =	simm.s32 @!p0 $0x108  }
0x21: {  	s3 =	sadd.s32 s3, s9;
	s6 =	sadd.s32 @!p0 $0x88, s6;
	s7 =	simm.s32 @p2 $0x1082  }
0x22: {  	[simem:s7], [sflag:s8] =	dma.local @!p0 [hbm:s6], $0xF7A  }
0x23: {  	s9 =	sor.u32 $0xD0000000, s2;
	s6 =	simm.s32 $0x108;
	_ =	swait.ge @!p0 [sflag:s8], $0x0  }
0x24: {  	s3 =	sadd.s32 $0x88, s3;
	s6 =	simm.s32 @!p1 $0x1082;
	[sflag:s4] =	ssyncset.s32 $0xFFFFF086  }
0x25: {  	[simem:s6], [sflag:s4] =	dma.local [hbm:s3], $0xF7A  }
0x26: {  	[smem:$0x3F94] =	sst s1;
	(tag) =	ssettag s2;
	_ =	strace s9  }
0x27: {  	s1 =	sld [smem:$0x3FA4]  }
0x28: {  	s2 =	sld [smem:$0x3FA5]  }
0x29: {  	s4 =	sld [smem:$0x3FA7]  }
0x2a: {  	p0 =	seq.s32 s5, $0x0;
	s5 =	sld [smem:$0x3FA8]  }
0x2b: {  	s6 =	sld [smem:$0x3FA9]  }
0x2c: {  	s7 =	sld [smem:$0x3FAA]  }
0x2d: {  	s3 =	simm.s32 $0x108;
	s8 =	sld [smem:$0x3FAB]  }
0x2e: {  	s3 =	simm.s32 @!p0 $0x1082;
	s9 =	sld [smem:$0x3FAC]  }
0x2f: {  	lr =	sadd.s32 s0, s3;
	s0 =	sld [smem:$0x3FA3]  }
0x30: {  	s3 =	sld [smem:$0x3FA6]  }
0x31: {  	[smem:$0x3FAF] =	sst s10  }
0x32: {  	s10 =	sld [smem:$0x3FAD];
	_ =	sdelay $0x3  }
0x33: {  	p0 =	seq.s32 s10, $0x1;
	s10 =	sld [smem:$0x3FAF];
	_ =	sdelay $0x3  }
0x34: {  	[smem:$0x3FAF] =	sst s10  }
0x35: {  	s10 =	sld [smem:$0x3FAE];
	_ =	sdelay $0x3  }
0x36: {  	p1 =	seq.s32 s10, $0x1;
	s10 =	sld [smem:$0x3FAF];
	_ =	sdelay $0x3  }
0x37: {  	[smem:$0x3FAF] =	sst s10  }
0x38: {  	s10 =	sld [smem:$0x3FB0]  }
0x39: {  	_ = 	snop;
	(pc) =	sbr.ind lr, $3  }
0x3a: {  	_ = 	snop  }
0x3b: {  	_ = 	snop  }
0x3c: {  	p2 =	seq.s32 s10, $0x1;
	s10 =	sld [smem:$0x3FAF]  }
0x3d: {  	_ =	shalt  }
0x3e: {  	_ =	shalt  }
0x3f: {  	_ =	shalt  }
0x40: {  	_ =	shalt  }
0x41: {  	_ =	shalt  }
0x42: {  	_ =	shalt  }
0x43: {  	_ =	shalt  }
0x44: {  	_ =	shalt  }
0x45: {  	_ =	shalt  }
0x46: {  	_ =	shalt  }
0x47: {  	_ =	shalt  }
0x48: {  	_ =	shalt  }
0x49: {  	_ =	shalt  }
0x4a: {  	_ =	shalt  }
0x4b: {  	_ =	shalt  }
0x4c: {  	_ =	shalt  }
0x4d: {  	_ =	shalt  }
0x4e: {  	_ =	shalt  }
0x4f: {  	_ =	shalt  }
0x50: {  	_ =	shalt  }
0x51: {  	_ =	shalt  }
0x52: {  	_ =	shalt  }
0x53: {  	_ =	shalt  }
0x54: {  	_ =	shalt  }
0x55: {  	_ =	shalt  }
0x56: {  	_ =	shalt  }
0x57: {  	_ =	shalt  }
0x58: {  	_ =	shalt  }
0x59: {  	_ =	shalt  }
0x5a: {  	_ =	shalt  }
0x5b: {  	_ =	shalt  }
0x5c: {  	_ =	shalt  }
0x5d: {  	_ =	shalt  }
0x5e: {  	_ =	shalt  }
0x5f: {  	_ =	shalt  }
0x60: {  	_ =	shalt  }
0x61: {  	_ =	shalt  }
0x62: {  	_ =	shalt  }
0x63: {  	_ =	shalt  }
0x64: {  	_ =	shalt  }
0x65: {  	_ =	shalt  }
0x66: {  	_ =	shalt  }
0x67: {  	_ =	shalt  }
0x68: {  	_ =	shalt  }
0x69: {  	_ =	shalt  }
0x6a: {  	_ =	shalt  }
0x6b: {  	_ =	shalt  }
0x6c: {  	_ =	shalt  }
0x6d: {  	_ =	shalt  }
0x6e: {  	_ =	shalt  }
0x6f: {  	_ =	shalt  }
0x70: {  	_ =	shalt  }
0x71: {  	_ =	shalt  }
0x72: {  	_ =	shalt  }
0x73: {  	_ =	shalt  }
0x74: {  	_ =	shalt  }
0x75: {  	_ =	shalt  }
0x76: {  	_ =	shalt  }
0x77: {  	_ =	shalt  }
0x78: {  	_ =	shalt  }
0x79: {  	_ =	shalt  }
0x7a: {  	_ =	shalt  }
0x7b: {  	_ =	shalt  }
0x7c: {  	_ =	shalt  }
0x7d: {  	_ =	shalt  }
0x7e: {  	_ =	shalt  }
0x7f: {  	_ =	shalt  }
0x80: {  	_ =	shalt  }
0x81: {  	_ =	shalt  }
0x82: {  	_ =	shalt  }
0x83: {  	_ =	shalt  }
0x84: {  	_ =	shalt  }
0x85: {  	_ =	shalt  }
0x86: {  	_ =	shalt  }
0x87: {  	_ =	shalt  }
.Lfunc_end0:
.L_simem_size_0:
called_computation_lowered:
.L_overlay_start_0:
0x88: {  	s2 =	sld [smem:$0x3FD9]  }
0x89: {  	s3 =	sld [smem:$0x3FFE];
	_ =	sdelay $0x1  }
0x8a: {  	s1 =	srdreg.scid  }
0x8b: {  	s0 =	sand.u32 $0x1, s1  }
0x8c: {  	s17 =	sshll.u32 s0, $0xA;
	s2 =	sadd.s32 s3, s2  }
0x8d: {  	s2 =	sadd.s32 s2, s17  }
0x8e: {  	[smem:$0x3FBB] =	sst s2  }
0x8f: {  	_ = 	snop  }
0x90: {  	s2 =	sld [smem:$0x3FC9]  }
0x91: {  	s18 =	sld [smem:$0x3FD0];
	(tm) =	ssettm $0x1  }
0x92: {  	s4 =	sld [smem:$0x3FFB];
	_ =	sdelay $0x3  }
0x93: {  	_ =	strace s4  }
0x94: {  	s4 =	sld [smem:$0x3FFC];
	_ =	sdelay $0x3  }
0x95: {  	_ =	strace s4  }
0x96: {  	s4 =	sld [smem:$0x3FFD];
	_ =	sdelay $0x3  }
0x97: {  	_ =	strace s4  }
0x98: {  	_ =	strace $0x8FFFFFFF  }
0x99: {  	s19 =	sld [smem:$0x3FDB];
	_ =	sdelay $0x1  }
0x9a: {  	s5 =	simm.s32 $_scs_section_size  }
0x9b: {  	s6 =	simm.s32 $_size__tile_overlayer_lowered;
	s7 =	simm.s32 $_tile_overlayer_lowered  }
0x9c: {  	s22 =	simm.s32 $0x1BFF;
	s21 =	sshll.u32 s7, $0x1;
	s4 =	sadd.s32 s5, s19  }
0x9d: {  	s8 =	simm.s32 $0x0;
	s20 =	sshll.u32 s6, $0x1;
	s6 =	sadd.s32 s21, s4  }
0x9e: {  	[timem:s8], [sflag:s22] =	dma.local [hbm:s6], s20  }
0x9f: {  	_ =	swait.ge [sflag:s22], s20  }
0xa0: {  	s5 =	ssub.s32 $0x0, s20;
	[sflag:s22] =	ssyncset.done $0x0  }
0xa1: {  	[sflag:s22] =	ssyncadd.s32 s5;
	_ =	sdelay $0x1  }
0xa2: {  	s23 =	simm.s32 $0x1B8B  }
0xa3: {  	_ =	swait.ge [sflag:s23], $0x1  }
0xa4: {  	[sflag:s23] =	ssyncset.done $0x0  }
0xa5: {  	s25 =	simm.s32 $0x1B8E;
	s24 =	sld [smem:$0x3FFE];
	[sflag:s23] =	ssyncadd.s32 $0xFFFFFFFF  }
0xa6: {  	s26 =	simm.s32 $execute0_lowered;
	[smem:$0x3FD2] =	sst s25  }
0xa7: {  	s6 =	sshll.u32 s26, $0x1;
	_ =	strace $0x80000046;
	[dreg:$0x1] =	wrdreg $0xFFFFFFFF  }
0xa8: {  	s28 =	simm.s32 $_size_execute0_lowered;
	s4 =	sadd.s32 s4, s6;
	[dreg:$0x0] =	wrdreg $0x0  }
0xa9: {  	s6 =	sshll.u32 s28, $0x1;
	[dreg:$0x2] =	wrdreg s4  }
0xaa: {  	[dreg:$0x3] =	wrdreg s6  }
0xab: {  	[dreg:$0x4] =	wrdreg $0xC0  }
0xac: {  	_ =	task [dreg:s8], $0x5FFFF  }
0xad: {  	[dreg:$0x1] =	wrdreg $0xFFFFFFFF  }
0xae: {  	[dreg:$0x0] =	wrdreg $0x60  }
0xaf: {  	[dreg:$0x2] =	wrdreg s2  }
0xb0: {  	[dreg:$0x3] =	wrdreg s24  }
0xb1: {  	[dreg:$0x4] =	wrdreg s18  }
0xb2: {  	[dreg:$0x5] =	wrdreg $0xB0000  }
0xb3: {  	[dreg:$0x6] =	wrdreg $0x9  }
0xb4: {  	_ =	task.clear_ibuf [dreg:s8], $0x7FFFF;
	_ =	strace $0x90000046  }
0xb5: {  	s29 =	simm.s32 $0x9;
	_ =	strace $0x80000048  }
0xb6: {  	_ =	swait.ge [sflag:s29], $0x1  }
0xb7: {  	[sflag:s29] =	ssyncadd.s32 $0xFFFFFFFF  }
0xb8: {  	_ =	strace $0x90000048  }
0xb9: {  	_ =	sfence  }
0xba: {  	s30 =	sld [smem:$0x0];
	_ =	sdelay $0x2  }
0xbb: {  	s31 =	sshll.u32 s1, $0xD;
	s1 =	sshrl.u32 s1, $0x2  }
0xbc: {  	s3 =	sand.u32 $0x4000, s31;
	s1 =	sadd.s32 s1, s30  }
0xbd: {  	s0 =	sor.u32 s3, s0;
	s1 =	sshll.u32 s1, $0x11  }
0xbe: {  	s0 =	sor.u32 s1, s0  }
0xbf: {  	s0 =	sadd.s32 $0x8F2B, s0  }
0xc0: {  	[sflag:s0] =	ssyncadd.remote.s32 $0x1  }
0xc1: {  	_ =	sfence.sel $0xFFFF  }
0xc2: {  	[dreg:$0x0] =	wrdreg $0xFFFFFFFF;
	(pc) =	sbr.abs _section_cstart, $3  }
0xc3: {  	[dreg:$0x1] =	wrdreg $0xFFFFFFFF  }
0xc4: {  	_ =	task.clear_ibuf [dreg:s8], $0x2FFFF;
	_ =	strace $0x9FFFFFFF  }
0xc5: {  	(tm) =	ssettm $0x7FFFFFFF  }
tec
execute0_lowered:
.L_overlay_start_1:
0x0: {  	(tag) =	ssettag $0x1  }
0x1: {  	s1 =	rddreg [dreg:$0x0]  }
0x2: {  	s0 =	rddreg [dreg:$0x1]  }
0x3: {  	s7 =	rddreg [dreg:$0x2]  }
0x4: {  	s2 =	rddreg [dreg:$0x3]  }
0x5: {  	s3 =	simm.s32 $0x0;
	s4 =	srdreg.scid;
	s23 =	stileid.u32  }
0x6: {  	s21 =	simm.s32 $0x100;
	s25 =	simm.s32 $0x180;
	s26 =	simm.s32 $0x280  }
0x7: {  	s28 =	simm.s32 $0x300;
	s31 =	simm.s32 $0x800;
	s29 =	simm.s32 $0x6  }
0x8: {  	s30 =	simm.s32 $0x4;
	[smem:$0x7FF] =	sst s3;
	s14 =	sadd.s32 $0x2C00, s0  }
0x9: {  	s15 =	sand.u32 $0x1, s4;
	_ =	strace $0x80000047;
	[dreg:$0x5] =	wrdreg s21  }
0xa: {  	s16 =	smul.u32 $0x280, s23;
	s22 =	sshll.u32 s23, $0x7;
	[dreg:$0x6] =	wrdreg s25  }
0xb: {  	s4 =	smul.u32 $0x28000, s15;
	s5 =	ssub.s32 $0x2, s15;
	[dreg:$0x7] =	wrdreg s26  }
0xc: {  	s8 =	sshll.u32 s15, $0x4;
	s22 =	sand.u32 $0x380, s22;
	[dreg:$0x8] =	wrdreg s28  }
0xd: {  	s25 =	simm.s32 $0x480;
	s26 =	simm.s32 $0x380;
	s15 =	smul.u32 $0xA000, s15  }
0xe: {  	s28 =	simm.s32 $0x500;
	s21 =	simm.s32 $0x680;
	s6 =	sshrl.u32 s5, $0x1  }
0xf: {  	s18 =	sor.u32 s23, s8;
	s12 =	sor.u32 $0x40, s16;
	s13 =	sadd.s32 $0x80, s16  }
0x10: {  	s11 =	sadd.s32 $0xC0, s16;
	s9 =	sadd.s32 $0x100, s16;
	[dreg:$0x9] =	wrdreg s25  }
0x11: {  	s10 =	sadd.s32 $0x140, s16;
	s8 =	sadd.s32 $0x180, s16;
	[dreg:$0xa] =	wrdreg s26  }
0x12: {  	[dreg:$0xb] =	wrdreg s28;
	s25 =	simm.s32 $0x600;
	s26 =	simm.s32 $0x580  }
0x13: {  	s28 =	smul.u32 $0xA00, s23;
	[dreg:$0xe] =	wrdreg s21;
	s17 =	sadd.s32 s4, s0  }
0x14: {  	s0 =	ssub.s32 s5, s6;
	s19 =	smul.u32 $0xA00, s18;
	s5 =	sadd.s32 $0x1C0, s16  }
0x15: {  	s6 =	sadd.s32 $0x200, s16;
	s4 =	sadd.s32 $0x240, s16;
	[dreg:$0xc] =	wrdreg s25  }
0x16: {  	s18 =	sshrl.u32 s18, $0x3;
	s20 =	sshll.u32 s13, $0x4;
	[dreg:$0xd] =	wrdreg s26  }
0x17: {  	s25 =	simm.s32 $0x700;
	s26 =	simm.s32 $0x780;
	s13 =	sshll.u32 s13, $0x7  }
0x18: {  	s16 =	sadd.s32 $0x2AC00, s17;
	s17 =	smul.u32 $0x2800, s23;
	[dreg:$0xf] =	wrdreg s25  }
0x19: {  	s18 =	smul.u32 $0x14000, s18;
	[dreg:$0x10] =	wrdreg s26;
	s0 =	smax.u32 s0, $0x1  }
0x1a: {  	s24 =	sadd.s32 s14, s19;
	s19 =	sshll.u32 s12, $0x4;
	s14 =	sadd.s32 s15, s14  }
0x1b: {  	s15 =	sshll.u32 s10, $0x4;
	s21 =	sadd.s32 s20, s16;
	s12 =	sshll.u32 s12, $0x7  }
0x1c: {  	s10 =	sshll.u32 s10, $0x7;
	[smem:$0x7FC] =	sst s0;
	s0 =	simm.s32 $0xB  }
0x1d: {  	s18 =	sor.u32 s22, s18;
	s22 =	sshll.u32 s11, $0x4;
	[dreg:$0x15] =	wrdreg s21  }
0x1e: {  	s17 =	sadd.s32 s17, s16;
	s19 =	sadd.s32 s19, s16;
	[dreg:$0x11] =	wrdreg s24  }
0x1f: {  	s15 =	sadd.s32 s15, s16;
	s11 =	sshll.u32 s11, $0x7;
	[dreg:$0x13] =	wrdreg s17  }
0x20: {  	s21 =	sadd.s32 s10, s2;
	s10 =	simm.s32 $0x2800;
	[dreg:$0x14] =	wrdreg s19  }
0x21: {  	s18 =	sshrl.u32 s18, $0x3;
	s25 =	sadd.s32 s22, s16;
	[dreg:$0x18] =	wrdreg s15  }
0x22: {  	s17 =	sshll.u32 s5, $0x4;
	s19 =	sshll.u32 s4, $0x4;
	s11 =	sadd.s32 s11, s2  }
0x23: {  	[smem:$0x7F7] =	sst s21;
	s5 =	sshll.u32 s5, $0x7;
	s4 =	sshll.u32 s4, $0x7  }
0x24: {  	s7 =	sadd.s32 s7, s18;
	s18 =	sshll.u32 s9, $0x4;
	[dreg:$0x16] =	wrdreg s25  }
0x25: {  	s15 =	sadd.s32 s17, s16;
	s20 =	sadd.s32 s19, s16;
	s25 =	sadd.s32 s13, s2  }
0x26: {  	[dreg:$0x1e] =	wrdreg s11;
	s9 =	sshll.u32 s9, $0x7;
	s5 =	sadd.s32 s5, s2  }
0x27: {  	s4 =	sadd.s32 s4, s2;
	s11 =	simm.s32 $0x4800;
	[dreg:$0x12] =	wrdreg s7  }
0x28: {  	s13 =	simm.s32 $0x8800;
	s17 =	simm.s32 $0xA;
	[dreg:$0x1a] =	wrdreg s15  }
0x29: {  	s19 =	simm.s32 $0x0;
	s7 =	sadd.s32 s28, s14;
	[dreg:$0x1c] =	wrdreg s20  }
0x2a: {  	s28 =	sshll.u32 s8, $0x4;
	s26 =	sadd.s32 s18, s16;
	[smem:$0x7F9] =	sst s5  }
0x2b: {  	s18 =	sshll.u32 s6, $0x4;
	s9 =	sadd.s32 s9, s2;
	[smem:$0x7FB] =	sst s4  }
0x2c: {  	s8 =	sshll.u32 s8, $0x7;
	s6 =	sshll.u32 s6, $0x7;
	[dreg:$0x1d] =	wrdreg s25  }
0x2d: {  	s4 =	simm.s32 $0x200;
	s5 =	simm.s32 $0x3;
	[dreg:$0x17] =	wrdreg s26  }
0x2e: {  	s14 =	sadd.s32 s28, s16;
	s28 =	smul.u32 $0x50000, s23;
	s15 =	sadd.s32 s18, s16  }
0x2f: {  	s23 =	sadd.s32 s12, s2;
	[dreg:$0x1f] =	wrdreg s9;
	s8 =	sadd.s32 s8, s2  }
0x30: {  	s26 =	sadd.s32 s6, s2;
	s6 =	simm.s32 $0x400;
	[dreg:$0x19] =	wrdreg s14  }
0x31: {  	s12 =	simm.s32 $0x1;
	s16 =	simm.s32 $0x5;
	[dreg:$0x1b] =	wrdreg s15  }
0x32: {  	s9 =	simm.s32 $0x7;
	s18 =	simm.s32 $0x8;
	[smem:$0x7F8] =	sst s8  }
0x33: {  	[smem:$0x7FA] =	sst s26;
	s8 =	simm.s32 $0x40;
	s15 =	simm.s32 $0x2  }
0x34: {  	s14 =	sshrl.u32 s28, $0x2;
	s28 =	sadd.s32 $0x40, s24;
	s24 =	simm.s32 $0x80  }
0x35: {  	v0 =	vimm.f32 $0.0e+00;
	v1 =	vimm.f32 $1.000000000e+00;
	s22 =	sadd.s32 s14, s2;
	[smem:$0x7FD] =	sst s28;
	s14 =	simm.s32 $0x6800  }
.LBB2_1:
0x36: {  	s20 =	simm.s32 $0x0  }
.LBB2_2:
0x37: {  	p0 =	sne.s32 s20, $0x9FC0  }
.Ltmp0:
0x38: {  	_ = 	snop;
	(pc) =	sbr.rel @p0 .LBB2_2-.Ltmp0, $3  }
0x39: {  	_ =	sdelay $0x1  }
0x3a: {  	s21 =	sshra.s32 s20, $0x2  }
0x3b: {  	s20 =	sadd.s32 $0x40, s20;
	[tilespmem:s21+$0x8800] =	vst v0  }
0x3c: {  	s20 =	simm.s32 $0x0;
	s21 =	simm.s32 $0x200  }
.LBB2_4:
0x3d: {  	p0 =	sne.s32 s21, $0x7E00;
	[tilespmem:s20+$0x870] =	vst v0  }
0x3e: {  	[tilespmem:s20+$0x800] =	vst v0  }
0x3f: {  	[tilespmem:s20+$0x810] =	vst v0  }
.Ltmp1:
0x40: {  	[tilespmem:s20+$0x820] =	vst v0;
	(pc) =	sbr.rel @p0 .LBB2_4-.Ltmp1, $4  }
0x41: {  	[tilespmem:s20+$0x830] =	vst v0  }
0x42: {  	[tilespmem:s20+$0x840] =	vst v0  }
0x43: {  	[tilespmem:s20+$0x850] =	vst v0  }
0x44: {  	[tilespmem:s20+$0x860] =	vst v0;
	s20 =	sshra.s32 s21, $0x2;
	s21 =	sadd.s32 $0x200, s21  }
0x45: {  	[tilespmem:s20+$0x870] =	vst v0  }
0x46: {  	[tilespmem:s20+$0x800] =	vst v0  }
0x47: {  	[tilespmem:s20+$0x810] =	vst v0  }
0x48: {  	[tilespmem:s20+$0x820] =	vst v0  }
0x49: {  	[tilespmem:s20+$0x830] =	vst v0  }
0x4a: {  	[tilespmem:s20+$0x840] =	vst v0  }
0x4b: {  	[tilespmem:s20+$0x850] =	vst v0  }
0x4c: {  	[tilespmem:s20+$0x860] =	vst v0  }
0x4d: {  	[spmem:s22] =	stream.linear.scatter [tilespmem:s31], [sflag:$0xB], $0x2000, $0x38;
	[tilespmem:$0x1F000] =	vst v63  }
0x4e: {  	_ =	swait.ge [sflag:s0], $0x2000  }
0x4f: {  	[sflag:s0] =	ssyncset.done $0x0  }
0x50: {  	[sflag:s0] =	ssyncadd.s32 $0xFFFFE000  }
0x51: {  	[spmem:s23] =	stream.linear.scatter [tilespmem:s31], [sflag:$0xB], $0x2000, $0x38;
	[tilespmem:$0x1F000] =	vst v63  }
0x52: {  	_ =	swait.ge [sflag:s0], $0x2000  }
0x53: {  	[sflag:s0] =	ssyncset.done $0x0  }
0x54: {  	[sflag:s0] =	ssyncadd.s32 $0xFFFFE000  }
0x55: {  	[spmem:s25] =	stream.linear.scatter [tilespmem:s31], [sflag:$0xB], $0x2000, $0x38;
	[tilespmem:$0x1F000] =	vst v63  }
0x56: {  	_ =	swait.ge [sflag:s0], $0x2000  }
0x57: {  	[sflag:s0] =	ssyncset.done $0x0  }
0x58: {  	s25 =	rddreg [dreg:$0x1e];
	[sflag:s0] =	ssyncadd.s32 $0xFFFFE000  }
0x59: {  	[spmem:s25] =	stream.linear.scatter [tilespmem:s31], [sflag:$0xB], $0x2000, $0x38;
	[tilespmem:$0x1F000] =	vst v63  }
0x5a: {  	_ =	swait.ge [sflag:s0], $0x2000  }
0x5b: {  	[sflag:s0] =	ssyncset.done $0x0  }
0x5c: {  	s21 =	rddreg [dreg:$0x1f];
	[sflag:s0] =	ssyncadd.s32 $0xFFFFE000  }
0x5d: {  	[spmem:s21] =	stream.linear.scatter [tilespmem:s31], [sflag:$0xB], $0x2000, $0x38;
	[tilespmem:$0x1F000] =	vst v63  }
0x5e: {  	_ =	swait.ge [sflag:s0], $0x2000  }
0x5f: {  	s26 =	smov.u32 s22;
	s22 =	sld [smem:$0x7F7]  }
0x60: {  	[sflag:s0] =	ssyncset.done $0x0  }
0x61: {  	[sflag:s0] =	ssyncadd.s32 $0xFFFFE000  }
0x62: {  	[spmem:s22] =	stream.linear.scatter [tilespmem:s31], [sflag:$0xB], $0x2000, $0x38;
	[tilespmem:$0x1F000] =	vst v63  }
0x63: {  	_ =	swait.ge [sflag:s0], $0x2000  }
0x64: {  	s28 =	smov.u32 s23;
	s23 =	sld [smem:$0x7F8]  }
0x65: {  	[sflag:s0] =	ssyncset.done $0x0  }
0x66: {  	[sflag:s0] =	ssyncadd.s32 $0xFFFFE000  }
0x67: {  	[spmem:s23] =	stream.linear.scatter [tilespmem:s31], [sflag:$0xB], $0x2000, $0x38;
	[tilespmem:$0x1F000] =	vst v63  }
0x68: {  	_ =	swait.ge [sflag:s0], $0x2000  }
0x69: {  	s25 =	sld [smem:$0x7F9]  }
0x6a: {  	[sflag:s0] =	ssyncset.done $0x0  }
0x6b: {  	[sflag:s0] =	ssyncadd.s32 $0xFFFFE000  }
0x6c: {  	[spmem:s25] =	stream.linear.scatter [tilespmem:s31], [sflag:$0xB], $0x2000, $0x38;
	[tilespmem:$0x1F000] =	vst v63  }
0x6d: {  	_ =	swait.ge [sflag:s0], $0x2000  }
0x6e: {  	s21 =	sld [smem:$0x7FA]  }
0x6f: {  	[sflag:s0] =	ssyncset.done $0x0  }
0x70: {  	[sflag:s0] =	ssyncadd.s32 $0xFFFFE000  }
0x71: {  	[spmem:s21] =	stream.linear.scatter [tilespmem:s31], [sflag:$0xB], $0x2000, $0x38;
	[tilespmem:$0x1F000] =	vst v63  }
0x72: {  	_ =	swait.ge [sflag:s0], $0x2000  }
0x73: {  	s22 =	sld [smem:$0x7FB]  }
0x74: {  	[sflag:s0] =	ssyncset.done $0x0  }
0x75: {  	[sflag:s0] =	ssyncadd.s32 $0xFFFFE000  }
0x76: {  	[spmem:s22] =	stream.linear.scatter [tilespmem:s31], [sflag:$0xB], $0x2000, $0x38;
	[tilespmem:$0x1F000] =	vst v63  }
0x77: {  	_ =	swait.ge [sflag:s0], $0x2000  }
0x78: {  	[sflag:s0] =	ssyncset.done $0x0  }
0x79: {  	[sflag:s0] =	ssyncadd.s32 $0xFFFFE000  }
0x7a: {  	[bflag:$0x0] =	sbarrier.arrive $0xFFFF  }
0x7b: {  	s20 =	simm.s32 $0x0;
	s23 =	simm.s32 $0xA0000;
	s21 =	rddreg [dreg:$0x11]  }
0x7c: {  	[tilespmem:s20], [sflag:$0xB] =	stream.strided.gather [hbm4b:s21+s4], $0x400, s23, s4, $0x38;
	[tilespmem:$0x1F000] =	vst v63  }
0x7d: {  	_ =	swait.ge [sflag:s0], $0x400  }
0x7e: {  	s25 =	sld [smem:$0x7FD]  }
0x7f: {  	[sflag:s0] =	ssyncset.done $0x0  }
0x80: {  	[sflag:s0] =	ssyncadd.s32 $0xFFFFFC00  }
0x81: {  	[tilespmem:s6], [sflag:$0xA] =	stream.strided.gather [hbm4b:s25+s4], $0x400, s23, s4, $0x38;
	[tilespmem:$0x1F000] =	vst v63  }
0x82: {  	_ = 	snop  }
0x83: {  	[tilespmem:s31], [sflag:$0x1] =	stream.indirect.gather [hbm4b:s1+s8], $0x80, s20, s8, $0xb8;
	[tilespmem:$0x1F000] =	vst v63  }
0x84: {  	_ = 	snop  }
0x85: {  	[tilespmem:s10], [sflag:$0x2] =	stream.indirect.gather [hbm4b:s1+s8], $0x80, s24, s8, $0xb8;
	[tilespmem:$0x1F000] =	vst v63  }
.LBB2_6:
0x86: {  	s21 =	rddreg [dreg:$0x5]  }
0x87: {  	[tilespmem:s11], [sflag:$0x3] =	stream.indirect.gather [hbm4b:s1+s8], $0x80, s21, s8, $0xb8;
	[tilespmem:$0x1F000] =	vst v63  }
0x88: {  	_ =	swait.ge [sflag:s12], $0x2000  }
0x89: {  	p0 =	seq.s32 s20, $0x0;
	[sflag:s12] =	ssyncset.done $0x0  }
0x8a: {  	s21 =	simm.s32 @!p0 $0x8;
	[sflag:s12] =	ssyncadd.s32 $0xFFFFE000  }
0x8b: {  	s22 =	sadd.s32 @!p0 s20, s7;
	_ =	swait.ge @!p0 [sflag:s21], $0x2000  }
0x8c: {  	s23 =	simm.s32 @!p0 $0xA0000;
	s24 =	simm.s32 @!p0 $0x400;
	[sflag:s21] =	ssyncset.done @!p0 $0x0  }
0x8d: {  	[sflag:s21] =	ssyncadd.s32 @!p0 $0xFFFFE000;
	s21 =	sadd.s32 @!p0 $0x40, s22;
	s22 =	simm.s32 @!p0 $0x200  }
0x8e: {  	[tilespmem:s24], [sflag:$0xA] =	stream.strided.gather @!p0 [hbm4b:s21+s22], $0x400, s23, s22, $0x38;
	[tilespmem:$0x1F000] =	vst v63  }
0x8f: {  	_ = 	snop  }
0x90: {  	[spmem:s2] =	stream.indirect.scatter.add.f32 [tilespmem:s31], [sflag:$0x5], $0x80, s4, s8, $0xb8;
	[tilespmem:$0x1F000] =	vst v63  }
0x91: {  	v2 =	vld [tilespmem:$0x200];
	_ =	sdelay $0x7  }
0x92: {  	[tilespmem:v2+s13+$0x0] =	vst.idx.add.f32.msk $0xffff, v1  }
0x93: {  	v2 =	vld [tilespmem:$0x210];
	_ =	sdelay $0x7  }
0x94: {  	[tilespmem:v2+s13+$0x0] =	vst.idx.add.f32.msk $0xffff, v1  }
0x95: {  	v2 =	vld [tilespmem:$0x220];
	_ =	sdelay $0x7  }
0x96: {  	[tilespmem:v2+s13+$0x0] =	vst.idx.add.f32.msk $0xffff, v1  }
0x97: {  	v2 =	vld [tilespmem:$0x230];
	_ =	sdelay $0x7  }
0x98: {  	s24 =	rddreg [dreg:$0x6];
	[tilespmem:v2+s13+$0x0] =	vst.idx.add.f32.msk $0xffff, v1  }
0x99: {  	[tilespmem:s14], [sflag:$0x4] =	stream.indirect.gather [hbm4b:s1+s8], $0x80, s24, s8, $0xb8;
	[tilespmem:$0x1F000] =	vst v63  }
0x9a: {  	_ =	swait.ge [sflag:s15], $0x2000  }
0x9b: {  	[sflag:s15] =	ssyncset.done $0x0  }
0x9c: {  	[sflag:s15] =	ssyncadd.s32 $0xFFFFE000  }
0x9d: {  	_ =	swait.ge [sflag:s16], $0x2000  }
0x9e: {  	[sflag:s16] =	ssyncset.done $0x0  }
0x9f: {  	s25 =	rddreg [dreg:$0x7];
	[sflag:s16] =	ssyncadd.s32 $0xFFFFE000  }
0xa0: {  	[spmem:s2] =	stream.indirect.scatter.add.f32 [tilespmem:s10], [sflag:$0x6], $0x80, s25, s8, $0xb8;
	[tilespmem:$0x1F000] =	vst v63  }
0xa1: {  	v2 =	vld [tilespmem:$0x280];
	_ =	sdelay $0x7  }
0xa2: {  	[tilespmem:v2+s13+$0x0] =	vst.idx.add.f32.msk $0xffff, v1  }
0xa3: {  	v2 =	vld [tilespmem:$0x290];
	_ =	sdelay $0x7  }
0xa4: {  	[tilespmem:v2+s13+$0x0] =	vst.idx.add.f32.msk $0xffff, v1  }
0xa5: {  	v2 =	vld [tilespmem:$0x2A0];
	_ =	sdelay $0x7  }
0xa6: {  	[tilespmem:v2+s13+$0x0] =	vst.idx.add.f32.msk $0xffff, v1  }
0xa7: {  	v2 =	vld [tilespmem:$0x2B0];
	_ =	sdelay $0x7  }
0xa8: {  	[tilespmem:v2+s13+$0x0] =	vst.idx.add.f32.msk $0xffff, v1  }
0xa9: {  	_ =	swait.ge [sflag:s17], $0x400  }
0xaa: {  	[sflag:s17] =	ssyncset.done $0x0  }
0xab: {  	[sflag:s17] =	ssyncadd.s32 $0xFFFFFC00  }
0xac: {  	[tilespmem:s31], [sflag:$0x1] =	stream.indirect.gather [hbm4b:s1+s8], $0x80, s6, s8, $0xb8;
	[tilespmem:$0x1F000] =	vst v63  }
0xad: {  	_ =	swait.ge [sflag:s5], $0x2000  }
0xae: {  	[sflag:s5] =	ssyncset.done $0x0  }
0xaf: {  	[sflag:s5] =	ssyncadd.s32 $0xFFFFE000  }
0xb0: {  	_ =	swait.ge [sflag:s29], $0x2000  }
0xb1: {  	[sflag:s29] =	ssyncset.done $0x0  }
0xb2: {  	s22 =	rddreg [dreg:$0x8];
	[sflag:s29] =	ssyncadd.s32 $0xFFFFE000  }
0xb3: {  	[spmem:s2] =	stream.indirect.scatter.add.f32 [tilespmem:s11], [sflag:$0x7], $0x80, s22, s8, $0xb8;
	[tilespmem:$0x1F000] =	vst v63  }
0xb4: {  	v2 =	vld [tilespmem:$0x300];
	_ =	sdelay $0x7  }
0xb5: {  	[tilespmem:v2+s13+$0x0] =	vst.idx.add.f32.msk $0xffff, v1  }
0xb6: {  	v2 =	vld [tilespmem:$0x310];
	_ =	sdelay $0x7  }
0xb7: {  	[tilespmem:v2+s13+$0x0] =	vst.idx.add.f32.msk $0xffff, v1  }
0xb8: {  	v2 =	vld [tilespmem:$0x320];
	_ =	sdelay $0x7  }
0xb9: {  	[tilespmem:v2+s13+$0x0] =	vst.idx.add.f32.msk $0xffff, v1  }
0xba: {  	v2 =	vld [tilespmem:$0x330];
	_ =	sdelay $0x7  }
0xbb: {  	s23 =	rddreg [dreg:$0x9];
	[tilespmem:v2+s13+$0x0] =	vst.idx.add.f32.msk $0xffff, v1  }
0xbc: {  	[tilespmem:s10], [sflag:$0x2] =	stream.indirect.gather [hbm4b:s1+s8], $0x80, s23, s8, $0xb8;
	[tilespmem:$0x1F000] =	vst v63  }
0xbd: {  	_ =	swait.ge [sflag:s30], $0x2000  }
0xbe: {  	[sflag:s30] =	ssyncset.done $0x0  }
0xbf: {  	[sflag:s30] =	ssyncadd.s32 $0xFFFFE000  }
0xc0: {  	_ =	swait.ge [sflag:s9], $0x2000  }
0xc1: {  	[sflag:s9] =	ssyncset.done $0x0  }
0xc2: {  	s24 =	rddreg [dreg:$0xa];
	[sflag:s9] =	ssyncadd.s32 $0xFFFFE000  }
0xc3: {  	[spmem:s2] =	stream.indirect.scatter.add.f32 [tilespmem:s14], [sflag:$0x8], $0x80, s24, s8, $0xb8;
	[tilespmem:$0x1F000] =	vst v63  }
0xc4: {  	v2 =	vld [tilespmem:$0x380];
	_ =	sdelay $0x7  }
0xc5: {  	[tilespmem:v2+s13+$0x0] =	vst.idx.add.f32.msk $0xffff, v1  }
0xc6: {  	v2 =	vld [tilespmem:$0x390];
	_ =	sdelay $0x7  }
0xc7: {  	[tilespmem:v2+s13+$0x0] =	vst.idx.add.f32.msk $0xffff, v1  }
0xc8: {  	v2 =	vld [tilespmem:$0x3A0];
	_ =	sdelay $0x7  }
0xc9: {  	[tilespmem:v2+s13+$0x0] =	vst.idx.add.f32.msk $0xffff, v1  }
0xca: {  	v2 =	vld [tilespmem:$0x3B0];
	_ =	sdelay $0x7  }
0xcb: {  	s25 =	rddreg [dreg:$0xb];
	[tilespmem:v2+s13+$0x0] =	vst.idx.add.f32.msk $0xffff, v1  }
0xcc: {  	[tilespmem:s11], [sflag:$0x3] =	stream.indirect.gather [hbm4b:s1+s8], $0x80, s25, s8, $0xb8;
	[tilespmem:$0x1F000] =	vst v63  }
0xcd: {  	_ =	swait.ge [sflag:s12], $0x2000  }
0xce: {  	[sflag:s12] =	ssyncset.done $0x0  }
0xcf: {  	p0 =	seq.s32 s20, $0x980;
	[sflag:s12] =	ssyncadd.s32 $0xFFFFE000  }
0xd0: {  	s21 =	sadd.s32 @!p0 s20, s7;
	_ =	swait.ge [sflag:s18], $0x2000  }
0xd1: {  	s21 =	sadd.s32 @!p0 $0x80, s21;
	s22 =	simm.s32 @!p0 $0x200;
	[sflag:s18] =	ssyncset.done $0x0  }
0xd2: {  	s23 =	simm.s32 @!p0 $0xA0000;
	s24 =	simm.s32 @!p0 $0x0;
	[sflag:s18] =	ssyncadd.s32 $0xFFFFE000  }
0xd3: {  	[tilespmem:s24], [sflag:$0x9] =	stream.strided.gather @!p0 [hbm4b:s21+s22], $0x400, s23, s22, $0x38;
	[tilespmem:$0x1F000] =	vst v63  }
0xd4: {  	s25 =	rddreg [dreg:$0xc]  }
0xd5: {  	[spmem:s2] =	stream.indirect.scatter.add.f32 [tilespmem:s31], [sflag:$0x5], $0x80, s25, s8, $0xb8;
	[tilespmem:$0x1F000] =	vst v63  }
0xd6: {  	v2 =	vld [tilespmem:$0x600];
	_ =	sdelay $0x7  }
0xd7: {  	[tilespmem:v2+s13+$0x0] =	vst.idx.add.f32.msk $0xffff, v1  }
0xd8: {  	v2 =	vld [tilespmem:$0x610];
	_ =	sdelay $0x7  }
0xd9: {  	[tilespmem:v2+s13+$0x0] =	vst.idx.add.f32.msk $0xffff, v1  }
0xda: {  	v2 =	vld [tilespmem:$0x620];
	_ =	sdelay $0x7  }
0xdb: {  	[tilespmem:v2+s13+$0x0] =	vst.idx.add.f32.msk $0xffff, v1  }
0xdc: {  	v2 =	vld [tilespmem:$0x630];
	_ =	sdelay $0x7  }
0xdd: {  	s22 =	rddreg [dreg:$0xd];
	[tilespmem:v2+s13+$0x0] =	vst.idx.add.f32.msk $0xffff, v1  }
0xde: {  	[tilespmem:s14], [sflag:$0x4] =	stream.indirect.gather [hbm4b:s1+s8], $0x80, s22, s8, $0xb8;
	[tilespmem:$0x1F000] =	vst v63  }
0xdf: {  	_ =	swait.ge [sflag:s15], $0x2000  }
0xe0: {  	[sflag:s15] =	ssyncset.done $0x0  }
0xe1: {  	[sflag:s15] =	ssyncadd.s32 $0xFFFFE000  }
0xe2: {  	_ =	swait.ge [sflag:s16], $0x2000  }
0xe3: {  	[sflag:s16] =	ssyncset.done $0x0  }
0xe4: {  	s23 =	rddreg [dreg:$0xe];
	[sflag:s16] =	ssyncadd.s32 $0xFFFFE000  }
0xe5: {  	[spmem:s2] =	stream.indirect.scatter.add.f32 [tilespmem:s10], [sflag:$0x6], $0x80, s23, s8, $0xb8;
	[tilespmem:$0x1F000] =	vst v63  }
0xe6: {  	v2 =	vld [tilespmem:$0x680];
	_ =	sdelay $0x7  }
0xe7: {  	[tilespmem:v2+s13+$0x0] =	vst.idx.add.f32.msk $0xffff, v1  }
0xe8: {  	v2 =	vld [tilespmem:$0x690];
	_ =	sdelay $0x7  }
0xe9: {  	[tilespmem:v2+s13+$0x0] =	vst.idx.add.f32.msk $0xffff, v1  }
0xea: {  	v2 =	vld [tilespmem:$0x6A0];
	_ =	sdelay $0x7  }
0xeb: {  	[tilespmem:v2+s13+$0x0] =	vst.idx.add.f32.msk $0xffff, v1  }
0xec: {  	v2 =	vld [tilespmem:$0x6B0];
	_ =	sdelay $0x7  }
0xed: {  	s21 =	simm.s32 @!p0 $0x9;
	[tilespmem:v2+s13+$0x0] =	vst.idx.add.f32.msk $0xffff, v1  }
0xee: {  	_ =	swait.ge @!p0 [sflag:s21], $0x400  }
0xef: {  	[sflag:s21] =	ssyncset.done @!p0 $0x0  }
0xf0: {  	s22 =	simm.s32 @!p0 $0x800;
	[sflag:s21] =	ssyncadd.s32 @!p0 $0xFFFFFC00;
	s21 =	simm.s32 @!p0 $0x40  }
0xf1: {  	[tilespmem:s22], [sflag:$0x1] =	stream.indirect.gather @!p0 [hbm4b:s1+s21], $0x80, s24, s21, $0xb8;
	[tilespmem:$0x1F000] =	vst v63  }
0xf2: {  	_ =	swait.ge [sflag:s5], $0x2000  }
0xf3: {  	[sflag:s5] =	ssyncset.done $0x0  }
0xf4: {  	[sflag:s5] =	ssyncadd.s32 $0xFFFFE000  }
0xf5: {  	_ =	swait.ge [sflag:s29], $0x2000  }
0xf6: {  	[sflag:s29] =	ssyncset.done $0x0  }
0xf7: {  	s24 =	rddreg [dreg:$0xf];
	[sflag:s29] =	ssyncadd.s32 $0xFFFFE000  }
0xf8: {  	[spmem:s2] =	stream.indirect.scatter.add.f32 [tilespmem:s11], [sflag:$0x7], $0x80, s24, s8, $0xb8;
	[tilespmem:$0x1F000] =	vst v63  }
0xf9: {  	v2 =	vld [tilespmem:$0x700];
	_ =	sdelay $0x7  }
0xfa: {  	[tilespmem:v2+s13+$0x0] =	vst.idx.add.f32.msk $0xffff, v1  }
0xfb: {  	v2 =	vld [tilespmem:$0x710];
	_ =	sdelay $0x7  }
0xfc: {  	[tilespmem:v2+s13+$0x0] =	vst.idx.add.f32.msk $0xffff, v1  }
0xfd: {  	v2 =	vld [tilespmem:$0x720];
	_ =	sdelay $0x7  }
0xfe: {  	[tilespmem:v2+s13+$0x0] =	vst.idx.add.f32.msk $0xffff, v1  }
0xff: {  	v2 =	vld [tilespmem:$0x730];
	_ =	sdelay $0x7  }
0x100: {  	s23 =	simm.s32 @!p0 $0x2800;
	s22 =	simm.s32 @!p0 $0x80;
	[tilespmem:v2+s13+$0x0] =	vst.idx.add.f32.msk $0xffff, v1  }
0x101: {  	[tilespmem:s23], [sflag:$0x2] =	stream.indirect.gather @!p0 [hbm4b:s1+s21], $0x80, s22, s21, $0xb8;
	[tilespmem:$0x1F000] =	vst v63  }
0x102: {  	_ =	swait.ge [sflag:s30], $0x2000  }
0x103: {  	[sflag:s30] =	ssyncset.done $0x0  }
0x104: {  	[sflag:s30] =	ssyncadd.s32 $0xFFFFE000  }
0x105: {  	_ =	swait.ge [sflag:s9], $0x2000  }
0x106: {  	[sflag:s9] =	ssyncset.done $0x0  }
0x107: {  	s25 =	rddreg [dreg:$0x10];
	[sflag:s9] =	ssyncadd.s32 $0xFFFFE000  }
0x108: {  	[spmem:s2] =	stream.indirect.scatter.add.f32 [tilespmem:s14], [sflag:$0x8], $0x80, s25, s8, $0xb8;
	[tilespmem:$0x1F000] =	vst v63  }
0x109: {  	v2 =	vld [tilespmem:$0x780];
	_ =	sdelay $0x7  }
0x10a: {  	[tilespmem:v2+s13+$0x0] =	vst.idx.add.f32.msk $0xffff, v1  }
0x10b: {  	v2 =	vld [tilespmem:$0x790];
	_ =	sdelay $0x7  }
0x10c: {  	[tilespmem:v2+s13+$0x0] =	vst.idx.add.f32.msk $0xffff, v1  }
0x10d: {  	v2 =	vld [tilespmem:$0x7A0];
	_ =	sdelay $0x7  }
0x10e: {  	[tilespmem:v2+s13+$0x0] =	vst.idx.add.f32.msk $0xffff, v1  }
0x10f: {  	v2 =	vld [tilespmem:$0x7B0];
	_ =	sdelay $0x1  }
0x110: {  	s20 =	sadd.s32 $0x80, s20  }
0x111: {  	p0 =	sne.s32 s20, $0xA00  }
.Ltmp2:
0x112: {  	_ = 	snop;
	(pc) =	sbr.rel @p0 .LBB2_6-.Ltmp2, $2  }
0x113: {  	_ =	sdelay $0x2  }
0x114: {  	[tilespmem:v2+s13+$0x0] =	vst.idx.add.f32.msk $0xffff, v1  }
0x115: {  	_ =	swait.ge [sflag:s18], $0x2000  }
0x116: {  	[sflag:s18] =	ssyncset.done $0x0  }
0x117: {  	[sflag:s18] =	ssyncadd.s32 $0xFFFFE000  }
0x118: {  	[bflag:$0x0] =	sbarrier.arrive $0xFFFF  }
0x119: {  	[tilespmem:s31], [sflag:$0xB] =	stream.linear.gather [spmem:s26], $0x2000, $0x38;
	[tilespmem:$0x1F000] =	vst v63  }
0x11a: {  	_ =	swait.ge [sflag:s0], $0x2000  }
0x11b: {  	[sflag:s0] =	ssyncset.done $0x0  }
0x11c: {  	s20 =	rddreg [dreg:$0x13];
	[sflag:s0] =	ssyncadd.s32 $0xFFFFE000  }
0x11d: {  	[hbm4b:s20+s3] =	stream.linear.scatter [tilespmem:s31], [sflag:$0xB], $0x2000, $0x38;
	[tilespmem:$0x1F000] =	vst v63  }
0x11e: {  	_ =	swait.ge [sflag:s0], $0x2000  }
0x11f: {  	[sflag:s0] =	ssyncset.done $0x0  }
0x120: {  	[sflag:s0] =	ssyncadd.s32 $0xFFFFE000  }
0x121: {  	[tilespmem:s31], [sflag:$0xB] =	stream.linear.gather [spmem:s28], $0x2000, $0x38;
	[tilespmem:$0x1F000] =	vst v63  }
0x122: {  	_ =	swait.ge [sflag:s0], $0x2000  }
0x123: {  	[sflag:s0] =	ssyncset.done $0x0  }
0x124: {  	s22 =	smov.u32 s26;
	s26 =	rddreg [dreg:$0x14];
	[sflag:s0] =	ssyncadd.s32 $0xFFFFE000  }
0x125: {  	[hbm4b:s26+s3] =	stream.linear.scatter [tilespmem:s31], [sflag:$0xB], $0x2000, $0x38;
	[tilespmem:$0x1F000] =	vst v63  }
0x126: {  	_ =	swait.ge [sflag:s0], $0x2000  }
0x127: {  	[sflag:s0] =	ssyncset.done $0x0  }
0x128: {  	s25 =	rddreg [dreg:$0x1d];
	[sflag:s0] =	ssyncadd.s32 $0xFFFFE000  }
0x129: {  	[tilespmem:s31], [sflag:$0xB] =	stream.linear.gather [spmem:s25], $0x2000, $0x38;
	[tilespmem:$0x1F000] =	vst v63  }
0x12a: {  	_ =	swait.ge [sflag:s0], $0x2000  }
0x12b: {  	[sflag:s0] =	ssyncset.done $0x0  }
0x12c: {  	s23 =	smov.u32 s28;
	s28 =	rddreg [dreg:$0x15];
	[sflag:s0] =	ssyncadd.s32 $0xFFFFE000  }
0x12d: {  	[hbm4b:s28+s3] =	stream.linear.scatter [tilespmem:s31], [sflag:$0xB], $0x2000, $0x38;
	[tilespmem:$0x1F000] =	vst v63  }
0x12e: {  	_ =	swait.ge [sflag:s0], $0x2000  }
0x12f: {  	[sflag:s0] =	ssyncset.done $0x0  }
0x130: {  	s21 =	rddreg [dreg:$0x1e];
	[sflag:s0] =	ssyncadd.s32 $0xFFFFE000  }
0x131: {  	[tilespmem:s31], [sflag:$0xB] =	stream.linear.gather [spmem:s21], $0x2000, $0x38;
	[tilespmem:$0x1F000] =	vst v63  }
0x132: {  	_ =	swait.ge [sflag:s0], $0x2000  }
0x133: {  	[sflag:s0] =	ssyncset.done $0x0  }
0x134: {  	s24 =	rddreg [dreg:$0x16];
	[sflag:s0] =	ssyncadd.s32 $0xFFFFE000  }
0x135: {  	[hbm4b:s24+s3] =	stream.linear.scatter [tilespmem:s31], [sflag:$0xB], $0x2000, $0x38;
	[tilespmem:$0x1F000] =	vst v63  }
0x136: {  	_ =	swait.ge [sflag:s0], $0x2000  }
0x137: {  	[sflag:s0] =	ssyncset.done $0x0  }
0x138: {  	s26 =	rddreg [dreg:$0x1f];
	[sflag:s0] =	ssyncadd.s32 $0xFFFFE000  }
0x139: {  	[tilespmem:s31], [sflag:$0xB] =	stream.linear.gather [spmem:s26], $0x2000, $0x38;
	[tilespmem:$0x1F000] =	vst v63  }
0x13a: {  	_ =	swait.ge [sflag:s0], $0x2000  }
0x13b: {  	[sflag:s0] =	ssyncset.done $0x0  }
0x13c: {  	s28 =	rddreg [dreg:$0x17];
	[sflag:s0] =	ssyncadd.s32 $0xFFFFE000  }
0x13d: {  	[hbm4b:s28+s3] =	stream.linear.scatter [tilespmem:s31], [sflag:$0xB], $0x2000, $0x38;
	[tilespmem:$0x1F000] =	vst v63  }
0x13e: {  	_ =	swait.ge [sflag:s0], $0x2000  }
0x13f: {  	s21 =	sld [smem:$0x7F7]  }
0x140: {  	[sflag:s0] =	ssyncset.done $0x0  }
0x141: {  	[sflag:s0] =	ssyncadd.s32 $0xFFFFE000  }
0x142: {  	[tilespmem:s31], [sflag:$0xB] =	stream.linear.gather [spmem:s21], $0x2000, $0x38;
	[tilespmem:$0x1F000] =	vst v63  }
0x143: {  	_ =	swait.ge [sflag:s0], $0x2000  }
0x144: {  	[sflag:s0] =	ssyncset.done $0x0  }
0x145: {  	s24 =	rddreg [dreg:$0x18];
	[sflag:s0] =	ssyncadd.s32 $0xFFFFE000  }
0x146: {  	[hbm4b:s24+s3] =	stream.linear.scatter [tilespmem:s31], [sflag:$0xB], $0x2000, $0x38;
	[tilespmem:$0x1F000] =	vst v63  }
0x147: {  	_ =	swait.ge [sflag:s0], $0x2000  }
0x148: {  	s26 =	sld [smem:$0x7F8]  }
0x149: {  	[sflag:s0] =	ssyncset.done $0x0  }
0x14a: {  	[sflag:s0] =	ssyncadd.s32 $0xFFFFE000  }
0x14b: {  	[tilespmem:s31], [sflag:$0xB] =	stream.linear.gather [spmem:s26], $0x2000, $0x38;
	[tilespmem:$0x1F000] =	vst v63  }
0x14c: {  	_ =	swait.ge [sflag:s0], $0x2000  }
0x14d: {  	[sflag:s0] =	ssyncset.done $0x0  }
0x14e: {  	s28 =	rddreg [dreg:$0x19];
	[sflag:s0] =	ssyncadd.s32 $0xFFFFE000  }
0x14f: {  	[hbm4b:s28+s3] =	stream.linear.scatter [tilespmem:s31], [sflag:$0xB], $0x2000, $0x38;
	[tilespmem:$0x1F000] =	vst v63  }
0x150: {  	_ =	swait.ge [sflag:s0], $0x2000  }
0x151: {  	s21 =	sld [smem:$0x7F9]  }
0x152: {  	[sflag:s0] =	ssyncset.done $0x0  }
0x153: {  	[sflag:s0] =	ssyncadd.s32 $0xFFFFE000  }
0x154: {  	[tilespmem:s31], [sflag:$0xB] =	stream.linear.gather [spmem:s21], $0x2000, $0x38;
	[tilespmem:$0x1F000] =	vst v63  }
0x155: {  	_ =	swait.ge [sflag:s0], $0x2000  }
0x156: {  	[sflag:s0] =	ssyncset.done $0x0  }
0x157: {  	s24 =	rddreg [dreg:$0x1a];
	[sflag:s0] =	ssyncadd.s32 $0xFFFFE000  }
0x158: {  	[hbm4b:s24+s3] =	stream.linear.scatter [tilespmem:s31], [sflag:$0xB], $0x2000, $0x38;
	[tilespmem:$0x1F000] =	vst v63  }
0x159: {  	_ =	swait.ge [sflag:s0], $0x2000  }
0x15a: {  	s26 =	sld [smem:$0x7FA]  }
0x15b: {  	[sflag:s0] =	ssyncset.done $0x0  }
0x15c: {  	[sflag:s0] =	ssyncadd.s32 $0xFFFFE000  }
0x15d: {  	[tilespmem:s31], [sflag:$0xB] =	stream.linear.gather [spmem:s26], $0x2000, $0x38;
	[tilespmem:$0x1F000] =	vst v63  }
0x15e: {  	_ =	swait.ge [sflag:s0], $0x2000  }
0x15f: {  	[sflag:s0] =	ssyncset.done $0x0  }
0x160: {  	s28 =	rddreg [dreg:$0x1b];
	[sflag:s0] =	ssyncadd.s32 $0xFFFFE000  }
0x161: {  	[hbm4b:s28+s3] =	stream.linear.scatter [tilespmem:s31], [sflag:$0xB], $0x2000, $0x38;
	[tilespmem:$0x1F000] =	vst v63  }
0x162: {  	_ =	swait.ge [sflag:s0], $0x2000  }
0x163: {  	s21 =	sld [smem:$0x7FB]  }
0x164: {  	[sflag:s0] =	ssyncset.done $0x0  }
0x165: {  	[sflag:s0] =	ssyncadd.s32 $0xFFFFE000  }
0x166: {  	[tilespmem:s31], [sflag:$0xB] =	stream.linear.gather [spmem:s21], $0x2000, $0x38;
	[tilespmem:$0x1F000] =	vst v63  }
0x167: {  	_ =	swait.ge [sflag:s0], $0x2000  }
0x168: {  	[sflag:s0] =	ssyncset.done $0x0  }
0x169: {  	s24 =	rddreg [dreg:$0x1c];
	[sflag:s0] =	ssyncadd.s32 $0xFFFFE000  }
0x16a: {  	[hbm4b:s24+s3] =	stream.linear.scatter [tilespmem:s31], [sflag:$0xB], $0x2000, $0x38;
	[tilespmem:$0x1F000] =	vst v63  }
0x16b: {  	_ =	swait.ge [sflag:s0], $0x2000  }
0x16c: {  	[sflag:s0] =	ssyncset.done $0x0  }
0x16d: {  	s24 =	simm.s32 $0x80;
	s26 =	rddreg [dreg:$0x12];
	[sflag:s0] =	ssyncadd.s32 $0xFFFFE000  }
0x16e: {  	[hbm4b:s26+s24] =	stream.strided.scatter [tilespmem:s13], [sflag:$0xB], $0x2800, s6, s24, $0x38;
	[tilespmem:$0x1F000] =	vst v63  }
0x16f: {  	_ =	swait.ge [sflag:s0], $0x2800  }
0x170: {  	s28 =	sld [smem:$0x7FC];
	_ =	sdelay $0x1  }
0x171: {  	s19 =	sadd.s32 $0x1, s19  }
0x172: {  	p0 =	sne.s32 s19, s28  }
.Ltmp3:
0x173: {  	_ = 	snop;
	(pc) =	sbr.rel @p0 .LBB2_1-.Ltmp3, $3  }
0x174: {  	_ =	sdelay $0x1  }
0x175: {  	[sflag:s0] =	ssyncset.done $0x0  }
0x176: {  	[sflag:s0] =	ssyncadd.s32 $0xFFFFD800  }
0x177: {  	_ =	sfence.sel $0x180000  }
0x178: {  	[bflag:$0x0] =	sbarrier.arrive $0xFFFF  }
0x179: {  	_ =	strace $0x90000047  }
0x17a: {  	s0 =	stileid.u32;
	[bflag:$0x2] =	sbarrier.arrive $0xFFFF  }
0x17b: {  	p0 =	sne.s32 s0, $0x0;
	s0 =	rddreg [dreg:$0x4]  }
0x17c: {  	s0 =	sadd.s32 @!p0 $0x100000, s0  }
0x17d: {  	[sflag:s0] =	ssyncadd.tile.s32 @!p0 $0x1;
	_ =	shalt  }
.Lfunc_end2:
_tile_overlayer_lowered:
.L_overlay_start_2:
0x17e: {  	(tag) =	ssettag $0x2  }
0x17f: {  	s0 =	rddreg [dreg:$0x0];
	s2 =	stileid.u32  }
0x180: {  	s1 =	rddreg [dreg:$0x1];
	p0 =	sne.s32 s2, $0x0  }
0x181: {  	s3 =	rddreg [dreg:$0x2];
	[bflag:$0x3] =	sbarrier.arrive $0xFFFF;
	s2 =	simm.s32 @!p0 $0x1C0B  }
0x182: {  	[timem:s3], [sflag:s2] =	dma.local @!p0 [hbm:s0], s1  }
0x183: {  	s0 =	simm.s32 @!p0 $0xB  }
0x184: {  	_ =	swait.ge @!p0 [sflag:s0], s1  }
0x185: {  	s1 =	ssub.s32 @!p0 $0x0, s1;
	[sflag:s0] =	ssyncset.done @!p0 $0x0  }
0x186: {  	[sflag:s0] =	ssyncadd.s32 @!p0 s1  }
0x187: {  	[bflag:$0x3] =	sbarrier.arrive $0xFFFF  }
0x188: {  	_ =	shalt  }

</sc_bundles>
